<compile_context>
chip_gen: v7x
topology: tpu7x:2x2x1
jax: 0.10.2.dev20260603
libtpu: 0.0.44.dev20260713+nightly
codegen_flags: <defaults>
</compile_context>

<pallas_src>
import functools

import jax
import jax.numpy as jnp
from jax import lax
from jax.experimental import pallas as pl
from jax.experimental.pallas import tpu as pltpu
from jax.experimental.pallas import tpu_sc as plsc

_B, _N, _DC, _DQ, _H, _DZ, _K = 64, 2048, 256, 256, 256, 512, 50
_BETA = 0.001
_KP = 64
_NSC = 32
_RPW = _B // _NSC
_NEG = float("-inf")


def _scorer_body(q_ref, c_ref, w1c_ref, w1q_ref, b1_ref, w2_ref, out_ref):
    qc = jnp.dot(q_ref[0], w1q_ref[...], preferred_element_type=jnp.float32)
    h = jnp.dot(c_ref[0], w1c_ref[...], preferred_element_type=jnp.float32)
    h = jnp.maximum(h + qc + b1_ref[...], 0.0)
    lg = jnp.dot(w2_ref[...], h.T, preferred_element_type=jnp.float32)
    out_ref[...] = lg[None]


def _scorer_logits(query_emb, cand_emb, sW1c, sW1q, sb1r, sW2r):
    return pl.pallas_call(
        _scorer_body,
        grid=(_B,),
        in_specs=[
            pl.BlockSpec((1, 1, _DQ), lambda b: (b, 0, 0)),
            pl.BlockSpec((1, _N, _DC), lambda b: (b, 0, 0)),
            pl.BlockSpec((_DC, _H), lambda b: (0, 0)),
            pl.BlockSpec((_DQ, _H), lambda b: (0, 0)),
            pl.BlockSpec((1, _H), lambda b: (0, 0)),
            pl.BlockSpec((1, _H), lambda b: (0, 0)),
        ],
        out_specs=pl.BlockSpec((1, 1, _N), lambda b: (b, 0, 0)),
        out_shape=jax.ShapeDtypeStruct((_B, 1, _N), jnp.float32),
    )(query_emb, cand_emb, sW1c, sW1q, sb1r, sW2r)


def _sc_process_row(b, lg_hbm, sc_hbm, cand_hbm, idx_hbm, val_hbm, raw_hbm,
                    sel_hbm, lg_v, sc_v, gm_v, idx_v, val_v, raw_v, gidx_v,
                    rows_v, sem):
    iota = jnp.arange(16, dtype=jnp.int32)
    lane0 = iota == 0

    pltpu.sync_copy(lg_hbm.at[b], lg_v)
    pltpu.sync_copy(sc_hbm.at[b], sc_v)

    z16i = jnp.zeros((16,), jnp.int32)
    z16f = jnp.zeros((16,), jnp.float32)
    for t in range(_KP // 16):
        idx_v[pl.ds(t * 16, 16)] = z16i
        val_v[pl.ds(t * 16, 16)] = z16f

    for p in range(16):
        m = jnp.full((16,), _NEG)
        for j in range(8):
            m = jnp.maximum(m, lg_v[pl.ds(p * 128 + j * 16, 16)])
        plsc.store_scatter(gm_v, [jnp.full((16,), p, jnp.int32)],
                           jnp.broadcast_to(jnp.max(m), (16,)), mask=lane0)

    def ext_body(k, carry):
        gmv = gm_v[pl.ds(0, 16)]
        g = jnp.max(gmv)
        pstar = jnp.min(jnp.where(gmv == g, iota, 16))
        base = pstar * 128
        nmin = jnp.full((16,), _N, jnp.int32)
        for j in range(8):
            off = base + j * 16
            v = lg_v[pl.ds(off, 16)]
            nmin = jnp.minimum(nmin, jnp.where(v == g, off + iota, _N))
        nstar = jnp.min(nmin)
        ksp = jnp.full((16,), k, jnp.int32)
        plsc.store_scatter(idx_v, [ksp], jnp.broadcast_to(nstar, (16,)),
                           mask=lane0)
        plsc.store_scatter(val_v, [ksp], jnp.broadcast_to(g, (16,)),
                           mask=lane0)
        plsc.store_scatter(lg_v, [jnp.broadcast_to(nstar, (16,))],
                           jnp.full((16,), _NEG), mask=lane0)
        m = jnp.full((16,), _NEG)
        for j in range(8):
            m = jnp.maximum(m, lg_v[pl.ds(base + j * 16, 16)])
        plsc.store_scatter(gm_v, [jnp.broadcast_to(pstar, (16,))],
                           jnp.broadcast_to(jnp.max(m), (16,)), mask=lane0)
        return carry

    lax.fori_loop(0, _K, ext_body, 0)

    for t in range(_KP // 16):
        idxv = idx_v[pl.ds(t * 16, 16)]
        raw_v[pl.ds(t * 16, 16)] = plsc.load_gather(sc_v, [idxv])
        gidx_v[pl.ds(t * 16, 16)] = idxv + b * _N

    pltpu.async_copy(cand_hbm.at[gidx_v], rows_v, sem).wait()
    pltpu.sync_copy(rows_v, sel_hbm.at[b])
    pltpu.sync_copy(idx_v, idx_hbm.at[b])
    pltpu.sync_copy(val_v, val_hbm.at[b])
    pltpu.sync_copy(raw_v, raw_hbm.at[b])


def _sc_topk_body(lg_hbm, sc_hbm, cand_hbm, idx_hbm, val_hbm, raw_hbm,
                  sel_hbm, lg_v, sc_v, gm_v, idx_v, val_v, raw_v, gidx_v,
                  rows_v, sem):
    wid = lax.axis_index("s") * 2 + lax.axis_index("c")
    for r in range(_RPW):
        b = wid * _RPW + r
        _sc_process_row(b, lg_hbm, sc_hbm, cand_hbm, idx_hbm, val_hbm,
                        raw_hbm, sel_hbm, lg_v, sc_v, gm_v, idx_v, val_v,
                        raw_v, gidx_v, rows_v, sem)


def _sc_topk(logits, cand_score, cand_flat):
    fn = functools.partial(
        pl.kernel,
        out_type=(
            jax.ShapeDtypeStruct((_B, _KP), jnp.int32),
            jax.ShapeDtypeStruct((_B, _KP), jnp.float32),
            jax.ShapeDtypeStruct((_B, _KP), jnp.float32),
            jax.ShapeDtypeStruct((_B, _KP, _DC), jnp.float32),
        ),
        mesh=plsc.VectorSubcoreMesh(core_axis_name="c", subcore_axis_name="s"),
        compiler_params=pltpu.CompilerParams(needs_layout_passes=False),
        scratch_types=[
            pltpu.VMEM((_N,), jnp.float32),
            pltpu.VMEM((_N,), jnp.float32),
            pltpu.VMEM((16,), jnp.float32),
            pltpu.VMEM((_KP,), jnp.int32),
            pltpu.VMEM((_KP,), jnp.float32),
            pltpu.VMEM((_KP,), jnp.float32),
            pltpu.VMEM((_KP,), jnp.int32),
            pltpu.VMEM((_KP, _DC), jnp.float32),
            pltpu.SemaphoreType.DMA,
        ],
    )(_sc_topk_body)
    return fn(logits, cand_score, cand_flat)


_OHB = 8


def _onehot_body(idx_ref, out_ref, out2_ref):
    idx = idx_ref[...]
    oh = (idx == lax.broadcasted_iota(jnp.int32, (_K, _OHB, _N), 2))
    ohf = oh.astype(jnp.float32)
    out_ref[...] = ohf
    out2_ref[...] = ohf


def _onehot(idx_t):
    return pl.pallas_call(
        _onehot_body,
        grid=(_B // _OHB,),
        in_specs=[pl.BlockSpec((_K, _OHB, 1), lambda g: (0, g, 0))],
        out_specs=[
            pl.BlockSpec((_K, _OHB, _N), lambda g: (0, g, 0)),
            pl.BlockSpec((_K, _OHB, _N), lambda g: (0, g, 0)),
        ],
        out_shape=[
            jax.ShapeDtypeStruct((_K, _B, _N), jnp.float32),
            jax.ShapeDtypeStruct((_K, _B, _N), jnp.float32),
        ],
    )(idx_t)


_CB = 8


def _comp_body(s_ref, q_ref, w1c_ref, w1q_ref, b1_ref, w2_ref, b2_ref,
               z_ref, kl_ref):
    s = s_ref[...]
    qcs = jnp.dot(q_ref[:, 0, :], w1q_ref[...],
                  preferred_element_type=jnp.float32)
    qc = jnp.concatenate(
        [jnp.broadcast_to(qcs[i:i + 1], (_KP, 512)) for i in range(_CB)],
        axis=0)
    h = jnp.dot(s, w1c_ref[...], preferred_element_type=jnp.float32)
    h = jnp.maximum(h + qc + b1_ref[...], 0.0)
    p = jnp.dot(h, w2_ref[...], preferred_element_type=jnp.float32)
    p = p + b2_ref[...]
    tsum = jnp.float32(0.0)
    for i in range(_CB):
        mu = p[i * _KP:i * _KP + _K, :_DZ]
        ls = p[i * _KP:i * _KP + _K, _DZ:]
        z_ref[i] = mu
        std = jnp.exp(jnp.clip(ls, -10.0, 10.0))
        t = mu * mu + std * std - 1.0 - 2.0 * ls
        tsum = tsum + jnp.sum(t)
    kl_ref[...] = jnp.broadcast_to(tsum, (1, 1, 128))


def _compressor(sel_flat, query_emb, eW1c, eW1q, eb1r, eW2, eb2r):
    return pl.pallas_call(
        _comp_body,
        grid=(_B // _CB,),
        in_specs=[
            pl.BlockSpec((_CB * _KP, _DC), lambda g: (g, 0)),
            pl.BlockSpec((_CB, 1, _DQ), lambda g: (g, 0, 0)),
            pl.BlockSpec((_DC, 512), lambda g: (0, 0)),
            pl.BlockSpec((_DQ, 512), lambda g: (0, 0)),
            pl.BlockSpec((1, 512), lambda g: (0, 0)),
            pl.BlockSpec((512, 2 * _DZ), lambda g: (0, 0)),
            pl.BlockSpec((1, 2 * _DZ), lambda g: (0, 0)),
        ],
        out_specs=[
            pl.BlockSpec((_CB, _K, _DZ), lambda g: (g, 0, 0)),
            pl.BlockSpec((1, 1, 128), lambda g: (g, 0, 0)),
        ],
        out_shape=[
            jax.ShapeDtypeStruct((_B, _K, _DZ), jnp.float32),
            jax.ShapeDtypeStruct((_B // _CB, 1, 128), jnp.float32),
        ],
    )(sel_flat, query_emb, eW1c, eW1q, eb1r, eW2, eb2r)


def kernel(query_emb, cand_emb, cand_score, sW1, sb1, sW2, sb2,
           eW1, eb1, eW2, eb2):
    q3 = query_emb.reshape(_B, 1, _DQ)
    logits = _scorer_logits(q3, cand_emb, sW1[:_DC], sW1[_DC:],
                            sb1.reshape(1, _H),
                            sW2.reshape(1, _H)).reshape(_B, _N)

    idxp, valp, rawp, selp = _sc_topk(logits, cand_score,
                                      cand_emb.reshape(_B * _N, _DC))
    selected_score = valp[:, :_K] + sb2[0]
    selected_raw_score = rawp[:, :_K]

    idx_t = idxp[:, :_K].T.reshape(_K, _B, 1)
    sel_t, hard_t = _onehot(idx_t)
    selection = jnp.swapaxes(sel_t, 0, 1)
    hard_selection = jnp.swapaxes(hard_t, 0, 1)

    z, klp = _compressor(selp.reshape(_B * _KP, _DC), q3, eW1[:_DC], eW1[_DC:],
                         eb1.reshape(1, -1), eW2, eb2.reshape(1, -1))
    kl = 0.5 * _BETA * jnp.sum(klp[:, 0, 0]) / (_B * _K)

    return (z, selection, kl, hard_selection, selected_score,
            selected_raw_score)

# --- scband reference (transcript-rebuilt; emitter-appended) ---
"""Pipeline reference for scband-gumbel-ibfilter-64381559767319 (READ-ONLY COPY).

The authoritative reference and input builder live on the scoring server;
editing this copy changes nothing except your own understanding.
"""

import jax, jax.numpy as jnp
import numpy as np

B, N, DC, DQ, H, DZ, K = 64, 2048, 256, 256, 256, 512, 50
BETA = 0.001

def setup_inputs(seed: int = 0) -> dict:
    key = jax.random.key(seed)
    ks = jax.random.split(key, 8)
    s = 0.02
    return {
        "query_emb": jax.random.normal(ks[0], (B, DQ), dtype=jnp.float32),
        "cand_emb": jax.random.normal(ks[1], (B, N, DC), dtype=jnp.float32),
        "cand_score": jax.random.normal(ks[2], (B, N), dtype=jnp.float32),
        "sW1": jax.random.normal(ks[3], (DC + DQ, H), dtype=jnp.float32) * s,
        "sb1": jnp.zeros((H,), dtype=jnp.float32),
        "sW2": jax.random.normal(ks[4], (H, 1), dtype=jnp.float32) * s,
        "sb2": jnp.zeros((1,), dtype=jnp.float32),
        "eW1": jax.random.normal(ks[5], (DC + DQ, 512), dtype=jnp.float32) * s,
        "eb1": jnp.zeros((512,), dtype=jnp.float32),
        "eW2": jax.random.normal(ks[6], (512, DZ * 2), dtype=jnp.float32) * s,
        "eb2": jnp.zeros((DZ * 2,), dtype=jnp.float32),
    }

def reference(query_emb, cand_emb, cand_score, sW1, sb1, sW2, sb2, eW1, eb1, eW2, eb2):
    # eval-mode (deterministic) forward of GumbelIBFilter
    q = jnp.broadcast_to(query_emb[:, None, :], (B, N, DQ))
    scorer_in = jnp.concatenate([cand_emb, q], axis=-1)
    h = jax.nn.relu(scorer_in @ sW1 + sb1)
    logits = (h @ sW2 + sb2)[..., 0]  # [B, N]
    # gumbel_softmax_topk with training=False: plain top-k, hard one-hot selection
    _, topk_idx = jax.lax.top_k(logits, K)  # [B, K]
    hard_selection = jax.nn.one_hot(topk_idx, N, dtype=logits.dtype)  # [B, K, N]
    selection = hard_selection
    selected = jnp.einsum('bkn,bnd->bkd', selection, cand_emb)  # [B, K, DC]
    selected_score = jnp.einsum('bkn,bn->bk', selection, logits)
    selected_raw_score = jnp.einsum('bkn,bn->bk', selection, cand_score)
    # InfoBottleneckCompressor (eval: z = mu)
    qk = jnp.broadcast_to(query_emb[:, None, :], (B, K, DQ))
    enc_in = jnp.concatenate([selected, qk], axis=-1)
    params = jax.nn.relu(enc_in @ eW1 + eb1) @ eW2 + eb2
    mu = params[..., :DZ]
    log_sigma = params[..., DZ:]
    std = jnp.exp(jnp.clip(log_sigma, -10.0, 10.0))
    z = mu
    kl = 0.5 * jnp.mean(jnp.sum(mu ** 2 + std ** 2 - 1.0 - 2.0 * log_sigma, axis=-1))
    return (z, selection, kl * BETA, hard_selection, selected_score, selected_raw_score)

if __name__ == "__main__":
    import jax
    _d = setup_inputs()
    print(jax.jit(kernel)(*tuple(_d.values())))

</pallas_src>

<mosaic_0001>
#map = affine_map<(d0, d1) -> (0, 0)>
#map1 = affine_map<(d0, d1) -> (0, 0, 0)>
module attributes {stable_mosaic.version = 14 : i64} {
  func.func @_sc_topk_body(%arg0: i32, %arg1: i32, %arg2: memref<64x2048xf32, #tpu.memory_space<hbm>>, %arg3: memref<64x2048xf32, #tpu.memory_space<hbm>>, %arg4: memref<131072x256xf32, #tpu.memory_space<hbm>>, %arg5: memref<64x64xi32, #tpu.memory_space<hbm>>, %arg6: memref<64x64xf32, #tpu.memory_space<hbm>>, %arg7: memref<64x64xf32, #tpu.memory_space<hbm>>, %arg8: memref<64x64x256xf32, #tpu.memory_space<hbm>>, %arg9: memref<2048xf32, #tpu.memory_space<vmem>>, %arg10: memref<2048xf32, #tpu.memory_space<vmem>>, %arg11: memref<16xf32, #tpu.memory_space<vmem>>, %arg12: memref<64xi32, #tpu.memory_space<vmem>>, %arg13: memref<64xf32, #tpu.memory_space<vmem>>, %arg14: memref<64xf32, #tpu.memory_space<vmem>>, %arg15: memref<64xi32, #tpu.memory_space<vmem>>, %arg16: memref<64x256xf32, #tpu.memory_space<vmem>>, %arg17: memref<!tpu.dma_semaphore, #tpu.memory_space<semaphore_mem>>) attributes {dimension_semantics = [#tpu.dimension_semantics<core_parallel>, #tpu.dimension_semantics<subcore_parallel>], iteration_bounds = array<i64: 2, 16>, scalar_prefetch = 0 : i64, scratch_operands = 9 : i64, tpu.core_type = #tpu.core_type<sc_vector_subcore>, window_params = [{transform_indices = #map}, {transform_indices = #map}, {transform_indices = #map}, {transform_indices = #map}, {transform_indices = #map}, {transform_indices = #map}, {transform_indices = #map1}]} {
    %mul3A = arith.constant 2 : i32
    %mul3A_0 = arith.muli %arg1, %mul3A : i32
    %add3A = arith.addi %mul3A_0, %arg0 : i32
    %mul3A_1 = arith.constant 2 : i32
    %mul3A_2 = arith.muli %add3A, %mul3A_1 : i32
    %add3A_3 = arith.constant 0 : i32
    %add3A_4 = arith.addi %mul3A_2, %add3A_3 : i32
    %iota3A = tpu.iota {dimensions = array<i32: 0>} : vector<16xi32>
    %eq3A = arith.constant 0 : i32
    %eq3A_5 = vector.broadcast %eq3A : i32 to vector<16xi32>
    %eq3A_6 = arith.cmpi eq, %iota3A, %eq3A_5 : vector<16xi32>
    "tpu.region"() ({
      %run_scoped3A = tpu.sem_alloc : memref<!tpu.dma_semaphore, #tpu.memory_space<semaphore_mem>>
      %dma_start3A_1214 = arith.constant 0 : i32
      %dma_start3A_1215 = tpu.memref_slice %arg2[%add3A_4, %dma_start3A_1214] : memref<64x2048xf32, #tpu.memory_space<hbm>> -> memref<1x2048xf32, #tpu.memory_space<hbm>>
      %dma_start3A_1216 = tpu.memref_squeeze %dma_start3A_1215 : memref<1x2048xf32, #tpu.memory_space<hbm>> -> memref<2048xf32, #tpu.memory_space<hbm>>
      %dma_start3A_1217 = arith.constant 0 : i32
      %dma_start3A_1218 = tpu.memref_slice %arg2[%add3A_4, %dma_start3A_1217] : memref<64x2048xf32, #tpu.memory_space<hbm>> -> memref<1x2048xf32, #tpu.memory_space<hbm>>
      %dma_start3A_1219 = tpu.memref_squeeze %dma_start3A_1218 : memref<1x2048xf32, #tpu.memory_space<hbm>> -> memref<2048xf32, #tpu.memory_space<hbm>>
      tpu.enqueue_dma source(%dma_start3A_1219 : memref<2048xf32, #tpu.memory_space<hbm>>) target(%arg9 : memref<2048xf32, #tpu.memory_space<vmem>>) target_semaphore(%run_scoped3A : memref<!tpu.dma_semaphore, #tpu.memory_space<semaphore_mem>>)
      %dma_wait3A_1220 = arith.constant 0 : i32
      %dma_wait3A_1221 = tpu.memref_slice %arg2[%add3A_4, %dma_wait3A_1220] : memref<64x2048xf32, #tpu.memory_space<hbm>> -> memref<1x2048xf32, #tpu.memory_space<hbm>>
      %dma_wait3A_1222 = tpu.memref_squeeze %dma_wait3A_1221 : memref<1x2048xf32, #tpu.memory_space<hbm>> -> memref<2048xf32, #tpu.memory_space<hbm>>
      %dma_wait3A_1223 = arith.constant 0 : i32
      %dma_wait3A_1224 = tpu.memref_slice %arg2[%add3A_4, %dma_wait3A_1223] : memref<64x2048xf32, #tpu.memory_space<hbm>> -> memref<1x2048xf32, #tpu.memory_space<hbm>>
      %dma_wait3A_1225 = tpu.memref_squeeze %dma_wait3A_1224 : memref<1x2048xf32, #tpu.memory_space<hbm>> -> memref<2048xf32, #tpu.memory_space<hbm>>
      tpu.wait_dma2 semaphore(%run_scoped3A : memref<!tpu.dma_semaphore, #tpu.memory_space<semaphore_mem>>) src(%dma_wait3A_1225 : memref<2048xf32, #tpu.memory_space<hbm>>) dst(%arg9 : memref<2048xf32, #tpu.memory_space<vmem>>)
      tpu.yield
    }) : () -> ()
    "tpu.region"() ({
      %run_scoped3A = tpu.sem_alloc : memref<!tpu.dma_semaphore, #tpu.memory_space<semaphore_mem>>
      %dma_start3A_1214 = arith.constant 0 : i32
      %dma_start3A_1215 = tpu.memref_slice %arg3[%add3A_4, %dma_start3A_1214] : memref<64x2048xf32, #tpu.memory_space<hbm>> -> memref<1x2048xf32, #tpu.memory_space<hbm>>
      %dma_start3A_1216 = tpu.memref_squeeze %dma_start3A_1215 : memref<1x2048xf32, #tpu.memory_space<hbm>> -> memref<2048xf32, #tpu.memory_space<hbm>>
      %dma_start3A_1217 = arith.constant 0 : i32
      %dma_start3A_1218 = tpu.memref_slice %arg3[%add3A_4, %dma_start3A_1217] : memref<64x2048xf32, #tpu.memory_space<hbm>> -> memref<1x2048xf32, #tpu.memory_space<hbm>>
      %dma_start3A_1219 = tpu.memref_squeeze %dma_start3A_1218 : memref<1x2048xf32, #tpu.memory_space<hbm>> -> memref<2048xf32, #tpu.memory_space<hbm>>
      tpu.enqueue_dma source(%dma_start3A_1219 : memref<2048xf32, #tpu.memory_space<hbm>>) target(%arg10 : memref<2048xf32, #tpu.memory_space<vmem>>) target_semaphore(%run_scoped3A : memref<!tpu.dma_semaphore, #tpu.memory_space<semaphore_mem>>)
      %dma_wait3A_1220 = arith.constant 0 : i32
      %dma_wait3A_1221 = tpu.memref_slice %arg3[%add3A_4, %dma_wait3A_1220] : memref<64x2048xf32, #tpu.memory_space<hbm>> -> memref<1x2048xf32, #tpu.memory_space<hbm>>
      %dma_wait3A_1222 = tpu.memref_squeeze %dma_wait3A_1221 : memref<1x2048xf32, #tpu.memory_space<hbm>> -> memref<2048xf32, #tpu.memory_space<hbm>>
      %dma_wait3A_1223 = arith.constant 0 : i32
      %dma_wait3A_1224 = tpu.memref_slice %arg3[%add3A_4, %dma_wait3A_1223] : memref<64x2048xf32, #tpu.memory_space<hbm>> -> memref<1x2048xf32, #tpu.memory_space<hbm>>
      %dma_wait3A_1225 = tpu.memref_squeeze %dma_wait3A_1224 : memref<1x2048xf32, #tpu.memory_space<hbm>> -> memref<2048xf32, #tpu.memory_space<hbm>>
      tpu.wait_dma2 semaphore(%run_scoped3A : memref<!tpu.dma_semaphore, #tpu.memory_space<semaphore_mem>>) src(%dma_wait3A_1225 : memref<2048xf32, #tpu.memory_space<hbm>>) dst(%arg10 : memref<2048xf32, #tpu.memory_space<vmem>>)
      tpu.yield
    }) : () -> ()
    %broadcast_in_dim3A = arith.constant 0 : i32
    %broadcast_in_dim3A_7 = vector.broadcast %broadcast_in_dim3A : i32 to vector<16xi32>
    %broadcast_in_dim3A_8 = arith.constant 0.000000e+00 : f32
    %broadcast_in_dim3A_9 = vector.broadcast %broadcast_in_dim3A_8 : f32 to vector<16xf32>
    %swap3A = arith.constant 0 : index
    %swap3A_10 = tpu.vector_load %arg12[%swap3A] {strides = array<i32>} : memref<64xi32, #tpu.memory_space<vmem>>, vector<16xi32>,
    tpu.vector_store %arg12[%swap3A], %broadcast_in_dim3A_7 {strides = array<i32>} : memref<64xi32, #tpu.memory_space<vmem>>, vector<16xi32>,
    %swap3A_11 = arith.constant 0 : index
    %swap3A_12 = tpu.vector_load %arg13[%swap3A_11] {strides = array<i32>} : memref<64xf32, #tpu.memory_space<vmem>>, vector<16xf32>,
    tpu.vector_store %arg13[%swap3A_11], %broadcast_in_dim3A_9 {strides = array<i32>} : memref<64xf32, #tpu.memory_space<vmem>>, vector<16xf32>,
    %swap3A_13 = arith.constant 16 : index
    %swap3A_14 = tpu.vector_load %arg12[%swap3A_13] {strides = array<i32>} : memref<64xi32, #tpu.memory_space<vmem>>, vector<16xi32>,
    tpu.vector_store %arg12[%swap3A_13], %broadcast_in_dim3A_7 {strides = array<i32>} : memref<64xi32, #tpu.memory_space<vmem>>, vector<16xi32>,
    %swap3A_15 = arith.constant 16 : index
    %swap3A_16 = tpu.vector_load %arg13[%swap3A_15] {strides = array<i32>} : memref<64xf32, #tpu.memory_space<vmem>>, vector<16xf32>,
    tpu.vector_store %arg13[%swap3A_15], %broadcast_in_dim3A_9 {strides = array<i32>} : memref<64xf32, #tpu.memory_space<vmem>>, vector<16xf32>,
    %swap3A_17 = arith.constant 32 : index
    %swap3A_18 = tpu.vector_load %arg12[%swap3A_17] {strides = array<i32>} : memref<64xi32, #tpu.memory_space<vmem>>, vector<16xi32>,
    tpu.vector_store %arg12[%swap3A_17], %broadcast_in_dim3A_7 {strides = array<i32>} : memref<64xi32, #tpu.memory_space<vmem>>, vector<16xi32>,
    %swap3A_19 = arith.constant 32 : index
    %swap3A_20 = tpu.vector_load %arg13[%swap3A_19] {strides = array<i32>} : memref<64xf32, #tpu.memory_space<vmem>>, vector<16xf32>,
    tpu.vector_store %arg13[%swap3A_19], %broadcast_in_dim3A_9 {strides = array<i32>} : memref<64xf32, #tpu.memory_space<vmem>>, vector<16xf32>,
    %swap3A_21 = arith.constant 48 : index
    %swap3A_22 = tpu.vector_load %arg12[%swap3A_21] {strides = array<i32>} : memref<64xi32, #tpu.memory_space<vmem>>, vector<16xi32>,
    tpu.vector_store %arg12[%swap3A_21], %broadcast_in_dim3A_7 {strides = array<i32>} : memref<64xi32, #tpu.memory_space<vmem>>, vector<16xi32>,
    %swap3A_23 = arith.constant 48 : index
    %swap3A_24 = tpu.vector_load %arg13[%swap3A_23] {strides = array<i32>} : memref<64xf32, #tpu.memory_space<vmem>>, vector<16xf32>,
    tpu.vector_store %arg13[%swap3A_23], %broadcast_in_dim3A_9 {strides = array<i32>} : memref<64xf32, #tpu.memory_space<vmem>>, vector<16xf32>,
    %broadcast_in_dim3A_25 = arith.constant 0xFF800000 : f32
    %broadcast_in_dim3A_26 = vector.broadcast %broadcast_in_dim3A_25 : f32 to vector<16xf32>
    %get3A = arith.constant 0 : index
    %get3A_27 = tpu.vector_load %arg9[%get3A] {strides = array<i32>} : memref<2048xf32, #tpu.memory_space<vmem>>, vector<16xf32>,
    %max3A = arith.maximumf %broadcast_in_dim3A_26, %get3A_27 : vector<16xf32>
    %get3A_28 = arith.constant 16 : index
    %get3A_29 = tpu.vector_load %arg9[%get3A_28] {strides = array<i32>} : memref<2048xf32, #tpu.memory_space<vmem>>, vector<16xf32>,
    %max3A_30 = arith.maximumf %max3A, %get3A_29 : vector<16xf32>
    %get3A_31 = arith.constant 32 : index
    %get3A_32 = tpu.vector_load %arg9[%get3A_31] {strides = array<i32>} : memref<2048xf32, #tpu.memory_space<vmem>>, vector<16xf32>,
    %max3A_33 = arith.maximumf %max3A_30, %get3A_32 : vector<16xf32>
    %get3A_34 = arith.constant 48 : index
    %get3A_35 = tpu.vector_load %arg9[%get3A_34] {strides = array<i32>} : memref<2048xf32, #tpu.memory_space<vmem>>, vector<16xf32>,
    %max3A_36 = arith.maximumf %max3A_33, %get3A_35 : vector<16xf32>
    %get3A_37 = arith.constant 64 : index
    %get3A_38 = tpu.vector_load %arg9[%get3A_37] {strides = array<i32>} : memref<2048xf32, #tpu.memory_space<vmem>>, vector<16xf32>,
    %max3A_39 = arith.maximumf %max3A_36, %get3A_38 : vector<16xf32>
    %get3A_40 = arith.constant 80 : index
    %get3A_41 = tpu.vector_load %arg9[%get3A_40] {strides = array<i32>} : memref<2048xf32, #tpu.memory_space<vmem>>, vector<16xf32>,
    %max3A_42 = arith.maximumf %max3A_39, %get3A_41 : vector<16xf32>
    %get3A_43 = arith.constant 96 : index
    %get3A_44 = tpu.vector_load %arg9[%get3A_43] {strides = array<i32>} : memref<2048xf32, #tpu.memory_space<vmem>>, vector<16xf32>,
    %max3A_45 = arith.maximumf %max3A_42, %get3A_44 : vector<16xf32>
    %get3A_46 = arith.constant 112 : index
    %get3A_47 = tpu.vector_load %arg9[%get3A_46] {strides = array<i32>} : memref<2048xf32, #tpu.memory_space<vmem>>, vector<16xf32>,
    %max3A_48 = arith.maximumf %max3A_45, %get3A_47 : vector<16xf32>
    %broadcast_in_dim3A_49 = arith.constant 0 : i32
    %broadcast_in_dim3A_50 = vector.broadcast %broadcast_in_dim3A_49 : i32 to vector<16xi32>
    %reduce_max3A = arith.constant true
    %reduce_max3A_51 = vector.broadcast %reduce_max3A : i1 to vector<16xi1>
    %reduce_max3A_52 = tpu.scan <max>, %max3A_48 masked %reduce_max3A_51 : vector<16xf32>, vector<16xi1> -> vector<16xf32>
    %reduce_max3A_53 = vector.extract %reduce_max3A_52[15] : f32 from vector<16xf32>
    %broadcast_in_dim3A_54 = vector.broadcast %reduce_max3A_53 : f32 to vector<16xf32>
    tpu.vector_store_idx %arg11[%broadcast_in_dim3A_50], %broadcast_in_dim3A_54 masked %eq3A_6 : memref<16xf32, #tpu.memory_space<vmem>>[vector<16xi32>], vector<16xf32>, vector<16xi1>
    %broadcast_in_dim3A_55 = arith.constant 0xFF800000 : f32
    %broadcast_in_dim3A_56 = vector.broadcast %broadcast_in_dim3A_55 : f32 to vector<16xf32>
    %get3A_57 = arith.constant 128 : index
    %get3A_58 = tpu.vector_load %arg9[%get3A_57] {strides = array<i32>} : memref<2048xf32, #tpu.memory_space<vmem>>, vector<16xf32>,
    %max3A_59 = arith.maximumf %broadcast_in_dim3A_56, %get3A_58 : vector<16xf32>
    %get3A_60 = arith.constant 144 : index
    %get3A_61 = tpu.vector_load %arg9[%get3A_60] {strides = array<i32>} : memref<2048xf32, #tpu.memory_space<vmem>>, vector<16xf32>,
    %max3A_62 = arith.maximumf %max3A_59, %get3A_61 : vector<16xf32>
    %get3A_63 = arith.constant 160 : index
    %get3A_64 = tpu.vector_load %arg9[%get3A_63] {strides = array<i32>} : memref<2048xf32, #tpu.memory_space<vmem>>, vector<16xf32>,
    %max3A_65 = arith.maximumf %max3A_62, %get3A_64 : vector<16xf32>
    %get3A_66 = arith.constant 176 : index
    %get3A_67 = tpu.vector_load %arg9[%get3A_66] {strides = array<i32>} : memref<2048xf32, #tpu.memory_space<vmem>>, vector<16xf32>,
    %max3A_68 = arith.maximumf %max3A_65, %get3A_67 : vector<16xf32>
    %get3A_69 = arith.constant 192 : index
    %get3A_70 = tpu.vector_load %arg9[%get3A_69] {strides = array<i32>} : memref<2048xf32, #tpu.memory_space<vmem>>, vector<16xf32>,
    %max3A_71 = arith.maximumf %max3A_68, %get3A_70 : vector<16xf32>
    %get3A_72 = arith.constant 208 : index
    %get3A_73 = tpu.vector_load %arg9[%get3A_72] {strides = array<i32>} : memref<2048xf32, #tpu.memory_space<vmem>>, vector<16xf32>,
    %max3A_74 = arith.maximumf %max3A_71, %get3A_73 : vector<16xf32>
    %get3A_75 = arith.constant 224 : index
    %get3A_76 = tpu.vector_load %arg9[%get3A_75] {strides = array<i32>} : memref<2048xf32, #tpu.memory_space<vmem>>, vector<16xf32>,
    %max3A_77 = arith.maximumf %max3A_74, %get3A_76 : vector<16xf32>
    %get3A_78 = arith.constant 240 : index
    %get3A_79 = tpu.vector_load %arg9[%get3A_78] {strides = array<i32>} : memref<2048xf32, #tpu.memory_space<vmem>>, vector<16xf32>,
    %max3A_80 = arith.maximumf %max3A_77, %get3A_79 : vector<16xf32>
    %broadcast_in_dim3A_81 = arith.constant 1 : i32
    %broadcast_in_dim3A_82 = vector.broadcast %broadcast_in_dim3A_81 : i32 to vector<16xi32>
    %reduce_max3A_83 = arith.constant true
    %reduce_max3A_84 = vector.broadcast %reduce_max3A_83 : i1 to vector<16xi1>
    %reduce_max3A_85 = tpu.scan <max>, %max3A_80 masked %reduce_max3A_84 : vector<16xf32>, vector<16xi1> -> vector<16xf32>
    %reduce_max3A_86 = vector.extract %reduce_max3A_85[15] : f32 from vector<16xf32>
    %broadcast_in_dim3A_87 = vector.broadcast %reduce_max3A_86 : f32 to vector<16xf32>
    tpu.vector_store_idx %arg11[%broadcast_in_dim3A_82], %broadcast_in_dim3A_87 masked %eq3A_6 : memref<16xf32, #tpu.memory_space<vmem>>[vector<16xi32>], vector<16xf32>, vector<16xi1>
    %broadcast_in_dim3A_88 = arith.constant 0xFF800000 : f32
    %broadcast_in_dim3A_89 = vector.broadcast %broadcast_in_dim3A_88 : f32 to vector<16xf32>
    %get3A_90 = arith.constant 256 : index
    %get3A_91 = tpu.vector_load %arg9[%get3A_90] {strides = array<i32>} : memref<2048xf32, #tpu.memory_space<vmem>>, vector<16xf32>,
    %max3A_92 = arith.maximumf %broadcast_in_dim3A_89, %get3A_91 : vector<16xf32>
    %get3A_93 = arith.constant 272 : index
    %get3A_94 = tpu.vector_load %arg9[%get3A_93] {strides = array<i32>} : memref<2048xf32, #tpu.memory_space<vmem>>, vector<16xf32>,
    %max3A_95 = arith.maximumf %max3A_92, %get3A_94 : vector<16xf32>
    %get3A_96 = arith.constant 288 : index
    %get3A_97 = tpu.vector_load %arg9[%get3A_96] {strides = array<i32>} : memref<2048xf32, #tpu.memory_space<vmem>>, vector<16xf32>,
    %max3A_98 = arith.maximumf %max3A_95, %get3A_97 : vector<16xf32>
    %get3A_99 = arith.constant 304 : index
    %get3A_100 = tpu.vector_load %arg9[%get3A_99] {strides = array<i32>} : memref<2048xf32, #tpu.memory_space<vmem>>, vector<16xf32>,
    %max3A_101 = arith.maximumf %max3A_98, %get3A_100 : vector<16xf32>
    %get3A_102 = arith.constant 320 : index
    %get3A_103 = tpu.vector_load %arg9[%get3A_102] {strides = array<i32>} : memref<2048xf32, #tpu.memory_space<vmem>>, vector<16xf32>,
    %max3A_104 = arith.maximumf %max3A_101, %get3A_103 : vector<16xf32>
    %get3A_105 = arith.constant 336 : index
    %get3A_106 = tpu.vector_load %arg9[%get3A_105] {strides = array<i32>} : memref<2048xf32, #tpu.memory_space<vmem>>, vector<16xf32>,
    %max3A_107 = arith.maximumf %max3A_104, %get3A_106 : vector<16xf32>
    %get3A_108 = arith.constant 352 : index
    %get3A_109 = tpu.vector_load %arg9[%get3A_108] {strides = array<i32>} : memref<2048xf32, #tpu.memory_space<vmem>>, vector<16xf32>,
    %max3A_110 = arith.maximumf %max3A_107, %get3A_109 : vector<16xf32>
    %get3A_111 = arith.constant 368 : index
    %get3A_112 = tpu.vector_load %arg9[%get3A_111] {strides = array<i32>} : memref<2048xf32, #tpu.memory_space<vmem>>, vector<16xf32>,
    %max3A_113 = arith.maximumf %max3A_110, %get3A_112 : vector<16xf32>
    %broadcast_in_dim3A_114 = arith.constant 2 : i32
    %broadcast_in_dim3A_115 = vector.broadcast %broadcast_in_dim3A_114 : i32 to vector<16xi32>
    %reduce_max3A_116 = arith.constant true
    %reduce_max3A_117 = vector.broadcast %reduce_max3A_116 : i1 to vector<16xi1>
    %reduce_max3A_118 = tpu.scan <max>, %max3A_113 masked %reduce_max3A_117 : vector<16xf32>, vector<16xi1> -> vector<16xf32>
    %reduce_max3A_119 = vector.extract %reduce_max3A_118[15] : f32 from vector<16xf32>
    %broadcast_in_dim3A_120 = vector.broadcast %reduce_max3A_119 : f32 to vector<16xf32>
    tpu.vector_store_idx %arg11[%broadcast_in_dim3A_115], %broadcast_in_dim3A_120 masked %eq3A_6 : memref<16xf32, #tpu.memory_space<vmem>>[vector<16xi32>], vector<16xf32>, vector<16xi1>
    %broadcast_in_dim3A_121 = arith.constant 0xFF800000 : f32
    %broadcast_in_dim3A_122 = vector.broadcast %broadcast_in_dim3A_121 : f32 to vector<16xf32>
    %get3A_123 = arith.constant 384 : index
    %get3A_124 = tpu.vector_load %arg9[%get3A_123] {strides = array<i32>} : memref<2048xf32, #tpu.memory_space<vmem>>, vector<16xf32>,
    %max3A_125 = arith.maximumf %broadcast_in_dim3A_122, %get3A_124 : vector<16xf32>
    %get3A_126 = arith.constant 400 : index
    %get3A_127 = tpu.vector_load %arg9[%get3A_126] {strides = array<i32>} : memref<2048xf32, #tpu.memory_space<vmem>>, vector<16xf32>,
    %max3A_128 = arith.maximumf %max3A_125, %get3A_127 : vector<16xf32>
    %get3A_129 = arith.constant 416 : index
    %get3A_130 = tpu.vector_load %arg9[%get3A_129] {strides = array<i32>} : memref<2048xf32, #tpu.memory_space<vmem>>, vector<16xf32>,
    %max3A_131 = arith.maximumf %max3A_128, %get3A_130 : vector<16xf32>
    %get3A_132 = arith.constant 432 : index
    %get3A_133 = tpu.vector_load %arg9[%get3A_132] {strides = array<i32>} : memref<2048xf32, #tpu.memory_space<vmem>>, vector<16xf32>,
    %max3A_134 = arith.maximumf %max3A_131, %get3A_133 : vector<16xf32>
    %get3A_135 = arith.constant 448 : index
    %get3A_136 = tpu.vector_load %arg9[%get3A_135] {strides = array<i32>} : memref<2048xf32, #tpu.memory_space<vmem>>, vector<16xf32>,
    %max3A_137 = arith.maximumf %max3A_134, %get3A_136 : vector<16xf32>
    %get3A_138 = arith.constant 464 : index
    %get3A_139 = tpu.vector_load %arg9[%get3A_138] {strides = array<i32>} : memref<2048xf32, #tpu.memory_space<vmem>>, vector<16xf32>,
    %max3A_140 = arith.maximumf %max3A_137, %get3A_139 : vector<16xf32>
    %get3A_141 = arith.constant 480 : index
    %get3A_142 = tpu.vector_load %arg9[%get3A_141] {strides = array<i32>} : memref<2048xf32, #tpu.memory_space<vmem>>, vector<16xf32>,
    %max3A_143 = arith.maximumf %max3A_140, %get3A_142 : vector<16xf32>
    %get3A_144 = arith.constant 496 : index
    %get3A_145 = tpu.vector_load %arg9[%get3A_144] {strides = array<i32>} : memref<2048xf32, #tpu.memory_space<vmem>>, vector<16xf32>,
    %max3A_146 = arith.maximumf %max3A_143, %get3A_145 : vector<16xf32>
    %broadcast_in_dim3A_147 = arith.constant 3 : i32
    %broadcast_in_dim3A_148 = vector.broadcast %broadcast_in_dim3A_147 : i32 to vector<16xi32>
    %reduce_max3A_149 = arith.constant true
    %reduce_max3A_150 = vector.broadcast %reduce_max3A_149 : i1 to vector<16xi1>
    %reduce_max3A_151 = tpu.scan <max>, %max3A_146 masked %reduce_max3A_150 : vector<16xf32>, vector<16xi1> -> vector<16xf32>
    %reduce_max3A_152 = vector.extract %reduce_max3A_151[15] : f32 from vector<16xf32>
    %broadcast_in_dim3A_153 = vector.broadcast %reduce_max3A_152 : f32 to vector<16xf32>
    tpu.vector_store_idx %arg11[%broadcast_in_dim3A_148], %broadcast_in_dim3A_153 masked %eq3A_6 : memref<16xf32, #tpu.memory_space<vmem>>[vector<16xi32>], vector<16xf32>, vector<16xi1>
    %broadcast_in_dim3A_154 = arith.constant 0xFF800000 : f32
    %broadcast_in_dim3A_155 = vector.broadcast %broadcast_in_dim3A_154 : f32 to vector<16xf32>
    %get3A_156 = arith.constant 512 : index
    %get3A_157 = tpu.vector_load %arg9[%get3A_156] {strides = array<i32>} : memref<2048xf32, #tpu.memory_space<vmem>>, vector<16xf32>,
    %max3A_158 = arith.maximumf %broadcast_in_dim3A_155, %get3A_157 : vector<16xf32>
    %get3A_159 = arith.constant 528 : index
    %get3A_160 = tpu.vector_load %arg9[%get3A_159] {strides = array<i32>} : memref<2048xf32, #tpu.memory_space<vmem>>, vector<16xf32>,
    %max3A_161 = arith.maximumf %max3A_158, %get3A_160 : vector<16xf32>
    %get3A_162 = arith.constant 544 : index
    %get3A_163 = tpu.vector_load %arg9[%get3A_162] {strides = array<i32>} : memref<2048xf32, #tpu.memory_space<vmem>>, vector<16xf32>,
    %max3A_164 = arith.maximumf %max3A_161, %get3A_163 : vector<16xf32>
    %get3A_165 = arith.constant 560 : index
    %get3A_166 = tpu.vector_load %arg9[%get3A_165] {strides = array<i32>} : memref<2048xf32, #tpu.memory_space<vmem>>, vector<16xf32>,
    %max3A_167 = arith.maximumf %max3A_164, %get3A_166 : vector<16xf32>
    %get3A_168 = arith.constant 576 : index
    %get3A_169 = tpu.vector_load %arg9[%get3A_168] {strides = array<i32>} : memref<2048xf32, #tpu.memory_space<vmem>>, vector<16xf32>,
    %max3A_170 = arith.maximumf %max3A_167, %get3A_169 : vector<16xf32>
    %get3A_171 = arith.constant 592 : index
    %get3A_172 = tpu.vector_load %arg9[%get3A_171] {strides = array<i32>} : memref<2048xf32, #tpu.memory_space<vmem>>, vector<16xf32>,
    %max3A_173 = arith.maximumf %max3A_170, %get3A_172 : vector<16xf32>
    %get3A_174 = arith.constant 608 : index
    %get3A_175 = tpu.vector_load %arg9[%get3A_174] {strides = array<i32>} : memref<2048xf32, #tpu.memory_space<vmem>>, vector<16xf32>,
    %max3A_176 = arith.maximumf %max3A_173, %get3A_175 : vector<16xf32>
    %get3A_177 = arith.constant 624 : index
    %get3A_178 = tpu.vector_load %arg9[%get3A_177] {strides = array<i32>} : memref<2048xf32, #tpu.memory_space<vmem>>, vector<16xf32>,
    %max3A_179 = arith.maximumf %max3A_176, %get3A_178 : vector<16xf32>
    %broadcast_in_dim3A_180 = arith.constant 4 : i32
    %broadcast_in_dim3A_181 = vector.broadcast %broadcast_in_dim3A_180 : i32 to vector<16xi32>
    %reduce_max3A_182 = arith.constant true
    %reduce_max3A_183 = vector.broadcast %reduce_max3A_182 : i1 to vector<16xi1>
    %reduce_max3A_184 = tpu.scan <max>, %max3A_179 masked %reduce_max3A_183 : vector<16xf32>, vector<16xi1> -> vector<16xf32>
    %reduce_max3A_185 = vector.extract %reduce_max3A_184[15] : f32 from vector<16xf32>
    %broadcast_in_dim3A_186 = vector.broadcast %reduce_max3A_185 : f32 to vector<16xf32>
    tpu.vector_store_idx %arg11[%broadcast_in_dim3A_181], %broadcast_in_dim3A_186 masked %eq3A_6 : memref<16xf32, #tpu.memory_space<vmem>>[vector<16xi32>], vector<16xf32>, vector<16xi1>
    %broadcast_in_dim3A_187 = arith.constant 0xFF800000 : f32
    %broadcast_in_dim3A_188 = vector.broadcast %broadcast_in_dim3A_187 : f32 to vector<16xf32>
    %get3A_189 = arith.constant 640 : index
    %get3A_190 = tpu.vector_load %arg9[%get3A_189] {strides = array<i32>} : memref<2048xf32, #tpu.memory_space<vmem>>, vector<16xf32>,
    %max3A_191 = arith.maximumf %broadcast_in_dim3A_188, %get3A_190 : vector<16xf32>
    %get3A_192 = arith.constant 656 : index
    %get3A_193 = tpu.vector_load %arg9[%get3A_192] {strides = array<i32>} : memref<2048xf32, #tpu.memory_space<vmem>>, vector<16xf32>,
    %max3A_194 = arith.maximumf %max3A_191, %get3A_193 : vector<16xf32>
    %get3A_195 = arith.constant 672 : index
    %get3A_196 = tpu.vector_load %arg9[%get3A_195] {strides = array<i32>} : memref<2048xf32, #tpu.memory_space<vmem>>, vector<16xf32>,
    %max3A_197 = arith.maximumf %max3A_194, %get3A_196 : vector<16xf32>
    %get3A_198 = arith.constant 688 : index
    %get3A_199 = tpu.vector_load %arg9[%get3A_198] {strides = array<i32>} : memref<2048xf32, #tpu.memory_space<vmem>>, vector<16xf32>,
    %max3A_200 = arith.maximumf %max3A_197, %get3A_199 : vector<16xf32>
    %get3A_201 = arith.constant 704 : index
    %get3A_202 = tpu.vector_load %arg9[%get3A_201] {strides = array<i32>} : memref<2048xf32, #tpu.memory_space<vmem>>, vector<16xf32>,
    %max3A_203 = arith.maximumf %max3A_200, %get3A_202 : vector<16xf32>
    %get3A_204 = arith.constant 720 : index
    %get3A_205 = tpu.vector_load %arg9[%get3A_204] {strides = array<i32>} : memref<2048xf32, #tpu.memory_space<vmem>>, vector<16xf32>,
    %max3A_206 = arith.maximumf %max3A_203, %get3A_205 : vector<16xf32>
    %get3A_207 = arith.constant 736 : index
    %get3A_208 = tpu.vector_load %arg9[%get3A_207] {strides = array<i32>} : memref<2048xf32, #tpu.memory_space<vmem>>, vector<16xf32>,
    %max3A_209 = arith.maximumf %max3A_206, %get3A_208 : vector<16xf32>
    %get3A_210 = arith.constant 752 : index
    %get3A_211 = tpu.vector_load %arg9[%get3A_210] {strides = array<i32>} : memref<2048xf32, #tpu.memory_space<vmem>>, vector<16xf32>,
    %max3A_212 = arith.maximumf %max3A_209, %get3A_211 : vector<16xf32>
    %broadcast_in_dim3A_213 = arith.constant 5 : i32
    %broadcast_in_dim3A_214 = vector.broadcast %broadcast_in_dim3A_213 : i32 to vector<16xi32>
    %reduce_max3A_215 = arith.constant true
    %reduce_max3A_216 = vector.broadcast %reduce_max3A_215 : i1 to vector<16xi1>
    %reduce_max3A_217 = tpu.scan <max>, %max3A_212 masked %reduce_max3A_216 : vector<16xf32>, vector<16xi1> -> vector<16xf32>
    %reduce_max3A_218 = vector.extract %reduce_max3A_217[15] : f32 from vector<16xf32>
    %broadcast_in_dim3A_219 = vector.broadcast %reduce_max3A_218 : f32 to vector<16xf32>
    tpu.vector_store_idx %arg11[%broadcast_in_dim3A_214], %broadcast_in_dim3A_219 masked %eq3A_6 : memref<16xf32, #tpu.memory_space<vmem>>[vector<16xi32>], vector<16xf32>, vector<16xi1>
    %broadcast_in_dim3A_220 = arith.constant 0xFF800000 : f32
    %broadcast_in_dim3A_221 = vector.broadcast %broadcast_in_dim3A_220 : f32 to vector<16xf32>
    %get3A_222 = arith.constant 768 : index
    %get3A_223 = tpu.vector_load %arg9[%get3A_222] {strides = array<i32>} : memref<2048xf32, #tpu.memory_space<vmem>>, vector<16xf32>,
    %max3A_224 = arith.maximumf %broadcast_in_dim3A_221, %get3A_223 : vector<16xf32>
    %get3A_225 = arith.constant 784 : index
    %get3A_226 = tpu.vector_load %arg9[%get3A_225] {strides = array<i32>} : memref<2048xf32, #tpu.memory_space<vmem>>, vector<16xf32>,
    %max3A_227 = arith.maximumf %max3A_224, %get3A_226 : vector<16xf32>
    %get3A_228 = arith.constant 800 : index
    %get3A_229 = tpu.vector_load %arg9[%get3A_228] {strides = array<i32>} : memref<2048xf32, #tpu.memory_space<vmem>>, vector<16xf32>,
    %max3A_230 = arith.maximumf %max3A_227, %get3A_229 : vector<16xf32>
    %get3A_231 = arith.constant 816 : index
    %get3A_232 = tpu.vector_load %arg9[%get3A_231] {strides = array<i32>} : memref<2048xf32, #tpu.memory_space<vmem>>, vector<16xf32>,
    %max3A_233 = arith.maximumf %max3A_230, %get3A_232 : vector<16xf32>
    %get3A_234 = arith.constant 832 : index
    %get3A_235 = tpu.vector_load %arg9[%get3A_234] {strides = array<i32>} : memref<2048xf32, #tpu.memory_space<vmem>>, vector<16xf32>,
    %max3A_236 = arith.maximumf %max3A_233, %get3A_235 : vector<16xf32>
    %get3A_237 = arith.constant 848 : index
    %get3A_238 = tpu.vector_load %arg9[%get3A_237] {strides = array<i32>} : memref<2048xf32, #tpu.memory_space<vmem>>, vector<16xf32>,
    %max3A_239 = arith.maximumf %max3A_236, %get3A_238 : vector<16xf32>
    %get3A_240 = arith.constant 864 : index
    %get3A_241 = tpu.vector_load %arg9[%get3A_240] {strides = array<i32>} : memref<2048xf32, #tpu.memory_space<vmem>>, vector<16xf32>,
    %max3A_242 = arith.maximumf %max3A_239, %get3A_241 : vector<16xf32>
    %get3A_243 = arith.constant 880 : index
    %get3A_244 = tpu.vector_load %arg9[%get3A_243] {strides = array<i32>} : memref<2048xf32, #tpu.memory_space<vmem>>, vector<16xf32>,
    %max3A_245 = arith.maximumf %max3A_242, %get3A_244 : vector<16xf32>
    %broadcast_in_dim3A_246 = arith.constant 6 : i32
    %broadcast_in_dim3A_247 = vector.broadcast %broadcast_in_dim3A_246 : i32 to vector<16xi32>
    %reduce_max3A_248 = arith.constant true
    %reduce_max3A_249 = vector.broadcast %reduce_max3A_248 : i1 to vector<16xi1>
    %reduce_max3A_250 = tpu.scan <max>, %max3A_245 masked %reduce_max3A_249 : vector<16xf32>, vector<16xi1> -> vector<16xf32>
    %reduce_max3A_251 = vector.extract %reduce_max3A_250[15] : f32 from vector<16xf32>
    %broadcast_in_dim3A_252 = vector.broadcast %reduce_max3A_251 : f32 to vector<16xf32>
    tpu.vector_store_idx %arg11[%broadcast_in_dim3A_247], %broadcast_in_dim3A_252 masked %eq3A_6 : memref<16xf32, #tpu.memory_space<vmem>>[vector<16xi32>], vector<16xf32>, vector<16xi1>
    %broadcast_in_dim3A_253 = arith.constant 0xFF800000 : f32
    %broadcast_in_dim3A_254 = vector.broadcast %broadcast_in_dim3A_253 : f32 to vector<16xf32>
    %get3A_255 = arith.constant 896 : index
    %get3A_256 = tpu.vector_load %arg9[%get3A_255] {strides = array<i32>} : memref<2048xf32, #tpu.memory_space<vmem>>, vector<16xf32>,
    %max3A_257 = arith.maximumf %broadcast_in_dim3A_254, %get3A_256 : vector<16xf32>
    %get3A_258 = arith.constant 912 : index
    %get3A_259 = tpu.vector_load %arg9[%get3A_258] {strides = array<i32>} : memref<2048xf32, #tpu.memory_space<vmem>>, vector<16xf32>,
    %max3A_260 = arith.maximumf %max3A_257, %get3A_259 : vector<16xf32>
    %get3A_261 = arith.constant 928 : index
    %get3A_262 = tpu.vector_load %arg9[%get3A_261] {strides = array<i32>} : memref<2048xf32, #tpu.memory_space<vmem>>, vector<16xf32>,
    %max3A_263 = arith.maximumf %max3A_260, %get3A_262 : vector<16xf32>
    %get3A_264 = arith.constant 944 : index
    %get3A_265 = tpu.vector_load %arg9[%get3A_264] {strides = array<i32>} : memref<2048xf32, #tpu.memory_space<vmem>>, vector<16xf32>,
    %max3A_266 = arith.maximumf %max3A_263, %get3A_265 : vector<16xf32>
    %get3A_267 = arith.constant 960 : index
    %get3A_268 = tpu.vector_load %arg9[%get3A_267] {strides = array<i32>} : memref<2048xf32, #tpu.memory_space<vmem>>, vector<16xf32>,
    %max3A_269 = arith.maximumf %max3A_266, %get3A_268 : vector<16xf32>
    %get3A_270 = arith.constant 976 : index
    %get3A_271 = tpu.vector_load %arg9[%get3A_270] {strides = array<i32>} : memref<2048xf32, #tpu.memory_space<vmem>>, vector<16xf32>,
    %max3A_272 = arith.maximumf %max3A_269, %get3A_271 : vector<16xf32>
    %get3A_273 = arith.constant 992 : index
    %get3A_274 = tpu.vector_load %arg9[%get3A_273] {strides = array<i32>} : memref<2048xf32, #tpu.memory_space<vmem>>, vector<16xf32>,
    %max3A_275 = arith.maximumf %max3A_272, %get3A_274 : vector<16xf32>
    %get3A_276 = arith.constant 1008 : index
    %get3A_277 = tpu.vector_load %arg9[%get3A_276] {strides = array<i32>} : memref<2048xf32, #tpu.memory_space<vmem>>, vector<16xf32>,
    %max3A_278 = arith.maximumf %max3A_275, %get3A_277 : vector<16xf32>
    %broadcast_in_dim3A_279 = arith.constant 7 : i32
    %broadcast_in_dim3A_280 = vector.broadcast %broadcast_in_dim3A_279 : i32 to vector<16xi32>
    %reduce_max3A_281 = arith.constant true
    %reduce_max3A_282 = vector.broadcast %reduce_max3A_281 : i1 to vector<16xi1>
    %reduce_max3A_283 = tpu.scan <max>, %max3A_278 masked %reduce_max3A_282 : vector<16xf32>, vector<16xi1> -> vector<16xf32>
    %reduce_max3A_284 = vector.extract %reduce_max3A_283[15] : f32 from vector<16xf32>
    %broadcast_in_dim3A_285 = vector.broadcast %reduce_max3A_284 : f32 to vector<16xf32>
    tpu.vector_store_idx %arg11[%broadcast_in_dim3A_280], %broadcast_in_dim3A_285 masked %eq3A_6 : memref<16xf32, #tpu.memory_space<vmem>>[vector<16xi32>], vector<16xf32>, vector<16xi1>
    %broadcast_in_dim3A_286 = arith.constant 0xFF800000 : f32
    %broadcast_in_dim3A_287 = vector.broadcast %broadcast_in_dim3A_286 : f32 to vector<16xf32>
    %get3A_288 = arith.constant 1024 : index
    %get3A_289 = tpu.vector_load %arg9[%get3A_288] {strides = array<i32>} : memref<2048xf32, #tpu.memory_space<vmem>>, vector<16xf32>,
    %max3A_290 = arith.maximumf %broadcast_in_dim3A_287, %get3A_289 : vector<16xf32>
    %get3A_291 = arith.constant 1040 : index
    %get3A_292 = tpu.vector_load %arg9[%get3A_291] {strides = array<i32>} : memref<2048xf32, #tpu.memory_space<vmem>>, vector<16xf32>,
    %max3A_293 = arith.maximumf %max3A_290, %get3A_292 : vector<16xf32>
    %get3A_294 = arith.constant 1056 : index
    %get3A_295 = tpu.vector_load %arg9[%get3A_294] {strides = array<i32>} : memref<2048xf32, #tpu.memory_space<vmem>>, vector<16xf32>,
    %max3A_296 = arith.maximumf %max3A_293, %get3A_295 : vector<16xf32>
    %get3A_297 = arith.constant 1072 : index
    %get3A_298 = tpu.vector_load %arg9[%get3A_297] {strides = array<i32>} : memref<2048xf32, #tpu.memory_space<vmem>>, vector<16xf32>,
    %max3A_299 = arith.maximumf %max3A_296, %get3A_298 : vector<16xf32>
    %get3A_300 = arith.constant 1088 : index
    %get3A_301 = tpu.vector_load %arg9[%get3A_300] {strides = array<i32>} : memref<2048xf32, #tpu.memory_space<vmem>>, vector<16xf32>,
    %max3A_302 = arith.maximumf %max3A_299, %get3A_301 : vector<16xf32>
    %get3A_303 = arith.constant 1104 : index
    %get3A_304 = tpu.vector_load %arg9[%get3A_303] {strides = array<i32>} : memref<2048xf32, #tpu.memory_space<vmem>>, vector<16xf32>,
    %max3A_305 = arith.maximumf %max3A_302, %get3A_304 : vector<16xf32>
    %get3A_306 = arith.constant 1120 : index
    %get3A_307 = tpu.vector_load %arg9[%get3A_306] {strides = array<i32>} : memref<2048xf32, #tpu.memory_space<vmem>>, vector<16xf32>,
    %max3A_308 = arith.maximumf %max3A_305, %get3A_307 : vector<16xf32>
    %get3A_309 = arith.constant 1136 : index
    %get3A_310 = tpu.vector_load %arg9[%get3A_309] {strides = array<i32>} : memref<2048xf32, #tpu.memory_space<vmem>>, vector<16xf32>,
    %max3A_311 = arith.maximumf %max3A_308, %get3A_310 : vector<16xf32>
    %broadcast_in_dim3A_312 = arith.constant 8 : i32
    %broadcast_in_dim3A_313 = vector.broadcast %broadcast_in_dim3A_312 : i32 to vector<16xi32>
    %reduce_max3A_314 = arith.constant true
    %reduce_max3A_315 = vector.broadcast %reduce_max3A_314 : i1 to vector<16xi1>
    %reduce_max3A_316 = tpu.scan <max>, %max3A_311 masked %reduce_max3A_315 : vector<16xf32>, vector<16xi1> -> vector<16xf32>
    %reduce_max3A_317 = vector.extract %reduce_max3A_316[15] : f32 from vector<16xf32>
    %broadcast_in_dim3A_318 = vector.broadcast %reduce_max3A_317 : f32 to vector<16xf32>
    tpu.vector_store_idx %arg11[%broadcast_in_dim3A_313], %broadcast_in_dim3A_318 masked %eq3A_6 : memref<16xf32, #tpu.memory_space<vmem>>[vector<16xi32>], vector<16xf32>, vector<16xi1>
    %broadcast_in_dim3A_319 = arith.constant 0xFF800000 : f32
    %broadcast_in_dim3A_320 = vector.broadcast %broadcast_in_dim3A_319 : f32 to vector<16xf32>
    %get3A_321 = arith.constant 1152 : index
    %get3A_322 = tpu.vector_load %arg9[%get3A_321] {strides = array<i32>} : memref<2048xf32, #tpu.memory_space<vmem>>, vector<16xf32>,
    %max3A_323 = arith.maximumf %broadcast_in_dim3A_320, %get3A_322 : vector<16xf32>
    %get3A_324 = arith.constant 1168 : index
    %get3A_325 = tpu.vector_load %arg9[%get3A_324] {strides = array<i32>} : memref<2048xf32, #tpu.memory_space<vmem>>, vector<16xf32>,
    %max3A_326 = arith.maximumf %max3A_323, %get3A_325 : vector<16xf32>
    %get3A_327 = arith.constant 1184 : index
    %get3A_328 = tpu.vector_load %arg9[%get3A_327] {strides = array<i32>} : memref<2048xf32, #tpu.memory_space<vmem>>, vector<16xf32>,
    %max3A_329 = arith.maximumf %max3A_326, %get3A_328 : vector<16xf32>
    %get3A_330 = arith.constant 1200 : index
    %get3A_331 = tpu.vector_load %arg9[%get3A_330] {strides = array<i32>} : memref<2048xf32, #tpu.memory_space<vmem>>, vector<16xf32>,
    %max3A_332 = arith.maximumf %max3A_329, %get3A_331 : vector<16xf32>
    %get3A_333 = arith.constant 1216 : index
    %get3A_334 = tpu.vector_load %arg9[%get3A_333] {strides = array<i32>} : memref<2048xf32, #tpu.memory_space<vmem>>, vector<16xf32>,
    %max3A_335 = arith.maximumf %max3A_332, %get3A_334 : vector<16xf32>
    %get3A_336 = arith.constant 1232 : index
    %get3A_337 = tpu.vector_load %arg9[%get3A_336] {strides = array<i32>} : memref<2048xf32, #tpu.memory_space<vmem>>, vector<16xf32>,
    %max3A_338 = arith.maximumf %max3A_335, %get3A_337 : vector<16xf32>
    %get3A_339 = arith.constant 1248 : index
    %get3A_340 = tpu.vector_load %arg9[%get3A_339] {strides = array<i32>} : memref<2048xf32, #tpu.memory_space<vmem>>, vector<16xf32>,
    %max3A_341 = arith.maximumf %max3A_338, %get3A_340 : vector<16xf32>
    %get3A_342 = arith.constant 1264 : index
    %get3A_343 = tpu.vector_load %arg9[%get3A_342] {strides = array<i32>} : memref<2048xf32, #tpu.memory_space<vmem>>, vector<16xf32>,
    %max3A_344 = arith.maximumf %max3A_341, %get3A_343 : vector<16xf32>
    %broadcast_in_dim3A_345 = arith.constant 9 : i32
    %broadcast_in_dim3A_346 = vector.broadcast %broadcast_in_dim3A_345 : i32 to vector<16xi32>
    %reduce_max3A_347 = arith.constant true
    %reduce_max3A_348 = vector.broadcast %reduce_max3A_347 : i1 to vector<16xi1>
    %reduce_max3A_349 = tpu.scan <max>, %max3A_344 masked %reduce_max3A_348 : vector<16xf32>, vector<16xi1> -> vector<16xf32>
    %reduce_max3A_350 = vector.extract %reduce_max3A_349[15] : f32 from vector<16xf32>
    %broadcast_in_dim3A_351 = vector.broadcast %reduce_max3A_350 : f32 to vector<16xf32>
    tpu.vector_store_idx %arg11[%broadcast_in_dim3A_346], %broadcast_in_dim3A_351 masked %eq3A_6 : memref<16xf32, #tpu.memory_space<vmem>>[vector<16xi32>], vector<16xf32>, vector<16xi1>
    %broadcast_in_dim3A_352 = arith.constant 0xFF800000 : f32
    %broadcast_in_dim3A_353 = vector.broadcast %broadcast_in_dim3A_352 : f32 to vector<16xf32>
    %get3A_354 = arith.constant 1280 : index
    %get3A_355 = tpu.vector_load %arg9[%get3A_354] {strides = array<i32>} : memref<2048xf32, #tpu.memory_space<vmem>>, vector<16xf32>,
    %max3A_356 = arith.maximumf %broadcast_in_dim3A_353, %get3A_355 : vector<16xf32>
    %get3A_357 = arith.constant 1296 : index
    %get3A_358 = tpu.vector_load %arg9[%get3A_357] {strides = array<i32>} : memref<2048xf32, #tpu.memory_space<vmem>>, vector<16xf32>,
    %max3A_359 = arith.maximumf %max3A_356, %get3A_358 : vector<16xf32>
    %get3A_360 = arith.constant 1312 : index
    %get3A_361 = tpu.vector_load %arg9[%get3A_360] {strides = array<i32>} : memref<2048xf32, #tpu.memory_space<vmem>>, vector<16xf32>,
    %max3A_362 = arith.maximumf %max3A_359, %get3A_361 : vector<16xf32>
    %get3A_363 = arith.constant 1328 : index
    %get3A_364 = tpu.vector_load %arg9[%get3A_363] {strides = array<i32>} : memref<2048xf32, #tpu.memory_space<vmem>>, vector<16xf32>,
    %max3A_365 = arith.maximumf %max3A_362, %get3A_364 : vector<16xf32>
    %get3A_366 = arith.constant 1344 : index
    %get3A_367 = tpu.vector_load %arg9[%get3A_366] {strides = array<i32>} : memref<2048xf32, #tpu.memory_space<vmem>>, vector<16xf32>,
    %max3A_368 = arith.maximumf %max3A_365, %get3A_367 : vector<16xf32>
    %get3A_369 = arith.constant 1360 : index
    %get3A_370 = tpu.vector_load %arg9[%get3A_369] {strides = array<i32>} : memref<2048xf32, #tpu.memory_space<vmem>>, vector<16xf32>,
    %max3A_371 = arith.maximumf %max3A_368, %get3A_370 : vector<16xf32>
    %get3A_372 = arith.constant 1376 : index
    %get3A_373 = tpu.vector_load %arg9[%get3A_372] {strides = array<i32>} : memref<2048xf32, #tpu.memory_space<vmem>>, vector<16xf32>,
    %max3A_374 = arith.maximumf %max3A_371, %get3A_373 : vector<16xf32>
    %get3A_375 = arith.constant 1392 : index
    %get3A_376 = tpu.vector_load %arg9[%get3A_375] {strides = array<i32>} : memref<2048xf32, #tpu.memory_space<vmem>>, vector<16xf32>,
    %max3A_377 = arith.maximumf %max3A_374, %get3A_376 : vector<16xf32>
    %broadcast_in_dim3A_378 = arith.constant 10 : i32
    %broadcast_in_dim3A_379 = vector.broadcast %broadcast_in_dim3A_378 : i32 to vector<16xi32>
    %reduce_max3A_380 = arith.constant true
    %reduce_max3A_381 = vector.broadcast %reduce_max3A_380 : i1 to vector<16xi1>
    %reduce_max3A_382 = tpu.scan <max>, %max3A_377 masked %reduce_max3A_381 : vector<16xf32>, vector<16xi1> -> vector<16xf32>
    %reduce_max3A_383 = vector.extract %reduce_max3A_382[15] : f32 from vector<16xf32>
    %broadcast_in_dim3A_384 = vector.broadcast %reduce_max3A_383 : f32 to vector<16xf32>
    tpu.vector_store_idx %arg11[%broadcast_in_dim3A_379], %broadcast_in_dim3A_384 masked %eq3A_6 : memref<16xf32, #tpu.memory_space<vmem>>[vector<16xi32>], vector<16xf32>, vector<16xi1>
    %broadcast_in_dim3A_385 = arith.constant 0xFF800000 : f32
    %broadcast_in_dim3A_386 = vector.broadcast %broadcast_in_dim3A_385 : f32 to vector<16xf32>
    %get3A_387 = arith.constant 1408 : index
    %get3A_388 = tpu.vector_load %arg9[%get3A_387] {strides = array<i32>} : memref<2048xf32, #tpu.memory_space<vmem>>, vector<16xf32>,
    %max3A_389 = arith.maximumf %broadcast_in_dim3A_386, %get3A_388 : vector<16xf32>
    %get3A_390 = arith.constant 1424 : index
    %get3A_391 = tpu.vector_load %arg9[%get3A_390] {strides = array<i32>} : memref<2048xf32, #tpu.memory_space<vmem>>, vector<16xf32>,
    %max3A_392 = arith.maximumf %max3A_389, %get3A_391 : vector<16xf32>
    %get3A_393 = arith.constant 1440 : index
    %get3A_394 = tpu.vector_load %arg9[%get3A_393] {strides = array<i32>} : memref<2048xf32, #tpu.memory_space<vmem>>, vector<16xf32>,
    %max3A_395 = arith.maximumf %max3A_392, %get3A_394 : vector<16xf32>
    %get3A_396 = arith.constant 1456 : index
    %get3A_397 = tpu.vector_load %arg9[%get3A_396] {strides = array<i32>} : memref<2048xf32, #tpu.memory_space<vmem>>, vector<16xf32>,
    %max3A_398 = arith.maximumf %max3A_395, %get3A_397 : vector<16xf32>
    %get3A_399 = arith.constant 1472 : index
    %get3A_400 = tpu.vector_load %arg9[%get3A_399] {strides = array<i32>} : memref<2048xf32, #tpu.memory_space<vmem>>, vector<16xf32>,
    %max3A_401 = arith.maximumf %max3A_398, %get3A_400 : vector<16xf32>
    %get3A_402 = arith.constant 1488 : index
    %get3A_403 = tpu.vector_load %arg9[%get3A_402] {strides = array<i32>} : memref<2048xf32, #tpu.memory_space<vmem>>, vector<16xf32>,
    %max3A_404 = arith.maximumf %max3A_401, %get3A_403 : vector<16xf32>
    %get3A_405 = arith.constant 1504 : index
    %get3A_406 = tpu.vector_load %arg9[%get3A_405] {strides = array<i32>} : memref<2048xf32, #tpu.memory_space<vmem>>, vector<16xf32>,
    %max3A_407 = arith.maximumf %max3A_404, %get3A_406 : vector<16xf32>
    %get3A_408 = arith.constant 1520 : index
    %get3A_409 = tpu.vector_load %arg9[%get3A_408] {strides = array<i32>} : memref<2048xf32, #tpu.memory_space<vmem>>, vector<16xf32>,
    %max3A_410 = arith.maximumf %max3A_407, %get3A_409 : vector<16xf32>
    %broadcast_in_dim3A_411 = arith.constant 11 : i32
    %broadcast_in_dim3A_412 = vector.broadcast %broadcast_in_dim3A_411 : i32 to vector<16xi32>
    %reduce_max3A_413 = arith.constant true
    %reduce_max3A_414 = vector.broadcast %reduce_max3A_413 : i1 to vector<16xi1>
    %reduce_max3A_415 = tpu.scan <max>, %max3A_410 masked %reduce_max3A_414 : vector<16xf32>, vector<16xi1> -> vector<16xf32>
    %reduce_max3A_416 = vector.extract %reduce_max3A_415[15] : f32 from vector<16xf32>
    %broadcast_in_dim3A_417 = vector.broadcast %reduce_max3A_416 : f32 to vector<16xf32>
    tpu.vector_store_idx %arg11[%broadcast_in_dim3A_412], %broadcast_in_dim3A_417 masked %eq3A_6 : memref<16xf32, #tpu.memory_space<vmem>>[vector<16xi32>], vector<16xf32>, vector<16xi1>
    %broadcast_in_dim3A_418 = arith.constant 0xFF800000 : f32
    %broadcast_in_dim3A_419 = vector.broadcast %broadcast_in_dim3A_418 : f32 to vector<16xf32>
    %get3A_420 = arith.constant 1536 : index
    %get3A_421 = tpu.vector_load %arg9[%get3A_420] {strides = array<i32>} : memref<2048xf32, #tpu.memory_space<vmem>>, vector<16xf32>,
    %max3A_422 = arith.maximumf %broadcast_in_dim3A_419, %get3A_421 : vector<16xf32>
    %get3A_423 = arith.constant 1552 : index
    %get3A_424 = tpu.vector_load %arg9[%get3A_423] {strides = array<i32>} : memref<2048xf32, #tpu.memory_space<vmem>>, vector<16xf32>,
    %max3A_425 = arith.maximumf %max3A_422, %get3A_424 : vector<16xf32>
    %get3A_426 = arith.constant 1568 : index
    %get3A_427 = tpu.vector_load %arg9[%get3A_426] {strides = array<i32>} : memref<2048xf32, #tpu.memory_space<vmem>>, vector<16xf32>,
    %max3A_428 = arith.maximumf %max3A_425, %get3A_427 : vector<16xf32>
    %get3A_429 = arith.constant 1584 : index
    %get3A_430 = tpu.vector_load %arg9[%get3A_429] {strides = array<i32>} : memref<2048xf32, #tpu.memory_space<vmem>>, vector<16xf32>,
    %max3A_431 = arith.maximumf %max3A_428, %get3A_430 : vector<16xf32>
    %get3A_432 = arith.constant 1600 : index
    %get3A_433 = tpu.vector_load %arg9[%get3A_432] {strides = array<i32>} : memref<2048xf32, #tpu.memory_space<vmem>>, vector<16xf32>,
    %max3A_434 = arith.maximumf %max3A_431, %get3A_433 : vector<16xf32>
    %get3A_435 = arith.constant 1616 : index
    %get3A_436 = tpu.vector_load %arg9[%get3A_435] {strides = array<i32>} : memref<2048xf32, #tpu.memory_space<vmem>>, vector<16xf32>,
    %max3A_437 = arith.maximumf %max3A_434, %get3A_436 : vector<16xf32>
    %get3A_438 = arith.constant 1632 : index
    %get3A_439 = tpu.vector_load %arg9[%get3A_438] {strides = array<i32>} : memref<2048xf32, #tpu.memory_space<vmem>>, vector<16xf32>,
    %max3A_440 = arith.maximumf %max3A_437, %get3A_439 : vector<16xf32>
    %get3A_441 = arith.constant 1648 : index
    %get3A_442 = tpu.vector_load %arg9[%get3A_441] {strides = array<i32>} : memref<2048xf32, #tpu.memory_space<vmem>>, vector<16xf32>,
    %max3A_443 = arith.maximumf %max3A_440, %get3A_442 : vector<16xf32>
    %broadcast_in_dim3A_444 = arith.constant 12 : i32
    %broadcast_in_dim3A_445 = vector.broadcast %broadcast_in_dim3A_444 : i32 to vector<16xi32>
    %reduce_max3A_446 = arith.constant true
    %reduce_max3A_447 = vector.broadcast %reduce_max3A_446 : i1 to vector<16xi1>
    %reduce_max3A_448 = tpu.scan <max>, %max3A_443 masked %reduce_max3A_447 : vector<16xf32>, vector<16xi1> -> vector<16xf32>
    %reduce_max3A_449 = vector.extract %reduce_max3A_448[15] : f32 from vector<16xf32>
    %broadcast_in_dim3A_450 = vector.broadcast %reduce_max3A_449 : f32 to vector<16xf32>
    tpu.vector_store_idx %arg11[%broadcast_in_dim3A_445], %broadcast_in_dim3A_450 masked %eq3A_6 : memref<16xf32, #tpu.memory_space<vmem>>[vector<16xi32>], vector<16xf32>, vector<16xi1>
    %broadcast_in_dim3A_451 = arith.constant 0xFF800000 : f32
    %broadcast_in_dim3A_452 = vector.broadcast %broadcast_in_dim3A_451 : f32 to vector<16xf32>
    %get3A_453 = arith.constant 1664 : index
    %get3A_454 = tpu.vector_load %arg9[%get3A_453] {strides = array<i32>} : memref<2048xf32, #tpu.memory_space<vmem>>, vector<16xf32>,
    %max3A_455 = arith.maximumf %broadcast_in_dim3A_452, %get3A_454 : vector<16xf32>
    %get3A_456 = arith.constant 1680 : index
    %get3A_457 = tpu.vector_load %arg9[%get3A_456] {strides = array<i32>} : memref<2048xf32, #tpu.memory_space<vmem>>, vector<16xf32>,
    %max3A_458 = arith.maximumf %max3A_455, %get3A_457 : vector<16xf32>
    %get3A_459 = arith.constant 1696 : index
    %get3A_460 = tpu.vector_load %arg9[%get3A_459] {strides = array<i32>} : memref<2048xf32, #tpu.memory_space<vmem>>, vector<16xf32>,
    %max3A_461 = arith.maximumf %max3A_458, %get3A_460 : vector<16xf32>
    %get3A_462 = arith.constant 1712 : index
    %get3A_463 = tpu.vector_load %arg9[%get3A_462] {strides = array<i32>} : memref<2048xf32, #tpu.memory_space<vmem>>, vector<16xf32>,
    %max3A_464 = arith.maximumf %max3A_461, %get3A_463 : vector<16xf32>
    %get3A_465 = arith.constant 1728 : index
    %get3A_466 = tpu.vector_load %arg9[%get3A_465] {strides = array<i32>} : memref<2048xf32, #tpu.memory_space<vmem>>, vector<16xf32>,
    %max3A_467 = arith.maximumf %max3A_464, %get3A_466 : vector<16xf32>
    %get3A_468 = arith.constant 1744 : index
    %get3A_469 = tpu.vector_load %arg9[%get3A_468] {strides = array<i32>} : memref<2048xf32, #tpu.memory_space<vmem>>, vector<16xf32>,
    %max3A_470 = arith.maximumf %max3A_467, %get3A_469 : vector<16xf32>
    %get3A_471 = arith.constant 1760 : index
    %get3A_472 = tpu.vector_load %arg9[%get3A_471] {strides = array<i32>} : memref<2048xf32, #tpu.memory_space<vmem>>, vector<16xf32>,
    %max3A_473 = arith.maximumf %max3A_470, %get3A_472 : vector<16xf32>
    %get3A_474 = arith.constant 1776 : index
    %get3A_475 = tpu.vector_load %arg9[%get3A_474] {strides = array<i32>} : memref<2048xf32, #tpu.memory_space<vmem>>, vector<16xf32>,
    %max3A_476 = arith.maximumf %max3A_473, %get3A_475 : vector<16xf32>
    %broadcast_in_dim3A_477 = arith.constant 13 : i32
    %broadcast_in_dim3A_478 = vector.broadcast %broadcast_in_dim3A_477 : i32 to vector<16xi32>
    %reduce_max3A_479 = arith.constant true
    %reduce_max3A_480 = vector.broadcast %reduce_max3A_479 : i1 to vector<16xi1>
    %reduce_max3A_481 = tpu.scan <max>, %max3A_476 masked %reduce_max3A_480 : vector<16xf32>, vector<16xi1> -> vector<16xf32>
    %reduce_max3A_482 = vector.extract %reduce_max3A_481[15] : f32 from vector<16xf32>
    %broadcast_in_dim3A_483 = vector.broadcast %reduce_max3A_482 : f32 to vector<16xf32>
    tpu.vector_store_idx %arg11[%broadcast_in_dim3A_478], %broadcast_in_dim3A_483 masked %eq3A_6 : memref<16xf32, #tpu.memory_space<vmem>>[vector<16xi32>], vector<16xf32>, vector<16xi1>
    %broadcast_in_dim3A_484 = arith.constant 0xFF800000 : f32
    %broadcast_in_dim3A_485 = vector.broadcast %broadcast_in_dim3A_484 : f32 to vector<16xf32>
    %get3A_486 = arith.constant 1792 : index
    %get3A_487 = tpu.vector_load %arg9[%get3A_486] {strides = array<i32>} : memref<2048xf32, #tpu.memory_space<vmem>>, vector<16xf32>,
    %max3A_488 = arith.maximumf %broadcast_in_dim3A_485, %get3A_487 : vector<16xf32>
    %get3A_489 = arith.constant 1808 : index
    %get3A_490 = tpu.vector_load %arg9[%get3A_489] {strides = array<i32>} : memref<2048xf32, #tpu.memory_space<vmem>>, vector<16xf32>,
    %max3A_491 = arith.maximumf %max3A_488, %get3A_490 : vector<16xf32>
    %get3A_492 = arith.constant 1824 : index
    %get3A_493 = tpu.vector_load %arg9[%get3A_492] {strides = array<i32>} : memref<2048xf32, #tpu.memory_space<vmem>>, vector<16xf32>,
    %max3A_494 = arith.maximumf %max3A_491, %get3A_493 : vector<16xf32>
    %get3A_495 = arith.constant 1840 : index
    %get3A_496 = tpu.vector_load %arg9[%get3A_495] {strides = array<i32>} : memref<2048xf32, #tpu.memory_space<vmem>>, vector<16xf32>,
    %max3A_497 = arith.maximumf %max3A_494, %get3A_496 : vector<16xf32>
    %get3A_498 = arith.constant 1856 : index
    %get3A_499 = tpu.vector_load %arg9[%get3A_498] {strides = array<i32>} : memref<2048xf32, #tpu.memory_space<vmem>>, vector<16xf32>,
    %max3A_500 = arith.maximumf %max3A_497, %get3A_499 : vector<16xf32>
    %get3A_501 = arith.constant 1872 : index
    %get3A_502 = tpu.vector_load %arg9[%get3A_501] {strides = array<i32>} : memref<2048xf32, #tpu.memory_space<vmem>>, vector<16xf32>,
    %max3A_503 = arith.maximumf %max3A_500, %get3A_502 : vector<16xf32>
    %get3A_504 = arith.constant 1888 : index
    %get3A_505 = tpu.vector_load %arg9[%get3A_504] {strides = array<i32>} : memref<2048xf32, #tpu.memory_space<vmem>>, vector<16xf32>,
    %max3A_506 = arith.maximumf %max3A_503, %get3A_505 : vector<16xf32>
    %get3A_507 = arith.constant 1904 : index
    %get3A_508 = tpu.vector_load %arg9[%get3A_507] {strides = array<i32>} : memref<2048xf32, #tpu.memory_space<vmem>>, vector<16xf32>,
    %max3A_509 = arith.maximumf %max3A_506, %get3A_508 : vector<16xf32>
    %broadcast_in_dim3A_510 = arith.constant 14 : i32
    %broadcast_in_dim3A_511 = vector.broadcast %broadcast_in_dim3A_510 : i32 to vector<16xi32>
    %reduce_max3A_512 = arith.constant true
    %reduce_max3A_513 = vector.broadcast %reduce_max3A_512 : i1 to vector<16xi1>
    %reduce_max3A_514 = tpu.scan <max>, %max3A_509 masked %reduce_max3A_513 : vector<16xf32>, vector<16xi1> -> vector<16xf32>
    %reduce_max3A_515 = vector.extract %reduce_max3A_514[15] : f32 from vector<16xf32>
    %broadcast_in_dim3A_516 = vector.broadcast %reduce_max3A_515 : f32 to vector<16xf32>
    tpu.vector_store_idx %arg11[%broadcast_in_dim3A_511], %broadcast_in_dim3A_516 masked %eq3A_6 : memref<16xf32, #tpu.memory_space<vmem>>[vector<16xi32>], vector<16xf32>, vector<16xi1>
    %broadcast_in_dim3A_517 = arith.constant 0xFF800000 : f32
    %broadcast_in_dim3A_518 = vector.broadcast %broadcast_in_dim3A_517 : f32 to vector<16xf32>
    %get3A_519 = arith.constant 1920 : index
    %get3A_520 = tpu.vector_load %arg9[%get3A_519] {strides = array<i32>} : memref<2048xf32, #tpu.memory_space<vmem>>, vector<16xf32>,
    %max3A_521 = arith.maximumf %broadcast_in_dim3A_518, %get3A_520 : vector<16xf32>
    %get3A_522 = arith.constant 1936 : index
    %get3A_523 = tpu.vector_load %arg9[%get3A_522] {strides = array<i32>} : memref<2048xf32, #tpu.memory_space<vmem>>, vector<16xf32>,
    %max3A_524 = arith.maximumf %max3A_521, %get3A_523 : vector<16xf32>
    %get3A_525 = arith.constant 1952 : index
    %get3A_526 = tpu.vector_load %arg9[%get3A_525] {strides = array<i32>} : memref<2048xf32, #tpu.memory_space<vmem>>, vector<16xf32>,
    %max3A_527 = arith.maximumf %max3A_524, %get3A_526 : vector<16xf32>
    %get3A_528 = arith.constant 1968 : index
    %get3A_529 = tpu.vector_load %arg9[%get3A_528] {strides = array<i32>} : memref<2048xf32, #tpu.memory_space<vmem>>, vector<16xf32>,
    %max3A_530 = arith.maximumf %max3A_527, %get3A_529 : vector<16xf32>
    %get3A_531 = arith.constant 1984 : index
    %get3A_532 = tpu.vector_load %arg9[%get3A_531] {strides = array<i32>} : memref<2048xf32, #tpu.memory_space<vmem>>, vector<16xf32>,
    %max3A_533 = arith.maximumf %max3A_530, %get3A_532 : vector<16xf32>
    %get3A_534 = arith.constant 2000 : index
    %get3A_535 = tpu.vector_load %arg9[%get3A_534] {strides = array<i32>} : memref<2048xf32, #tpu.memory_space<vmem>>, vector<16xf32>,
    %max3A_536 = arith.maximumf %max3A_533, %get3A_535 : vector<16xf32>
    %get3A_537 = arith.constant 2016 : index
    %get3A_538 = tpu.vector_load %arg9[%get3A_537] {strides = array<i32>} : memref<2048xf32, #tpu.memory_space<vmem>>, vector<16xf32>,
    %max3A_539 = arith.maximumf %max3A_536, %get3A_538 : vector<16xf32>
    %get3A_540 = arith.constant 2032 : index
    %get3A_541 = tpu.vector_load %arg9[%get3A_540] {strides = array<i32>} : memref<2048xf32, #tpu.memory_space<vmem>>, vector<16xf32>,
    %max3A_542 = arith.maximumf %max3A_539, %get3A_541 : vector<16xf32>
    %broadcast_in_dim3A_543 = arith.constant 15 : i32
    %broadcast_in_dim3A_544 = vector.broadcast %broadcast_in_dim3A_543 : i32 to vector<16xi32>
    %reduce_max3A_545 = arith.constant true
    %reduce_max3A_546 = vector.broadcast %reduce_max3A_545 : i1 to vector<16xi1>
    %reduce_max3A_547 = tpu.scan <max>, %max3A_542 masked %reduce_max3A_546 : vector<16xf32>, vector<16xi1> -> vector<16xf32>
    %reduce_max3A_548 = vector.extract %reduce_max3A_547[15] : f32 from vector<16xf32>
    %broadcast_in_dim3A_549 = vector.broadcast %reduce_max3A_548 : f32 to vector<16xf32>
    tpu.vector_store_idx %arg11[%broadcast_in_dim3A_544], %broadcast_in_dim3A_549 masked %eq3A_6 : memref<16xf32, #tpu.memory_space<vmem>>[vector<16xi32>], vector<16xf32>, vector<16xi1>
    %scan3A = arith.constant 0 : i32
    %scan3A_550 = arith.constant 0 : i32
    %scan3A_551 = arith.constant 50 : i32
    %scan3A_552 = arith.addi %scan3A_550, %scan3A_551 : i32
    %scan3A_553 = arith.constant 1 : i32
    scf.for %scan3A_1214 = %scan3A_550 to %scan3A_552 step %scan3A_553  : i32 {
      %get3A_1215 = arith.constant 0 : index
      %get3A_1216 = tpu.vector_load %arg11[%get3A_1215] {strides = array<i32>} : memref<16xf32, #tpu.memory_space<vmem>>, vector<16xf32>,
      %reduce_max3A_1217 = arith.constant true
      %reduce_max3A_1218 = vector.broadcast %reduce_max3A_1217 : i1 to vector<16xi1>
      %reduce_max3A_1219 = tpu.scan <max>, %get3A_1216 masked %reduce_max3A_1218 : vector<16xf32>, vector<16xi1> -> vector<16xf32>
      %reduce_max3A_1220 = vector.extract %reduce_max3A_1219[15] : f32 from vector<16xf32>
      %eq3A_1221 = vector.broadcast %reduce_max3A_1220 : f32 to vector<16xf32>
      %eq3A_1222 = arith.cmpf oeq, %get3A_1216, %eq3A_1221 : vector<16xf32>
      %jit3A = arith.constant 16 : i32
      %broadcast_in_dim3A_1223 = vector.broadcast %jit3A : i32 to vector<16xi32>
      %select_n3A = arith.select %eq3A_1222, %iota3A, %broadcast_in_dim3A_1223 : vector<16xi1>, vector<16xi32>
      %reduce_min3A = arith.constant true
      %reduce_min3A_1224 = vector.broadcast %reduce_min3A : i1 to vector<16xi1>
      %reduce_min3A_1225 = arith.constant -2147483648 : i32
      %reduce_min3A_1226 = vector.broadcast %reduce_min3A_1225 : i32 to vector<16xi32>
      %reduce_min3A_1227 = arith.xori %select_n3A, %reduce_min3A_1226 : vector<16xi32>
      %reduce_min3A_1228 = tpu.scan <min>, %reduce_min3A_1227 masked %reduce_min3A_1224 : vector<16xi32>, vector<16xi1> -> vector<16xi32>
      %reduce_min3A_1229 = arith.xori %reduce_min3A_1228, %reduce_min3A_1226 : vector<16xi32>
      %reduce_min3A_1230 = vector.extract %reduce_min3A_1229[15] : i32 from vector<16xi32>
      %mul3A_1231 = arith.constant 128 : i32
      %mul3A_1232 = arith.muli %reduce_min3A_1230, %mul3A_1231 : i32
      %broadcast_in_dim3A_1233 = arith.constant 2048 : i32
      %broadcast_in_dim3A_1234 = vector.broadcast %broadcast_in_dim3A_1233 : i32 to vector<16xi32>
      %add3A_1235 = arith.constant 0 : i32
      %add3A_1236 = arith.addi %mul3A_1232, %add3A_1235 : i32
      %get3A_1237 = arith.index_cast %add3A_1236 : i32 to index
      %get3A_1238 = tpu.vector_load %arg9[%get3A_1237] {strides = array<i32>} : memref<2048xf32, #tpu.memory_space<vmem>>, vector<16xf32>,
      %eq3A_1239 = vector.broadcast %reduce_max3A_1220 : f32 to vector<16xf32>
      %eq3A_1240 = arith.cmpf oeq, %get3A_1238, %eq3A_1239 : vector<16xf32>
      %add3A_1241 = vector.broadcast %add3A_1236 : i32 to vector<16xi32>
      %add3A_1242 = arith.addi %add3A_1241, %iota3A : vector<16xi32>
      %jit3A_1243 = arith.constant 2048 : i32
      %broadcast_in_dim3A_1244 = vector.broadcast %jit3A_1243 : i32 to vector<16xi32>
      %select_n3A_1245 = arith.select %eq3A_1240, %add3A_1242, %broadcast_in_dim3A_1244 : vector<16xi1>, vector<16xi32>
      %min3A = arith.minsi %broadcast_in_dim3A_1234, %select_n3A_1245 : vector<16xi32>
      %add3A_1246 = arith.constant 16 : i32
      %add3A_1247 = arith.addi %mul3A_1232, %add3A_1246 : i32
      %get3A_1248 = arith.index_cast %add3A_1247 : i32 to index
      %get3A_1249 = tpu.vector_load %arg9[%get3A_1248] {strides = array<i32>} : memref<2048xf32, #tpu.memory_space<vmem>>, vector<16xf32>,
      %eq3A_1250 = vector.broadcast %reduce_max3A_1220 : f32 to vector<16xf32>
      %eq3A_1251 = arith.cmpf oeq, %get3A_1249, %eq3A_1250 : vector<16xf32>
      %add3A_1252 = vector.broadcast %add3A_1247 : i32 to vector<16xi32>
      %add3A_1253 = arith.addi %add3A_1252, %iota3A : vector<16xi32>
      %jit3A_1254 = arith.constant 2048 : i32
      %broadcast_in_dim3A_1255 = vector.broadcast %jit3A_1254 : i32 to vector<16xi32>
      %select_n3A_1256 = arith.select %eq3A_1251, %add3A_1253, %broadcast_in_dim3A_1255 : vector<16xi1>, vector<16xi32>
      %min3A_1257 = arith.minsi %min3A, %select_n3A_1256 : vector<16xi32>
      %add3A_1258 = arith.constant 32 : i32
      %add3A_1259 = arith.addi %mul3A_1232, %add3A_1258 : i32
      %get3A_1260 = arith.index_cast %add3A_1259 : i32 to index
      %get3A_1261 = tpu.vector_load %arg9[%get3A_1260] {strides = array<i32>} : memref<2048xf32, #tpu.memory_space<vmem>>, vector<16xf32>,
      %eq3A_1262 = vector.broadcast %reduce_max3A_1220 : f32 to vector<16xf32>
      %eq3A_1263 = arith.cmpf oeq, %get3A_1261, %eq3A_1262 : vector<16xf32>
      %add3A_1264 = vector.broadcast %add3A_1259 : i32 to vector<16xi32>
      %add3A_1265 = arith.addi %add3A_1264, %iota3A : vector<16xi32>
      %jit3A_1266 = arith.constant 2048 : i32
      %broadcast_in_dim3A_1267 = vector.broadcast %jit3A_1266 : i32 to vector<16xi32>
      %select_n3A_1268 = arith.select %eq3A_1263, %add3A_1265, %broadcast_in_dim3A_1267 : vector<16xi1>, vector<16xi32>
      %min3A_1269 = arith.minsi %min3A_1257, %select_n3A_1268 : vector<16xi32>
      %add3A_1270 = arith.constant 48 : i32
      %add3A_1271 = arith.addi %mul3A_1232, %add3A_1270 : i32
      %get3A_1272 = arith.index_cast %add3A_1271 : i32 to index
      %get3A_1273 = tpu.vector_load %arg9[%get3A_1272] {strides = array<i32>} : memref<2048xf32, #tpu.memory_space<vmem>>, vector<16xf32>,
      %eq3A_1274 = vector.broadcast %reduce_max3A_1220 : f32 to vector<16xf32>
      %eq3A_1275 = arith.cmpf oeq, %get3A_1273, %eq3A_1274 : vector<16xf32>
      %add3A_1276 = vector.broadcast %add3A_1271 : i32 to vector<16xi32>
      %add3A_1277 = arith.addi %add3A_1276, %iota3A : vector<16xi32>
      %jit3A_1278 = arith.constant 2048 : i32
      %broadcast_in_dim3A_1279 = vector.broadcast %jit3A_1278 : i32 to vector<16xi32>
      %select_n3A_1280 = arith.select %eq3A_1275, %add3A_1277, %broadcast_in_dim3A_1279 : vector<16xi1>, vector<16xi32>
      %min3A_1281 = arith.minsi %min3A_1269, %select_n3A_1280 : vector<16xi32>
      %add3A_1282 = arith.constant 64 : i32
      %add3A_1283 = arith.addi %mul3A_1232, %add3A_1282 : i32
      %get3A_1284 = arith.index_cast %add3A_1283 : i32 to index
      %get3A_1285 = tpu.vector_load %arg9[%get3A_1284] {strides = array<i32>} : memref<2048xf32, #tpu.memory_space<vmem>>, vector<16xf32>,
      %eq3A_1286 = vector.broadcast %reduce_max3A_1220 : f32 to vector<16xf32>
      %eq3A_1287 = arith.cmpf oeq, %get3A_1285, %eq3A_1286 : vector<16xf32>
      %add3A_1288 = vector.broadcast %add3A_1283 : i32 to vector<16xi32>
      %add3A_1289 = arith.addi %add3A_1288, %iota3A : vector<16xi32>
      %jit3A_1290 = arith.constant 2048 : i32
      %broadcast_in_dim3A_1291 = vector.broadcast %jit3A_1290 : i32 to vector<16xi32>
      %select_n3A_1292 = arith.select %eq3A_1287, %add3A_1289, %broadcast_in_dim3A_1291 : vector<16xi1>, vector<16xi32>
      %min3A_1293 = arith.minsi %min3A_1281, %select_n3A_1292 : vector<16xi32>
      %add3A_1294 = arith.constant 80 : i32
      %add3A_1295 = arith.addi %mul3A_1232, %add3A_1294 : i32
      %get3A_1296 = arith.index_cast %add3A_1295 : i32 to index
      %get3A_1297 = tpu.vector_load %arg9[%get3A_1296] {strides = array<i32>} : memref<2048xf32, #tpu.memory_space<vmem>>, vector<16xf32>,
      %eq3A_1298 = vector.broadcast %reduce_max3A_1220 : f32 to vector<16xf32>
      %eq3A_1299 = arith.cmpf oeq, %get3A_1297, %eq3A_1298 : vector<16xf32>
      %add3A_1300 = vector.broadcast %add3A_1295 : i32 to vector<16xi32>
      %add3A_1301 = arith.addi %add3A_1300, %iota3A : vector<16xi32>
      %jit3A_1302 = arith.constant 2048 : i32
      %broadcast_in_dim3A_1303 = vector.broadcast %jit3A_1302 : i32 to vector<16xi32>
      %select_n3A_1304 = arith.select %eq3A_1299, %add3A_1301, %broadcast_in_dim3A_1303 : vector<16xi1>, vector<16xi32>
      %min3A_1305 = arith.minsi %min3A_1293, %select_n3A_1304 : vector<16xi32>
      %add3A_1306 = arith.constant 96 : i32
      %add3A_1307 = arith.addi %mul3A_1232, %add3A_1306 : i32
      %get3A_1308 = arith.index_cast %add3A_1307 : i32 to index
      %get3A_1309 = tpu.vector_load %arg9[%get3A_1308] {strides = array<i32>} : memref<2048xf32, #tpu.memory_space<vmem>>, vector<16xf32>,
      %eq3A_1310 = vector.broadcast %reduce_max3A_1220 : f32 to vector<16xf32>
      %eq3A_1311 = arith.cmpf oeq, %get3A_1309, %eq3A_1310 : vector<16xf32>
      %add3A_1312 = vector.broadcast %add3A_1307 : i32 to vector<16xi32>
      %add3A_1313 = arith.addi %add3A_1312, %iota3A : vector<16xi32>
      %jit3A_1314 = arith.constant 2048 : i32
      %broadcast_in_dim3A_1315 = vector.broadcast %jit3A_1314 : i32 to vector<16xi32>
      %select_n3A_1316 = arith.select %eq3A_1311, %add3A_1313, %broadcast_in_dim3A_1315 : vector<16xi1>, vector<16xi32>
      %min3A_1317 = arith.minsi %min3A_1305, %select_n3A_1316 : vector<16xi32>
      %add3A_1318 = arith.constant 112 : i32
      %add3A_1319 = arith.addi %mul3A_1232, %add3A_1318 : i32
      %get3A_1320 = arith.index_cast %add3A_1319 : i32 to index
      %get3A_1321 = tpu.vector_load %arg9[%get3A_1320] {strides = array<i32>} : memref<2048xf32, #tpu.memory_space<vmem>>, vector<16xf32>,
      %eq3A_1322 = vector.broadcast %reduce_max3A_1220 : f32 to vector<16xf32>
      %eq3A_1323 = arith.cmpf oeq, %get3A_1321, %eq3A_1322 : vector<16xf32>
      %add3A_1324 = vector.broadcast %add3A_1319 : i32 to vector<16xi32>
      %add3A_1325 = arith.addi %add3A_1324, %iota3A : vector<16xi32>
      %jit3A_1326 = arith.constant 2048 : i32
      %broadcast_in_dim3A_1327 = vector.broadcast %jit3A_1326 : i32 to vector<16xi32>
      %select_n3A_1328 = arith.select %eq3A_1323, %add3A_1325, %broadcast_in_dim3A_1327 : vector<16xi1>, vector<16xi32>
      %min3A_1329 = arith.minsi %min3A_1317, %select_n3A_1328 : vector<16xi32>
      %reduce_min3A_1330 = arith.constant true
      %reduce_min3A_1331 = vector.broadcast %reduce_min3A_1330 : i1 to vector<16xi1>
      %reduce_min3A_1332 = arith.constant -2147483648 : i32
      %reduce_min3A_1333 = vector.broadcast %reduce_min3A_1332 : i32 to vector<16xi32>
      %reduce_min3A_1334 = arith.xori %min3A_1329, %reduce_min3A_1333 : vector<16xi32>
      %reduce_min3A_1335 = tpu.scan <min>, %reduce_min3A_1334 masked %reduce_min3A_1331 : vector<16xi32>, vector<16xi1> -> vector<16xi32>
      %reduce_min3A_1336 = arith.xori %reduce_min3A_1335, %reduce_min3A_1333 : vector<16xi32>
      %reduce_min3A_1337 = vector.extract %reduce_min3A_1336[15] : i32 from vector<16xi32>
      %broadcast_in_dim3A_1338 = vector.broadcast %scan3A_1214 : i32 to vector<16xi32>
      %broadcast_in_dim3A_1339 = vector.broadcast %reduce_min3A_1337 : i32 to vector<16xi32>
      tpu.vector_store_idx %arg12[%broadcast_in_dim3A_1338], %broadcast_in_dim3A_1339 masked %eq3A_6 : memref<64xi32, #tpu.memory_space<vmem>>[vector<16xi32>], vector<16xi32>, vector<16xi1>
      %broadcast_in_dim3A_1340 = vector.broadcast %reduce_max3A_1220 : f32 to vector<16xf32>
      tpu.vector_store_idx %arg13[%broadcast_in_dim3A_1338], %broadcast_in_dim3A_1340 masked %eq3A_6 : memref<64xf32, #tpu.memory_space<vmem>>[vector<16xi32>], vector<16xf32>, vector<16xi1>
      %broadcast_in_dim3A_1341 = vector.broadcast %reduce_min3A_1337 : i32 to vector<16xi32>
      %broadcast_in_dim3A_1342 = arith.constant 0xFF800000 : f32
      %broadcast_in_dim3A_1343 = vector.broadcast %broadcast_in_dim3A_1342 : f32 to vector<16xf32>
      tpu.vector_store_idx %arg9[%broadcast_in_dim3A_1341], %broadcast_in_dim3A_1343 masked %eq3A_6 : memref<2048xf32, #tpu.memory_space<vmem>>[vector<16xi32>], vector<16xf32>, vector<16xi1>
      %broadcast_in_dim3A_1344 = arith.constant 0xFF800000 : f32
      %broadcast_in_dim3A_1345 = vector.broadcast %broadcast_in_dim3A_1344 : f32 to vector<16xf32>
      %add3A_1346 = arith.constant 0 : i32
      %add3A_1347 = arith.addi %mul3A_1232, %add3A_1346 : i32
      %get3A_1348 = arith.index_cast %add3A_1347 : i32 to index
      %get3A_1349 = tpu.vector_load %arg9[%get3A_1348] {strides = array<i32>} : memref<2048xf32, #tpu.memory_space<vmem>>, vector<16xf32>,
      %max3A_1350 = arith.maximumf %broadcast_in_dim3A_1345, %get3A_1349 : vector<16xf32>
      %add3A_1351 = arith.constant 16 : i32
      %add3A_1352 = arith.addi %mul3A_1232, %add3A_1351 : i32
      %get3A_1353 = arith.index_cast %add3A_1352 : i32 to index
      %get3A_1354 = tpu.vector_load %arg9[%get3A_1353] {strides = array<i32>} : memref<2048xf32, #tpu.memory_space<vmem>>, vector<16xf32>,
      %max3A_1355 = arith.maximumf %max3A_1350, %get3A_1354 : vector<16xf32>
      %add3A_1356 = arith.constant 32 : i32
      %add3A_1357 = arith.addi %mul3A_1232, %add3A_1356 : i32
      %get3A_1358 = arith.index_cast %add3A_1357 : i32 to index
      %get3A_1359 = tpu.vector_load %arg9[%get3A_1358] {strides = array<i32>} : memref<2048xf32, #tpu.memory_space<vmem>>, vector<16xf32>,
      %max3A_1360 = arith.maximumf %max3A_1355, %get3A_1359 : vector<16xf32>
      %add3A_1361 = arith.constant 48 : i32
      %add3A_1362 = arith.addi %mul3A_1232, %add3A_1361 : i32
      %get3A_1363 = arith.index_cast %add3A_1362 : i32 to index
      %get3A_1364 = tpu.vector_load %arg9[%get3A_1363] {strides = array<i32>} : memref<2048xf32, #tpu.memory_space<vmem>>, vector<16xf32>,
      %max3A_1365 = arith.maximumf %max3A_1360, %get3A_1364 : vector<16xf32>
      %add3A_1366 = arith.constant 64 : i32
      %add3A_1367 = arith.addi %mul3A_1232, %add3A_1366 : i32
      %get3A_1368 = arith.index_cast %add3A_1367 : i32 to index
      %get3A_1369 = tpu.vector_load %arg9[%get3A_1368] {strides = array<i32>} : memref<2048xf32, #tpu.memory_space<vmem>>, vector<16xf32>,
      %max3A_1370 = arith.maximumf %max3A_1365, %get3A_1369 : vector<16xf32>
      %add3A_1371 = arith.constant 80 : i32
      %add3A_1372 = arith.addi %mul3A_1232, %add3A_1371 : i32
      %get3A_1373 = arith.index_cast %add3A_1372 : i32 to index
      %get3A_1374 = tpu.vector_load %arg9[%get3A_1373] {strides = array<i32>} : memref<2048xf32, #tpu.memory_space<vmem>>, vector<16xf32>,
      %max3A_1375 = arith.maximumf %max3A_1370, %get3A_1374 : vector<16xf32>
      %add3A_1376 = arith.constant 96 : i32
      %add3A_1377 = arith.addi %mul3A_1232, %add3A_1376 : i32
      %get3A_1378 = arith.index_cast %add3A_1377 : i32 to index
      %get3A_1379 = tpu.vector_load %arg9[%get3A_1378] {strides = array<i32>} : memref<2048xf32, #tpu.memory_space<vmem>>, vector<16xf32>,
      %max3A_1380 = arith.maximumf %max3A_1375, %get3A_1379 : vector<16xf32>
      %add3A_1381 = arith.constant 112 : i32
      %add3A_1382 = arith.addi %mul3A_1232, %add3A_1381 : i32
      %get3A_1383 = arith.index_cast %add3A_1382 : i32 to index
      %get3A_1384 = tpu.vector_load %arg9[%get3A_1383] {strides = array<i32>} : memref<2048xf32, #tpu.memory_space<vmem>>, vector<16xf32>,
      %max3A_1385 = arith.maximumf %max3A_1380, %get3A_1384 : vector<16xf32>
      %broadcast_in_dim3A_1386 = vector.broadcast %reduce_min3A_1230 : i32 to vector<16xi32>
      %reduce_max3A_1387 = arith.constant true
      %reduce_max3A_1388 = vector.broadcast %reduce_max3A_1387 : i1 to vector<16xi1>
      %reduce_max3A_1389 = tpu.scan <max>, %max3A_1385 masked %reduce_max3A_1388 : vector<16xf32>, vector<16xi1> -> vector<16xf32>
      %reduce_max3A_1390 = vector.extract %reduce_max3A_1389[15] : f32 from vector<16xf32>
      %broadcast_in_dim3A_1391 = vector.broadcast %reduce_max3A_1390 : f32 to vector<16xf32>
      tpu.vector_store_idx %arg11[%broadcast_in_dim3A_1386], %broadcast_in_dim3A_1391 masked %eq3A_6 : memref<16xf32, #tpu.memory_space<vmem>>[vector<16xi32>], vector<16xf32>, vector<16xi1>
    }
    %scan3A_554 = arith.constant 50 : i32
    %get3A_555 = arith.constant 0 : index
    %get3A_556 = tpu.vector_load %arg12[%get3A_555] {strides = array<i32>} : memref<64xi32, #tpu.memory_space<vmem>>, vector<16xi32>,
    %gather3A = tpu.vector_load_idx %arg10[%get3A_556] : memref<2048xf32, #tpu.memory_space<vmem>>[vector<16xi32>], vector<16xf32>,
    %swap3A_557 = arith.constant 0 : index
    %swap3A_558 = tpu.vector_load %arg14[%swap3A_557] {strides = array<i32>} : memref<64xf32, #tpu.memory_space<vmem>>, vector<16xf32>,
    tpu.vector_store %arg14[%swap3A_557], %gather3A {strides = array<i32>} : memref<64xf32, #tpu.memory_space<vmem>>, vector<16xf32>,
    %mul3A_559 = arith.constant 2048 : i32
    %mul3A_560 = arith.muli %add3A_4, %mul3A_559 : i32
    %add3A_561 = vector.broadcast %mul3A_560 : i32 to vector<16xi32>
    %add3A_562 = arith.addi %get3A_556, %add3A_561 : vector<16xi32>
    %swap3A_563 = arith.constant 0 : index
    %swap3A_564 = tpu.vector_load %arg15[%swap3A_563] {strides = array<i32>} : memref<64xi32, #tpu.memory_space<vmem>>, vector<16xi32>,
    tpu.vector_store %arg15[%swap3A_563], %add3A_562 {strides = array<i32>} : memref<64xi32, #tpu.memory_space<vmem>>, vector<16xi32>,
    %get3A_565 = arith.constant 16 : index
    %get3A_566 = tpu.vector_load %arg12[%get3A_565] {strides = array<i32>} : memref<64xi32, #tpu.memory_space<vmem>>, vector<16xi32>,
    %gather3A_567 = tpu.vector_load_idx %arg10[%get3A_566] : memref<2048xf32, #tpu.memory_space<vmem>>[vector<16xi32>], vector<16xf32>,
    %swap3A_568 = arith.constant 16 : index
    %swap3A_569 = tpu.vector_load %arg14[%swap3A_568] {strides = array<i32>} : memref<64xf32, #tpu.memory_space<vmem>>, vector<16xf32>,
    tpu.vector_store %arg14[%swap3A_568], %gather3A_567 {strides = array<i32>} : memref<64xf32, #tpu.memory_space<vmem>>, vector<16xf32>,
    %mul3A_570 = arith.constant 2048 : i32
    %mul3A_571 = arith.muli %add3A_4, %mul3A_570 : i32
    %add3A_572 = vector.broadcast %mul3A_571 : i32 to vector<16xi32>
    %add3A_573 = arith.addi %get3A_566, %add3A_572 : vector<16xi32>
    %swap3A_574 = arith.constant 16 : index
    %swap3A_575 = tpu.vector_load %arg15[%swap3A_574] {strides = array<i32>} : memref<64xi32, #tpu.memory_space<vmem>>, vector<16xi32>,
    tpu.vector_store %arg15[%swap3A_574], %add3A_573 {strides = array<i32>} : memref<64xi32, #tpu.memory_space<vmem>>, vector<16xi32>,
    %get3A_576 = arith.constant 32 : index
    %get3A_577 = tpu.vector_load %arg12[%get3A_576] {strides = array<i32>} : memref<64xi32, #tpu.memory_space<vmem>>, vector<16xi32>,
    %gather3A_578 = tpu.vector_load_idx %arg10[%get3A_577] : memref<2048xf32, #tpu.memory_space<vmem>>[vector<16xi32>], vector<16xf32>,
    %swap3A_579 = arith.constant 32 : index
    %swap3A_580 = tpu.vector_load %arg14[%swap3A_579] {strides = array<i32>} : memref<64xf32, #tpu.memory_space<vmem>>, vector<16xf32>,
    tpu.vector_store %arg14[%swap3A_579], %gather3A_578 {strides = array<i32>} : memref<64xf32, #tpu.memory_space<vmem>>, vector<16xf32>,
    %mul3A_581 = arith.constant 2048 : i32
    %mul3A_582 = arith.muli %add3A_4, %mul3A_581 : i32
    %add3A_583 = vector.broadcast %mul3A_582 : i32 to vector<16xi32>
    %add3A_584 = arith.addi %get3A_577, %add3A_583 : vector<16xi32>
    %swap3A_585 = arith.constant 32 : index
    %swap3A_586 = tpu.vector_load %arg15[%swap3A_585] {strides = array<i32>} : memref<64xi32, #tpu.memory_space<vmem>>, vector<16xi32>,
    tpu.vector_store %arg15[%swap3A_585], %add3A_584 {strides = array<i32>} : memref<64xi32, #tpu.memory_space<vmem>>, vector<16xi32>,
    %get3A_587 = arith.constant 48 : index
    %get3A_588 = tpu.vector_load %arg12[%get3A_587] {strides = array<i32>} : memref<64xi32, #tpu.memory_space<vmem>>, vector<16xi32>,
    %gather3A_589 = tpu.vector_load_idx %arg10[%get3A_588] : memref<2048xf32, #tpu.memory_space<vmem>>[vector<16xi32>], vector<16xf32>,
    %swap3A_590 = arith.constant 48 : index
    %swap3A_591 = tpu.vector_load %arg14[%swap3A_590] {strides = array<i32>} : memref<64xf32, #tpu.memory_space<vmem>>, vector<16xf32>,
    tpu.vector_store %arg14[%swap3A_590], %gather3A_589 {strides = array<i32>} : memref<64xf32, #tpu.memory_space<vmem>>, vector<16xf32>,
    %mul3A_592 = arith.constant 2048 : i32
    %mul3A_593 = arith.muli %add3A_4, %mul3A_592 : i32
    %add3A_594 = vector.broadcast %mul3A_593 : i32 to vector<16xi32>
    %add3A_595 = arith.addi %get3A_588, %add3A_594 : vector<16xi32>
    %swap3A_596 = arith.constant 48 : index
    %swap3A_597 = tpu.vector_load %arg15[%swap3A_596] {strides = array<i32>} : memref<64xi32, #tpu.memory_space<vmem>>, vector<16xi32>,
    tpu.vector_store %arg15[%swap3A_596], %add3A_595 {strides = array<i32>} : memref<64xi32, #tpu.memory_space<vmem>>, vector<16xi32>,
    %dma_start3A = arith.constant 0 : i32
    %dma_start3A_598 = arith.constant 0 : i32
    %dma_start3A_599 = tpu.memref_slice %arg4[%dma_start3A, %dma_start3A_598] : memref<131072x256xf32, #tpu.memory_space<hbm>> -> memref<131072x256xf32, #tpu.memory_space<hbm>>
    tpu.enqueue_indirect_dma source(%dma_start3A_599 : memref<131072x256xf32, #tpu.memory_space<hbm>>) target(%arg16 : memref<64x256xf32, #tpu.memory_space<vmem>>) offsets(%arg15 : memref<64xi32, #tpu.memory_space<vmem>>) semaphore(%arg17 : memref<!tpu.dma_semaphore, #tpu.memory_space<semaphore_mem>>)
    %dma_wait3A = arith.constant 0 : i32
    %dma_wait3A_600 = arith.constant 0 : i32
    %dma_wait3A_601 = tpu.memref_slice %arg4[%dma_wait3A, %dma_wait3A_600] : memref<131072x256xf32, #tpu.memory_space<hbm>> -> memref<131072x256xf32, #tpu.memory_space<hbm>>
    tpu.wait_indirect_dma semaphore(%arg17 : memref<!tpu.dma_semaphore, #tpu.memory_space<semaphore_mem>>) src(%dma_wait3A_601 : memref<131072x256xf32, #tpu.memory_space<hbm>>) dst(%arg16 : memref<64x256xf32, #tpu.memory_space<vmem>>)
    "tpu.region"() ({
      %run_scoped3A = tpu.sem_alloc : memref<!tpu.dma_semaphore, #tpu.memory_space<semaphore_mem>>
      %dma_start3A_1214 = arith.constant 0 : i32
      %dma_start3A_1215 = arith.constant 0 : i32
      %dma_start3A_1216 = tpu.memref_slice %arg8[%add3A_4, %dma_start3A_1214, %dma_start3A_1215] : memref<64x64x256xf32, #tpu.memory_space<hbm>> -> memref<1x64x256xf32, #tpu.memory_space<hbm>>
      %dma_start3A_1217 = tpu.memref_squeeze %dma_start3A_1216 : memref<1x64x256xf32, #tpu.memory_space<hbm>> -> memref<64x256xf32, #tpu.memory_space<hbm>>
      %dma_start3A_1218 = arith.constant 0 : i32
      %dma_start3A_1219 = arith.constant 0 : i32
      %dma_start3A_1220 = tpu.memref_slice %arg8[%add3A_4, %dma_start3A_1218, %dma_start3A_1219] : memref<64x64x256xf32, #tpu.memory_space<hbm>> -> memref<1x64x256xf32, #tpu.memory_space<hbm>>
      %dma_start3A_1221 = tpu.memref_squeeze %dma_start3A_1220 : memref<1x64x256xf32, #tpu.memory_space<hbm>> -> memref<64x256xf32, #tpu.memory_space<hbm>>
      tpu.enqueue_dma source(%arg16 : memref<64x256xf32, #tpu.memory_space<vmem>>) target(%dma_start3A_1221 : memref<64x256xf32, #tpu.memory_space<hbm>>) target_semaphore(%run_scoped3A : memref<!tpu.dma_semaphore, #tpu.memory_space<semaphore_mem>>)
      %dma_wait3A_1222 = arith.constant 0 : i32
      %dma_wait3A_1223 = arith.constant 0 : i32
      %dma_wait3A_1224 = tpu.memref_slice %arg8[%add3A_4, %dma_wait3A_1222, %dma_wait3A_1223] : memref<64x64x256xf32, #tpu.memory_space<hbm>> -> memref<1x64x256xf32, #tpu.memory_space<hbm>>
      %dma_wait3A_1225 = tpu.memref_squeeze %dma_wait3A_1224 : memref<1x64x256xf32, #tpu.memory_space<hbm>> -> memref<64x256xf32, #tpu.memory_space<hbm>>
      %dma_wait3A_1226 = arith.constant 0 : i32
      %dma_wait3A_1227 = arith.constant 0 : i32
      %dma_wait3A_1228 = tpu.memref_slice %arg8[%add3A_4, %dma_wait3A_1226, %dma_wait3A_1227] : memref<64x64x256xf32, #tpu.memory_space<hbm>> -> memref<1x64x256xf32, #tpu.memory_space<hbm>>
      %dma_wait3A_1229 = tpu.memref_squeeze %dma_wait3A_1228 : memref<1x64x256xf32, #tpu.memory_space<hbm>> -> memref<64x256xf32, #tpu.memory_space<hbm>>
      tpu.wait_dma2 semaphore(%run_scoped3A : memref<!tpu.dma_semaphore, #tpu.memory_space<semaphore_mem>>) src(%arg16 : memref<64x256xf32, #tpu.memory_space<vmem>>) dst(%dma_wait3A_1229 : memref<64x256xf32, #tpu.memory_space<hbm>>)
      tpu.yield
    }) : () -> ()
    "tpu.region"() ({
      %run_scoped3A = tpu.sem_alloc : memref<!tpu.dma_semaphore, #tpu.memory_space<semaphore_mem>>
      %dma_start3A_1214 = arith.constant 0 : i32
      %dma_start3A_1215 = tpu.memref_slice %arg5[%add3A_4, %dma_start3A_1214] : memref<64x64xi32, #tpu.memory_space<hbm>> -> memref<1x64xi32, #tpu.memory_space<hbm>>
      %dma_start3A_1216 = tpu.memref_squeeze %dma_start3A_1215 : memref<1x64xi32, #tpu.memory_space<hbm>> -> memref<64xi32, #tpu.memory_space<hbm>>
      %dma_start3A_1217 = arith.constant 0 : i32
      %dma_start3A_1218 = tpu.memref_slice %arg5[%add3A_4, %dma_start3A_1217] : memref<64x64xi32, #tpu.memory_space<hbm>> -> memref<1x64xi32, #tpu.memory_space<hbm>>
      %dma_start3A_1219 = tpu.memref_squeeze %dma_start3A_1218 : memref<1x64xi32, #tpu.memory_space<hbm>> -> memref<64xi32, #tpu.memory_space<hbm>>
      tpu.enqueue_dma source(%arg12 : memref<64xi32, #tpu.memory_space<vmem>>) target(%dma_start3A_1219 : memref<64xi32, #tpu.memory_space<hbm>>) target_semaphore(%run_scoped3A : memref<!tpu.dma_semaphore, #tpu.memory_space<semaphore_mem>>)
      %dma_wait3A_1220 = arith.constant 0 : i32
      %dma_wait3A_1221 = tpu.memref_slice %arg5[%add3A_4, %dma_wait3A_1220] : memref<64x64xi32, #tpu.memory_space<hbm>> -> memref<1x64xi32, #tpu.memory_space<hbm>>
      %dma_wait3A_1222 = tpu.memref_squeeze %dma_wait3A_1221 : memref<1x64xi32, #tpu.memory_space<hbm>> -> memref<64xi32, #tpu.memory_space<hbm>>
      %dma_wait3A_1223 = arith.constant 0 : i32
      %dma_wait3A_1224 = tpu.memref_slice %arg5[%add3A_4, %dma_wait3A_1223] : memref<64x64xi32, #tpu.memory_space<hbm>> -> memref<1x64xi32, #tpu.memory_space<hbm>>
      %dma_wait3A_1225 = tpu.memref_squeeze %dma_wait3A_1224 : memref<1x64xi32, #tpu.memory_space<hbm>> -> memref<64xi32, #tpu.memory_space<hbm>>
      tpu.wait_dma2 semaphore(%run_scoped3A : memref<!tpu.dma_semaphore, #tpu.memory_space<semaphore_mem>>) src(%arg12 : memref<64xi32, #tpu.memory_space<vmem>>) dst(%dma_wait3A_1225 : memref<64xi32, #tpu.memory_space<hbm>>)
      tpu.yield
    }) : () -> ()
    "tpu.region"() ({
      %run_scoped3A = tpu.sem_alloc : memref<!tpu.dma_semaphore, #tpu.memory_space<semaphore_mem>>
      %dma_start3A_1214 = arith.constant 0 : i32
      %dma_start3A_1215 = tpu.memref_slice %arg6[%add3A_4, %dma_start3A_1214] : memref<64x64xf32, #tpu.memory_space<hbm>> -> memref<1x64xf32, #tpu.memory_space<hbm>>
      %dma_start3A_1216 = tpu.memref_squeeze %dma_start3A_1215 : memref<1x64xf32, #tpu.memory_space<hbm>> -> memref<64xf32, #tpu.memory_space<hbm>>
      %dma_start3A_1217 = arith.constant 0 : i32
      %dma_start3A_1218 = tpu.memref_slice %arg6[%add3A_4, %dma_start3A_1217] : memref<64x64xf32, #tpu.memory_space<hbm>> -> memref<1x64xf32, #tpu.memory_space<hbm>>
      %dma_start3A_1219 = tpu.memref_squeeze %dma_start3A_1218 : memref<1x64xf32, #tpu.memory_space<hbm>> -> memref<64xf32, #tpu.memory_space<hbm>>
      tpu.enqueue_dma source(%arg13 : memref<64xf32, #tpu.memory_space<vmem>>) target(%dma_start3A_1219 : memref<64xf32, #tpu.memory_space<hbm>>) target_semaphore(%run_scoped3A : memref<!tpu.dma_semaphore, #tpu.memory_space<semaphore_mem>>)
      %dma_wait3A_1220 = arith.constant 0 : i32
      %dma_wait3A_1221 = tpu.memref_slice %arg6[%add3A_4, %dma_wait3A_1220] : memref<64x64xf32, #tpu.memory_space<hbm>> -> memref<1x64xf32, #tpu.memory_space<hbm>>
      %dma_wait3A_1222 = tpu.memref_squeeze %dma_wait3A_1221 : memref<1x64xf32, #tpu.memory_space<hbm>> -> memref<64xf32, #tpu.memory_space<hbm>>
      %dma_wait3A_1223 = arith.constant 0 : i32
      %dma_wait3A_1224 = tpu.memref_slice %arg6[%add3A_4, %dma_wait3A_1223] : memref<64x64xf32, #tpu.memory_space<hbm>> -> memref<1x64xf32, #tpu.memory_space<hbm>>
      %dma_wait3A_1225 = tpu.memref_squeeze %dma_wait3A_1224 : memref<1x64xf32, #tpu.memory_space<hbm>> -> memref<64xf32, #tpu.memory_space<hbm>>
      tpu.wait_dma2 semaphore(%run_scoped3A : memref<!tpu.dma_semaphore, #tpu.memory_space<semaphore_mem>>) src(%arg13 : memref<64xf32, #tpu.memory_space<vmem>>) dst(%dma_wait3A_1225 : memref<64xf32, #tpu.memory_space<hbm>>)
      tpu.yield
    }) : () -> ()
    "tpu.region"() ({
      %run_scoped3A = tpu.sem_alloc : memref<!tpu.dma_semaphore, #tpu.memory_space<semaphore_mem>>
      %dma_start3A_1214 = arith.constant 0 : i32
      %dma_start3A_1215 = tpu.memref_slice %arg7[%add3A_4, %dma_start3A_1214] : memref<64x64xf32, #tpu.memory_space<hbm>> -> memref<1x64xf32, #tpu.memory_space<hbm>>
      %dma_start3A_1216 = tpu.memref_squeeze %dma_start3A_1215 : memref<1x64xf32, #tpu.memory_space<hbm>> -> memref<64xf32, #tpu.memory_space<hbm>>
      %dma_start3A_1217 = arith.constant 0 : i32
      %dma_start3A_1218 = tpu.memref_slice %arg7[%add3A_4, %dma_start3A_1217] : memref<64x64xf32, #tpu.memory_space<hbm>> -> memref<1x64xf32, #tpu.memory_space<hbm>>
      %dma_start3A_1219 = tpu.memref_squeeze %dma_start3A_1218 : memref<1x64xf32, #tpu.memory_space<hbm>> -> memref<64xf32, #tpu.memory_space<hbm>>
      tpu.enqueue_dma source(%arg14 : memref<64xf32, #tpu.memory_space<vmem>>) target(%dma_start3A_1219 : memref<64xf32, #tpu.memory_space<hbm>>) target_semaphore(%run_scoped3A : memref<!tpu.dma_semaphore, #tpu.memory_space<semaphore_mem>>)
      %dma_wait3A_1220 = arith.constant 0 : i32
      %dma_wait3A_1221 = tpu.memref_slice %arg7[%add3A_4, %dma_wait3A_1220] : memref<64x64xf32, #tpu.memory_space<hbm>> -> memref<1x64xf32, #tpu.memory_space<hbm>>
      %dma_wait3A_1222 = tpu.memref_squeeze %dma_wait3A_1221 : memref<1x64xf32, #tpu.memory_space<hbm>> -> memref<64xf32, #tpu.memory_space<hbm>>
      %dma_wait3A_1223 = arith.constant 0 : i32
      %dma_wait3A_1224 = tpu.memref_slice %arg7[%add3A_4, %dma_wait3A_1223] : memref<64x64xf32, #tpu.memory_space<hbm>> -> memref<1x64xf32, #tpu.memory_space<hbm>>
      %dma_wait3A_1225 = tpu.memref_squeeze %dma_wait3A_1224 : memref<1x64xf32, #tpu.memory_space<hbm>> -> memref<64xf32, #tpu.memory_space<hbm>>
      tpu.wait_dma2 semaphore(%run_scoped3A : memref<!tpu.dma_semaphore, #tpu.memory_space<semaphore_mem>>) src(%arg14 : memref<64xf32, #tpu.memory_space<vmem>>) dst(%dma_wait3A_1225 : memref<64xf32, #tpu.memory_space<hbm>>)
      tpu.yield
    }) : () -> ()
    %mul3A_602 = arith.constant 2 : i32
    %mul3A_603 = arith.muli %add3A, %mul3A_602 : i32
    %add3A_604 = arith.constant 1 : i32
    %add3A_605 = arith.addi %mul3A_603, %add3A_604 : i32
    %iota3A_606 = tpu.iota {dimensions = array<i32: 0>} : vector<16xi32>
    %eq3A_607 = arith.constant 0 : i32
    %eq3A_608 = vector.broadcast %eq3A_607 : i32 to vector<16xi32>
    %eq3A_609 = arith.cmpi eq, %iota3A_606, %eq3A_608 : vector<16xi32>
    "tpu.region"() ({
      %run_scoped3A = tpu.sem_alloc : memref<!tpu.dma_semaphore, #tpu.memory_space<semaphore_mem>>
      %dma_start3A_1214 = arith.constant 0 : i32
      %dma_start3A_1215 = tpu.memref_slice %arg2[%add3A_605, %dma_start3A_1214] : memref<64x2048xf32, #tpu.memory_space<hbm>> -> memref<1x2048xf32, #tpu.memory_space<hbm>>
      %dma_start3A_1216 = tpu.memref_squeeze %dma_start3A_1215 : memref<1x2048xf32, #tpu.memory_space<hbm>> -> memref<2048xf32, #tpu.memory_space<hbm>>
      %dma_start3A_1217 = arith.constant 0 : i32
      %dma_start3A_1218 = tpu.memref_slice %arg2[%add3A_605, %dma_start3A_1217] : memref<64x2048xf32, #tpu.memory_space<hbm>> -> memref<1x2048xf32, #tpu.memory_space<hbm>>
      %dma_start3A_1219 = tpu.memref_squeeze %dma_start3A_1218 : memref<1x2048xf32, #tpu.memory_space<hbm>> -> memref<2048xf32, #tpu.memory_space<hbm>>
      tpu.enqueue_dma source(%dma_start3A_1219 : memref<2048xf32, #tpu.memory_space<hbm>>) target(%arg9 : memref<2048xf32, #tpu.memory_space<vmem>>) target_semaphore(%run_scoped3A : memref<!tpu.dma_semaphore, #tpu.memory_space<semaphore_mem>>)
      %dma_wait3A_1220 = arith.constant 0 : i32
      %dma_wait3A_1221 = tpu.memref_slice %arg2[%add3A_605, %dma_wait3A_1220] : memref<64x2048xf32, #tpu.memory_space<hbm>> -> memref<1x2048xf32, #tpu.memory_space<hbm>>
      %dma_wait3A_1222 = tpu.memref_squeeze %dma_wait3A_1221 : memref<1x2048xf32, #tpu.memory_space<hbm>> -> memref<2048xf32, #tpu.memory_space<hbm>>
      %dma_wait3A_1223 = arith.constant 0 : i32
      %dma_wait3A_1224 = tpu.memref_slice %arg2[%add3A_605, %dma_wait3A_1223] : memref<64x2048xf32, #tpu.memory_space<hbm>> -> memref<1x2048xf32, #tpu.memory_space<hbm>>
      %dma_wait3A_1225 = tpu.memref_squeeze %dma_wait3A_1224 : memref<1x2048xf32, #tpu.memory_space<hbm>> -> memref<2048xf32, #tpu.memory_space<hbm>>
      tpu.wait_dma2 semaphore(%run_scoped3A : memref<!tpu.dma_semaphore, #tpu.memory_space<semaphore_mem>>) src(%dma_wait3A_1225 : memref<2048xf32, #tpu.memory_space<hbm>>) dst(%arg9 : memref<2048xf32, #tpu.memory_space<vmem>>)
      tpu.yield
    }) : () -> ()
    "tpu.region"() ({
      %run_scoped3A = tpu.sem_alloc : memref<!tpu.dma_semaphore, #tpu.memory_space<semaphore_mem>>
      %dma_start3A_1214 = arith.constant 0 : i32
      %dma_start3A_1215 = tpu.memref_slice %arg3[%add3A_605, %dma_start3A_1214] : memref<64x2048xf32, #tpu.memory_space<hbm>> -> memref<1x2048xf32, #tpu.memory_space<hbm>>
      %dma_start3A_1216 = tpu.memref_squeeze %dma_start3A_1215 : memref<1x2048xf32, #tpu.memory_space<hbm>> -> memref<2048xf32, #tpu.memory_space<hbm>>
      %dma_start3A_1217 = arith.constant 0 : i32
      %dma_start3A_1218 = tpu.memref_slice %arg3[%add3A_605, %dma_start3A_1217] : memref<64x2048xf32, #tpu.memory_space<hbm>> -> memref<1x2048xf32, #tpu.memory_space<hbm>>
      %dma_start3A_1219 = tpu.memref_squeeze %dma_start3A_1218 : memref<1x2048xf32, #tpu.memory_space<hbm>> -> memref<2048xf32, #tpu.memory_space<hbm>>
      tpu.enqueue_dma source(%dma_start3A_1219 : memref<2048xf32, #tpu.memory_space<hbm>>) target(%arg10 : memref<2048xf32, #tpu.memory_space<vmem>>) target_semaphore(%run_scoped3A : memref<!tpu.dma_semaphore, #tpu.memory_space<semaphore_mem>>)
      %dma_wait3A_1220 = arith.constant 0 : i32
      %dma_wait3A_1221 = tpu.memref_slice %arg3[%add3A_605, %dma_wait3A_1220] : memref<64x2048xf32, #tpu.memory_space<hbm>> -> memref<1x2048xf32, #tpu.memory_space<hbm>>
      %dma_wait3A_1222 = tpu.memref_squeeze %dma_wait3A_1221 : memref<1x2048xf32, #tpu.memory_space<hbm>> -> memref<2048xf32, #tpu.memory_space<hbm>>
      %dma_wait3A_1223 = arith.constant 0 : i32
      %dma_wait3A_1224 = tpu.memref_slice %arg3[%add3A_605, %dma_wait3A_1223] : memref<64x2048xf32, #tpu.memory_space<hbm>> -> memref<1x2048xf32, #tpu.memory_space<hbm>>
      %dma_wait3A_1225 = tpu.memref_squeeze %dma_wait3A_1224 : memref<1x2048xf32, #tpu.memory_space<hbm>> -> memref<2048xf32, #tpu.memory_space<hbm>>
      tpu.wait_dma2 semaphore(%run_scoped3A : memref<!tpu.dma_semaphore, #tpu.memory_space<semaphore_mem>>) src(%dma_wait3A_1225 : memref<2048xf32, #tpu.memory_space<hbm>>) dst(%arg10 : memref<2048xf32, #tpu.memory_space<vmem>>)
      tpu.yield
    }) : () -> ()
    %broadcast_in_dim3A_610 = arith.constant 0 : i32
    %broadcast_in_dim3A_611 = vector.broadcast %broadcast_in_dim3A_610 : i32 to vector<16xi32>
    %broadcast_in_dim3A_612 = arith.constant 0.000000e+00 : f32
    %broadcast_in_dim3A_613 = vector.broadcast %broadcast_in_dim3A_612 : f32 to vector<16xf32>
    %swap3A_614 = arith.constant 0 : index
    %swap3A_615 = tpu.vector_load %arg12[%swap3A_614] {strides = array<i32>} : memref<64xi32, #tpu.memory_space<vmem>>, vector<16xi32>,
    tpu.vector_store %arg12[%swap3A_614], %broadcast_in_dim3A_611 {strides = array<i32>} : memref<64xi32, #tpu.memory_space<vmem>>, vector<16xi32>,
    %swap3A_616 = arith.constant 0 : index
    %swap3A_617 = tpu.vector_load %arg13[%swap3A_616] {strides = array<i32>} : memref<64xf32, #tpu.memory_space<vmem>>, vector<16xf32>,
    tpu.vector_store %arg13[%swap3A_616], %broadcast_in_dim3A_613 {strides = array<i32>} : memref<64xf32, #tpu.memory_space<vmem>>, vector<16xf32>,
    %swap3A_618 = arith.constant 16 : index
    %swap3A_619 = tpu.vector_load %arg12[%swap3A_618] {strides = array<i32>} : memref<64xi32, #tpu.memory_space<vmem>>, vector<16xi32>,
    tpu.vector_store %arg12[%swap3A_618], %broadcast_in_dim3A_611 {strides = array<i32>} : memref<64xi32, #tpu.memory_space<vmem>>, vector<16xi32>,
    %swap3A_620 = arith.constant 16 : index
    %swap3A_621 = tpu.vector_load %arg13[%swap3A_620] {strides = array<i32>} : memref<64xf32, #tpu.memory_space<vmem>>, vector<16xf32>,
    tpu.vector_store %arg13[%swap3A_620], %broadcast_in_dim3A_613 {strides = array<i32>} : memref<64xf32, #tpu.memory_space<vmem>>, vector<16xf32>,
    %swap3A_622 = arith.constant 32 : index
    %swap3A_623 = tpu.vector_load %arg12[%swap3A_622] {strides = array<i32>} : memref<64xi32, #tpu.memory_space<vmem>>, vector<16xi32>,
    tpu.vector_store %arg12[%swap3A_622], %broadcast_in_dim3A_611 {strides = array<i32>} : memref<64xi32, #tpu.memory_space<vmem>>, vector<16xi32>,
    %swap3A_624 = arith.constant 32 : index
    %swap3A_625 = tpu.vector_load %arg13[%swap3A_624] {strides = array<i32>} : memref<64xf32, #tpu.memory_space<vmem>>, vector<16xf32>,
    tpu.vector_store %arg13[%swap3A_624], %broadcast_in_dim3A_613 {strides = array<i32>} : memref<64xf32, #tpu.memory_space<vmem>>, vector<16xf32>,
    %swap3A_626 = arith.constant 48 : index
    %swap3A_627 = tpu.vector_load %arg12[%swap3A_626] {strides = array<i32>} : memref<64xi32, #tpu.memory_space<vmem>>, vector<16xi32>,
    tpu.vector_store %arg12[%swap3A_626], %broadcast_in_dim3A_611 {strides = array<i32>} : memref<64xi32, #tpu.memory_space<vmem>>, vector<16xi32>,
    %swap3A_628 = arith.constant 48 : index
    %swap3A_629 = tpu.vector_load %arg13[%swap3A_628] {strides = array<i32>} : memref<64xf32, #tpu.memory_space<vmem>>, vector<16xf32>,
    tpu.vector_store %arg13[%swap3A_628], %broadcast_in_dim3A_613 {strides = array<i32>} : memref<64xf32, #tpu.memory_space<vmem>>, vector<16xf32>,
    %broadcast_in_dim3A_630 = arith.constant 0xFF800000 : f32
    %broadcast_in_dim3A_631 = vector.broadcast %broadcast_in_dim3A_630 : f32 to vector<16xf32>
    %get3A_632 = arith.constant 0 : index
    %get3A_633 = tpu.vector_load %arg9[%get3A_632] {strides = array<i32>} : memref<2048xf32, #tpu.memory_space<vmem>>, vector<16xf32>,
    %max3A_634 = arith.maximumf %broadcast_in_dim3A_631, %get3A_633 : vector<16xf32>
    %get3A_635 = arith.constant 16 : index
    %get3A_636 = tpu.vector_load %arg9[%get3A_635] {strides = array<i32>} : memref<2048xf32, #tpu.memory_space<vmem>>, vector<16xf32>,
    %max3A_637 = arith.maximumf %max3A_634, %get3A_636 : vector<16xf32>
    %get3A_638 = arith.constant 32 : index
    %get3A_639 = tpu.vector_load %arg9[%get3A_638] {strides = array<i32>} : memref<2048xf32, #tpu.memory_space<vmem>>, vector<16xf32>,
    %max3A_640 = arith.maximumf %max3A_637, %get3A_639 : vector<16xf32>
    %get3A_641 = arith.constant 48 : index
    %get3A_642 = tpu.vector_load %arg9[%get3A_641] {strides = array<i32>} : memref<2048xf32, #tpu.memory_space<vmem>>, vector<16xf32>,
    %max3A_643 = arith.maximumf %max3A_640, %get3A_642 : vector<16xf32>
    %get3A_644 = arith.constant 64 : index
    %get3A_645 = tpu.vector_load %arg9[%get3A_644] {strides = array<i32>} : memref<2048xf32, #tpu.memory_space<vmem>>, vector<16xf32>,
    %max3A_646 = arith.maximumf %max3A_643, %get3A_645 : vector<16xf32>
    %get3A_647 = arith.constant 80 : index
    %get3A_648 = tpu.vector_load %arg9[%get3A_647] {strides = array<i32>} : memref<2048xf32, #tpu.memory_space<vmem>>, vector<16xf32>,
    %max3A_649 = arith.maximumf %max3A_646, %get3A_648 : vector<16xf32>
    %get3A_650 = arith.constant 96 : index
    %get3A_651 = tpu.vector_load %arg9[%get3A_650] {strides = array<i32>} : memref<2048xf32, #tpu.memory_space<vmem>>, vector<16xf32>,
    %max3A_652 = arith.maximumf %max3A_649, %get3A_651 : vector<16xf32>
    %get3A_653 = arith.constant 112 : index
    %get3A_654 = tpu.vector_load %arg9[%get3A_653] {strides = array<i32>} : memref<2048xf32, #tpu.memory_space<vmem>>, vector<16xf32>,
    %max3A_655 = arith.maximumf %max3A_652, %get3A_654 : vector<16xf32>
    %broadcast_in_dim3A_656 = arith.constant 0 : i32
    %broadcast_in_dim3A_657 = vector.broadcast %broadcast_in_dim3A_656 : i32 to vector<16xi32>
    %reduce_max3A_658 = arith.constant true
    %reduce_max3A_659 = vector.broadcast %reduce_max3A_658 : i1 to vector<16xi1>
    %reduce_max3A_660 = tpu.scan <max>, %max3A_655 masked %reduce_max3A_659 : vector<16xf32>, vector<16xi1> -> vector<16xf32>
    %reduce_max3A_661 = vector.extract %reduce_max3A_660[15] : f32 from vector<16xf32>
    %broadcast_in_dim3A_662 = vector.broadcast %reduce_max3A_661 : f32 to vector<16xf32>
    tpu.vector_store_idx %arg11[%broadcast_in_dim3A_657], %broadcast_in_dim3A_662 masked %eq3A_609 : memref<16xf32, #tpu.memory_space<vmem>>[vector<16xi32>], vector<16xf32>, vector<16xi1>
    %broadcast_in_dim3A_663 = arith.constant 0xFF800000 : f32
    %broadcast_in_dim3A_664 = vector.broadcast %broadcast_in_dim3A_663 : f32 to vector<16xf32>
    %get3A_665 = arith.constant 128 : index
    %get3A_666 = tpu.vector_load %arg9[%get3A_665] {strides = array<i32>} : memref<2048xf32, #tpu.memory_space<vmem>>, vector<16xf32>,
    %max3A_667 = arith.maximumf %broadcast_in_dim3A_664, %get3A_666 : vector<16xf32>
    %get3A_668 = arith.constant 144 : index
    %get3A_669 = tpu.vector_load %arg9[%get3A_668] {strides = array<i32>} : memref<2048xf32, #tpu.memory_space<vmem>>, vector<16xf32>,
    %max3A_670 = arith.maximumf %max3A_667, %get3A_669 : vector<16xf32>
    %get3A_671 = arith.constant 160 : index
    %get3A_672 = tpu.vector_load %arg9[%get3A_671] {strides = array<i32>} : memref<2048xf32, #tpu.memory_space<vmem>>, vector<16xf32>,
    %max3A_673 = arith.maximumf %max3A_670, %get3A_672 : vector<16xf32>
    %get3A_674 = arith.constant 176 : index
    %get3A_675 = tpu.vector_load %arg9[%get3A_674] {strides = array<i32>} : memref<2048xf32, #tpu.memory_space<vmem>>, vector<16xf32>,
    %max3A_676 = arith.maximumf %max3A_673, %get3A_675 : vector<16xf32>
    %get3A_677 = arith.constant 192 : index
    %get3A_678 = tpu.vector_load %arg9[%get3A_677] {strides = array<i32>} : memref<2048xf32, #tpu.memory_space<vmem>>, vector<16xf32>,
    %max3A_679 = arith.maximumf %max3A_676, %get3A_678 : vector<16xf32>
    %get3A_680 = arith.constant 208 : index
    %get3A_681 = tpu.vector_load %arg9[%get3A_680] {strides = array<i32>} : memref<2048xf32, #tpu.memory_space<vmem>>, vector<16xf32>,
    %max3A_682 = arith.maximumf %max3A_679, %get3A_681 : vector<16xf32>
    %get3A_683 = arith.constant 224 : index
    %get3A_684 = tpu.vector_load %arg9[%get3A_683] {strides = array<i32>} : memref<2048xf32, #tpu.memory_space<vmem>>, vector<16xf32>,
    %max3A_685 = arith.maximumf %max3A_682, %get3A_684 : vector<16xf32>
    %get3A_686 = arith.constant 240 : index
    %get3A_687 = tpu.vector_load %arg9[%get3A_686] {strides = array<i32>} : memref<2048xf32, #tpu.memory_space<vmem>>, vector<16xf32>,
    %max3A_688 = arith.maximumf %max3A_685, %get3A_687 : vector<16xf32>
    %broadcast_in_dim3A_689 = arith.constant 1 : i32
    %broadcast_in_dim3A_690 = vector.broadcast %broadcast_in_dim3A_689 : i32 to vector<16xi32>
    %reduce_max3A_691 = arith.constant true
    %reduce_max3A_692 = vector.broadcast %reduce_max3A_691 : i1 to vector<16xi1>
    %reduce_max3A_693 = tpu.scan <max>, %max3A_688 masked %reduce_max3A_692 : vector<16xf32>, vector<16xi1> -> vector<16xf32>
    %reduce_max3A_694 = vector.extract %reduce_max3A_693[15] : f32 from vector<16xf32>
    %broadcast_in_dim3A_695 = vector.broadcast %reduce_max3A_694 : f32 to vector<16xf32>
    tpu.vector_store_idx %arg11[%broadcast_in_dim3A_690], %broadcast_in_dim3A_695 masked %eq3A_609 : memref<16xf32, #tpu.memory_space<vmem>>[vector<16xi32>], vector<16xf32>, vector<16xi1>
    %broadcast_in_dim3A_696 = arith.constant 0xFF800000 : f32
    %broadcast_in_dim3A_697 = vector.broadcast %broadcast_in_dim3A_696 : f32 to vector<16xf32>
    %get3A_698 = arith.constant 256 : index
    %get3A_699 = tpu.vector_load %arg9[%get3A_698] {strides = array<i32>} : memref<2048xf32, #tpu.memory_space<vmem>>, vector<16xf32>,
    %max3A_700 = arith.maximumf %broadcast_in_dim3A_697, %get3A_699 : vector<16xf32>
    %get3A_701 = arith.constant 272 : index
    %get3A_702 = tpu.vector_load %arg9[%get3A_701] {strides = array<i32>} : memref<2048xf32, #tpu.memory_space<vmem>>, vector<16xf32>,
    %max3A_703 = arith.maximumf %max3A_700, %get3A_702 : vector<16xf32>
    %get3A_704 = arith.constant 288 : index
    %get3A_705 = tpu.vector_load %arg9[%get3A_704] {strides = array<i32>} : memref<2048xf32, #tpu.memory_space<vmem>>, vector<16xf32>,
    %max3A_706 = arith.maximumf %max3A_703, %get3A_705 : vector<16xf32>
    %get3A_707 = arith.constant 304 : index
    %get3A_708 = tpu.vector_load %arg9[%get3A_707] {strides = array<i32>} : memref<2048xf32, #tpu.memory_space<vmem>>, vector<16xf32>,
    %max3A_709 = arith.maximumf %max3A_706, %get3A_708 : vector<16xf32>
    %get3A_710 = arith.constant 320 : index
    %get3A_711 = tpu.vector_load %arg9[%get3A_710] {strides = array<i32>} : memref<2048xf32, #tpu.memory_space<vmem>>, vector<16xf32>,
    %max3A_712 = arith.maximumf %max3A_709, %get3A_711 : vector<16xf32>
    %get3A_713 = arith.constant 336 : index
    %get3A_714 = tpu.vector_load %arg9[%get3A_713] {strides = array<i32>} : memref<2048xf32, #tpu.memory_space<vmem>>, vector<16xf32>,
    %max3A_715 = arith.maximumf %max3A_712, %get3A_714 : vector<16xf32>
    %get3A_716 = arith.constant 352 : index
    %get3A_717 = tpu.vector_load %arg9[%get3A_716] {strides = array<i32>} : memref<2048xf32, #tpu.memory_space<vmem>>, vector<16xf32>,
    %max3A_718 = arith.maximumf %max3A_715, %get3A_717 : vector<16xf32>
    %get3A_719 = arith.constant 368 : index
    %get3A_720 = tpu.vector_load %arg9[%get3A_719] {strides = array<i32>} : memref<2048xf32, #tpu.memory_space<vmem>>, vector<16xf32>,
    %max3A_721 = arith.maximumf %max3A_718, %get3A_720 : vector<16xf32>
    %broadcast_in_dim3A_722 = arith.constant 2 : i32
    %broadcast_in_dim3A_723 = vector.broadcast %broadcast_in_dim3A_722 : i32 to vector<16xi32>
    %reduce_max3A_724 = arith.constant true
    %reduce_max3A_725 = vector.broadcast %reduce_max3A_724 : i1 to vector<16xi1>
    %reduce_max3A_726 = tpu.scan <max>, %max3A_721 masked %reduce_max3A_725 : vector<16xf32>, vector<16xi1> -> vector<16xf32>
    %reduce_max3A_727 = vector.extract %reduce_max3A_726[15] : f32 from vector<16xf32>
    %broadcast_in_dim3A_728 = vector.broadcast %reduce_max3A_727 : f32 to vector<16xf32>
    tpu.vector_store_idx %arg11[%broadcast_in_dim3A_723], %broadcast_in_dim3A_728 masked %eq3A_609 : memref<16xf32, #tpu.memory_space<vmem>>[vector<16xi32>], vector<16xf32>, vector<16xi1>
    %broadcast_in_dim3A_729 = arith.constant 0xFF800000 : f32
    %broadcast_in_dim3A_730 = vector.broadcast %broadcast_in_dim3A_729 : f32 to vector<16xf32>
    %get3A_731 = arith.constant 384 : index
    %get3A_732 = tpu.vector_load %arg9[%get3A_731] {strides = array<i32>} : memref<2048xf32, #tpu.memory_space<vmem>>, vector<16xf32>,
    %max3A_733 = arith.maximumf %broadcast_in_dim3A_730, %get3A_732 : vector<16xf32>
    %get3A_734 = arith.constant 400 : index
    %get3A_735 = tpu.vector_load %arg9[%get3A_734] {strides = array<i32>} : memref<2048xf32, #tpu.memory_space<vmem>>, vector<16xf32>,
    %max3A_736 = arith.maximumf %max3A_733, %get3A_735 : vector<16xf32>
    %get3A_737 = arith.constant 416 : index
    %get3A_738 = tpu.vector_load %arg9[%get3A_737] {strides = array<i32>} : memref<2048xf32, #tpu.memory_space<vmem>>, vector<16xf32>,
    %max3A_739 = arith.maximumf %max3A_736, %get3A_738 : vector<16xf32>
    %get3A_740 = arith.constant 432 : index
    %get3A_741 = tpu.vector_load %arg9[%get3A_740] {strides = array<i32>} : memref<2048xf32, #tpu.memory_space<vmem>>, vector<16xf32>,
    %max3A_742 = arith.maximumf %max3A_739, %get3A_741 : vector<16xf32>
    %get3A_743 = arith.constant 448 : index
    %get3A_744 = tpu.vector_load %arg9[%get3A_743] {strides = array<i32>} : memref<2048xf32, #tpu.memory_space<vmem>>, vector<16xf32>,
    %max3A_745 = arith.maximumf %max3A_742, %get3A_744 : vector<16xf32>
    %get3A_746 = arith.constant 464 : index
    %get3A_747 = tpu.vector_load %arg9[%get3A_746] {strides = array<i32>} : memref<2048xf32, #tpu.memory_space<vmem>>, vector<16xf32>,
    %max3A_748 = arith.maximumf %max3A_745, %get3A_747 : vector<16xf32>
    %get3A_749 = arith.constant 480 : index
    %get3A_750 = tpu.vector_load %arg9[%get3A_749] {strides = array<i32>} : memref<2048xf32, #tpu.memory_space<vmem>>, vector<16xf32>,
    %max3A_751 = arith.maximumf %max3A_748, %get3A_750 : vector<16xf32>
    %get3A_752 = arith.constant 496 : index
    %get3A_753 = tpu.vector_load %arg9[%get3A_752] {strides = array<i32>} : memref<2048xf32, #tpu.memory_space<vmem>>, vector<16xf32>,
    %max3A_754 = arith.maximumf %max3A_751, %get3A_753 : vector<16xf32>
    %broadcast_in_dim3A_755 = arith.constant 3 : i32
    %broadcast_in_dim3A_756 = vector.broadcast %broadcast_in_dim3A_755 : i32 to vector<16xi32>
    %reduce_max3A_757 = arith.constant true
    %reduce_max3A_758 = vector.broadcast %reduce_max3A_757 : i1 to vector<16xi1>
    %reduce_max3A_759 = tpu.scan <max>, %max3A_754 masked %reduce_max3A_758 : vector<16xf32>, vector<16xi1> -> vector<16xf32>
    %reduce_max3A_760 = vector.extract %reduce_max3A_759[15] : f32 from vector<16xf32>
    %broadcast_in_dim3A_761 = vector.broadcast %reduce_max3A_760 : f32 to vector<16xf32>
    tpu.vector_store_idx %arg11[%broadcast_in_dim3A_756], %broadcast_in_dim3A_761 masked %eq3A_609 : memref<16xf32, #tpu.memory_space<vmem>>[vector<16xi32>], vector<16xf32>, vector<16xi1>
    %broadcast_in_dim3A_762 = arith.constant 0xFF800000 : f32
    %broadcast_in_dim3A_763 = vector.broadcast %broadcast_in_dim3A_762 : f32 to vector<16xf32>
    %get3A_764 = arith.constant 512 : index
    %get3A_765 = tpu.vector_load %arg9[%get3A_764] {strides = array<i32>} : memref<2048xf32, #tpu.memory_space<vmem>>, vector<16xf32>,
    %max3A_766 = arith.maximumf %broadcast_in_dim3A_763, %get3A_765 : vector<16xf32>
    %get3A_767 = arith.constant 528 : index
    %get3A_768 = tpu.vector_load %arg9[%get3A_767] {strides = array<i32>} : memref<2048xf32, #tpu.memory_space<vmem>>, vector<16xf32>,
    %max3A_769 = arith.maximumf %max3A_766, %get3A_768 : vector<16xf32>
    %get3A_770 = arith.constant 544 : index
    %get3A_771 = tpu.vector_load %arg9[%get3A_770] {strides = array<i32>} : memref<2048xf32, #tpu.memory_space<vmem>>, vector<16xf32>,
    %max3A_772 = arith.maximumf %max3A_769, %get3A_771 : vector<16xf32>
    %get3A_773 = arith.constant 560 : index
    %get3A_774 = tpu.vector_load %arg9[%get3A_773] {strides = array<i32>} : memref<2048xf32, #tpu.memory_space<vmem>>, vector<16xf32>,
    %max3A_775 = arith.maximumf %max3A_772, %get3A_774 : vector<16xf32>
    %get3A_776 = arith.constant 576 : index
    %get3A_777 = tpu.vector_load %arg9[%get3A_776] {strides = array<i32>} : memref<2048xf32, #tpu.memory_space<vmem>>, vector<16xf32>,
    %max3A_778 = arith.maximumf %max3A_775, %get3A_777 : vector<16xf32>
    %get3A_779 = arith.constant 592 : index
    %get3A_780 = tpu.vector_load %arg9[%get3A_779] {strides = array<i32>} : memref<2048xf32, #tpu.memory_space<vmem>>, vector<16xf32>,
    %max3A_781 = arith.maximumf %max3A_778, %get3A_780 : vector<16xf32>
    %get3A_782 = arith.constant 608 : index
    %get3A_783 = tpu.vector_load %arg9[%get3A_782] {strides = array<i32>} : memref<2048xf32, #tpu.memory_space<vmem>>, vector<16xf32>,
    %max3A_784 = arith.maximumf %max3A_781, %get3A_783 : vector<16xf32>
    %get3A_785 = arith.constant 624 : index
    %get3A_786 = tpu.vector_load %arg9[%get3A_785] {strides = array<i32>} : memref<2048xf32, #tpu.memory_space<vmem>>, vector<16xf32>,
    %max3A_787 = arith.maximumf %max3A_784, %get3A_786 : vector<16xf32>
    %broadcast_in_dim3A_788 = arith.constant 4 : i32
    %broadcast_in_dim3A_789 = vector.broadcast %broadcast_in_dim3A_788 : i32 to vector<16xi32>
    %reduce_max3A_790 = arith.constant true
    %reduce_max3A_791 = vector.broadcast %reduce_max3A_790 : i1 to vector<16xi1>
    %reduce_max3A_792 = tpu.scan <max>, %max3A_787 masked %reduce_max3A_791 : vector<16xf32>, vector<16xi1> -> vector<16xf32>
    %reduce_max3A_793 = vector.extract %reduce_max3A_792[15] : f32 from vector<16xf32>
    %broadcast_in_dim3A_794 = vector.broadcast %reduce_max3A_793 : f32 to vector<16xf32>
    tpu.vector_store_idx %arg11[%broadcast_in_dim3A_789], %broadcast_in_dim3A_794 masked %eq3A_609 : memref<16xf32, #tpu.memory_space<vmem>>[vector<16xi32>], vector<16xf32>, vector<16xi1>
    %broadcast_in_dim3A_795 = arith.constant 0xFF800000 : f32
    %broadcast_in_dim3A_796 = vector.broadcast %broadcast_in_dim3A_795 : f32 to vector<16xf32>
    %get3A_797 = arith.constant 640 : index
    %get3A_798 = tpu.vector_load %arg9[%get3A_797] {strides = array<i32>} : memref<2048xf32, #tpu.memory_space<vmem>>, vector<16xf32>,
    %max3A_799 = arith.maximumf %broadcast_in_dim3A_796, %get3A_798 : vector<16xf32>
    %get3A_800 = arith.constant 656 : index
    %get3A_801 = tpu.vector_load %arg9[%get3A_800] {strides = array<i32>} : memref<2048xf32, #tpu.memory_space<vmem>>, vector<16xf32>,
    %max3A_802 = arith.maximumf %max3A_799, %get3A_801 : vector<16xf32>
    %get3A_803 = arith.constant 672 : index
    %get3A_804 = tpu.vector_load %arg9[%get3A_803] {strides = array<i32>} : memref<2048xf32, #tpu.memory_space<vmem>>, vector<16xf32>,
    %max3A_805 = arith.maximumf %max3A_802, %get3A_804 : vector<16xf32>
    %get3A_806 = arith.constant 688 : index
    %get3A_807 = tpu.vector_load %arg9[%get3A_806] {strides = array<i32>} : memref<2048xf32, #tpu.memory_space<vmem>>, vector<16xf32>,
    %max3A_808 = arith.maximumf %max3A_805, %get3A_807 : vector<16xf32>
    %get3A_809 = arith.constant 704 : index
    %get3A_810 = tpu.vector_load %arg9[%get3A_809] {strides = array<i32>} : memref<2048xf32, #tpu.memory_space<vmem>>, vector<16xf32>,
    %max3A_811 = arith.maximumf %max3A_808, %get3A_810 : vector<16xf32>
    %get3A_812 = arith.constant 720 : index
    %get3A_813 = tpu.vector_load %arg9[%get3A_812] {strides = array<i32>} : memref<2048xf32, #tpu.memory_space<vmem>>, vector<16xf32>,
    %max3A_814 = arith.maximumf %max3A_811, %get3A_813 : vector<16xf32>
    %get3A_815 = arith.constant 736 : index
    %get3A_816 = tpu.vector_load %arg9[%get3A_815] {strides = array<i32>} : memref<2048xf32, #tpu.memory_space<vmem>>, vector<16xf32>,
    %max3A_817 = arith.maximumf %max3A_814, %get3A_816 : vector<16xf32>
    %get3A_818 = arith.constant 752 : index
    %get3A_819 = tpu.vector_load %arg9[%get3A_818] {strides = array<i32>} : memref<2048xf32, #tpu.memory_space<vmem>>, vector<16xf32>,
    %max3A_820 = arith.maximumf %max3A_817, %get3A_819 : vector<16xf32>
    %broadcast_in_dim3A_821 = arith.constant 5 : i32
    %broadcast_in_dim3A_822 = vector.broadcast %broadcast_in_dim3A_821 : i32 to vector<16xi32>
    %reduce_max3A_823 = arith.constant true
    %reduce_max3A_824 = vector.broadcast %reduce_max3A_823 : i1 to vector<16xi1>
    %reduce_max3A_825 = tpu.scan <max>, %max3A_820 masked %reduce_max3A_824 : vector<16xf32>, vector<16xi1> -> vector<16xf32>
    %reduce_max3A_826 = vector.extract %reduce_max3A_825[15] : f32 from vector<16xf32>
    %broadcast_in_dim3A_827 = vector.broadcast %reduce_max3A_826 : f32 to vector<16xf32>
    tpu.vector_store_idx %arg11[%broadcast_in_dim3A_822], %broadcast_in_dim3A_827 masked %eq3A_609 : memref<16xf32, #tpu.memory_space<vmem>>[vector<16xi32>], vector<16xf32>, vector<16xi1>
    %broadcast_in_dim3A_828 = arith.constant 0xFF800000 : f32
    %broadcast_in_dim3A_829 = vector.broadcast %broadcast_in_dim3A_828 : f32 to vector<16xf32>
    %get3A_830 = arith.constant 768 : index
    %get3A_831 = tpu.vector_load %arg9[%get3A_830] {strides = array<i32>} : memref<2048xf32, #tpu.memory_space<vmem>>, vector<16xf32>,
    %max3A_832 = arith.maximumf %broadcast_in_dim3A_829, %get3A_831 : vector<16xf32>
    %get3A_833 = arith.constant 784 : index
    %get3A_834 = tpu.vector_load %arg9[%get3A_833] {strides = array<i32>} : memref<2048xf32, #tpu.memory_space<vmem>>, vector<16xf32>,
    %max3A_835 = arith.maximumf %max3A_832, %get3A_834 : vector<16xf32>
    %get3A_836 = arith.constant 800 : index
    %get3A_837 = tpu.vector_load %arg9[%get3A_836] {strides = array<i32>} : memref<2048xf32, #tpu.memory_space<vmem>>, vector<16xf32>,
    %max3A_838 = arith.maximumf %max3A_835, %get3A_837 : vector<16xf32>
    %get3A_839 = arith.constant 816 : index
    %get3A_840 = tpu.vector_load %arg9[%get3A_839] {strides = array<i32>} : memref<2048xf32, #tpu.memory_space<vmem>>, vector<16xf32>,
    %max3A_841 = arith.maximumf %max3A_838, %get3A_840 : vector<16xf32>
    %get3A_842 = arith.constant 832 : index
    %get3A_843 = tpu.vector_load %arg9[%get3A_842] {strides = array<i32>} : memref<2048xf32, #tpu.memory_space<vmem>>, vector<16xf32>,
    %max3A_844 = arith.maximumf %max3A_841, %get3A_843 : vector<16xf32>
    %get3A_845 = arith.constant 848 : index
    %get3A_846 = tpu.vector_load %arg9[%get3A_845] {strides = array<i32>} : memref<2048xf32, #tpu.memory_space<vmem>>, vector<16xf32>,
    %max3A_847 = arith.maximumf %max3A_844, %get3A_846 : vector<16xf32>
    %get3A_848 = arith.constant 864 : index
    %get3A_849 = tpu.vector_load %arg9[%get3A_848] {strides = array<i32>} : memref<2048xf32, #tpu.memory_space<vmem>>, vector<16xf32>,
    %max3A_850 = arith.maximumf %max3A_847, %get3A_849 : vector<16xf32>
    %get3A_851 = arith.constant 880 : index
    %get3A_852 = tpu.vector_load %arg9[%get3A_851] {strides = array<i32>} : memref<2048xf32, #tpu.memory_space<vmem>>, vector<16xf32>,
    %max3A_853 = arith.maximumf %max3A_850, %get3A_852 : vector<16xf32>
    %broadcast_in_dim3A_854 = arith.constant 6 : i32
    %broadcast_in_dim3A_855 = vector.broadcast %broadcast_in_dim3A_854 : i32 to vector<16xi32>
    %reduce_max3A_856 = arith.constant true
    %reduce_max3A_857 = vector.broadcast %reduce_max3A_856 : i1 to vector<16xi1>
    %reduce_max3A_858 = tpu.scan <max>, %max3A_853 masked %reduce_max3A_857 : vector<16xf32>, vector<16xi1> -> vector<16xf32>
    %reduce_max3A_859 = vector.extract %reduce_max3A_858[15] : f32 from vector<16xf32>
    %broadcast_in_dim3A_860 = vector.broadcast %reduce_max3A_859 : f32 to vector<16xf32>
    tpu.vector_store_idx %arg11[%broadcast_in_dim3A_855], %broadcast_in_dim3A_860 masked %eq3A_609 : memref<16xf32, #tpu.memory_space<vmem>>[vector<16xi32>], vector<16xf32>, vector<16xi1>
    %broadcast_in_dim3A_861 = arith.constant 0xFF800000 : f32
    %broadcast_in_dim3A_862 = vector.broadcast %broadcast_in_dim3A_861 : f32 to vector<16xf32>
    %get3A_863 = arith.constant 896 : index
    %get3A_864 = tpu.vector_load %arg9[%get3A_863] {strides = array<i32>} : memref<2048xf32, #tpu.memory_space<vmem>>, vector<16xf32>,
    %max3A_865 = arith.maximumf %broadcast_in_dim3A_862, %get3A_864 : vector<16xf32>
    %get3A_866 = arith.constant 912 : index
    %get3A_867 = tpu.vector_load %arg9[%get3A_866] {strides = array<i32>} : memref<2048xf32, #tpu.memory_space<vmem>>, vector<16xf32>,
    %max3A_868 = arith.maximumf %max3A_865, %get3A_867 : vector<16xf32>
    %get3A_869 = arith.constant 928 : index
    %get3A_870 = tpu.vector_load %arg9[%get3A_869] {strides = array<i32>} : memref<2048xf32, #tpu.memory_space<vmem>>, vector<16xf32>,
    %max3A_871 = arith.maximumf %max3A_868, %get3A_870 : vector<16xf32>
    %get3A_872 = arith.constant 944 : index
    %get3A_873 = tpu.vector_load %arg9[%get3A_872] {strides = array<i32>} : memref<2048xf32, #tpu.memory_space<vmem>>, vector<16xf32>,
    %max3A_874 = arith.maximumf %max3A_871, %get3A_873 : vector<16xf32>
    %get3A_875 = arith.constant 960 : index
    %get3A_876 = tpu.vector_load %arg9[%get3A_875] {strides = array<i32>} : memref<2048xf32, #tpu.memory_space<vmem>>, vector<16xf32>,
    %max3A_877 = arith.maximumf %max3A_874, %get3A_876 : vector<16xf32>
    %get3A_878 = arith.constant 976 : index
    %get3A_879 = tpu.vector_load %arg9[%get3A_878] {strides = array<i32>} : memref<2048xf32, #tpu.memory_space<vmem>>, vector<16xf32>,
    %max3A_880 = arith.maximumf %max3A_877, %get3A_879 : vector<16xf32>
    %get3A_881 = arith.constant 992 : index
    %get3A_882 = tpu.vector_load %arg9[%get3A_881] {strides = array<i32>} : memref<2048xf32, #tpu.memory_space<vmem>>, vector<16xf32>,
    %max3A_883 = arith.maximumf %max3A_880, %get3A_882 : vector<16xf32>
    %get3A_884 = arith.constant 1008 : index
    %get3A_885 = tpu.vector_load %arg9[%get3A_884] {strides = array<i32>} : memref<2048xf32, #tpu.memory_space<vmem>>, vector<16xf32>,
    %max3A_886 = arith.maximumf %max3A_883, %get3A_885 : vector<16xf32>
    %broadcast_in_dim3A_887 = arith.constant 7 : i32
    %broadcast_in_dim3A_888 = vector.broadcast %broadcast_in_dim3A_887 : i32 to vector<16xi32>
    %reduce_max3A_889 = arith.constant true
    %reduce_max3A_890 = vector.broadcast %reduce_max3A_889 : i1 to vector<16xi1>
    %reduce_max3A_891 = tpu.scan <max>, %max3A_886 masked %reduce_max3A_890 : vector<16xf32>, vector<16xi1> -> vector<16xf32>
    %reduce_max3A_892 = vector.extract %reduce_max3A_891[15] : f32 from vector<16xf32>
    %broadcast_in_dim3A_893 = vector.broadcast %reduce_max3A_892 : f32 to vector<16xf32>
    tpu.vector_store_idx %arg11[%broadcast_in_dim3A_888], %broadcast_in_dim3A_893 masked %eq3A_609 : memref<16xf32, #tpu.memory_space<vmem>>[vector<16xi32>], vector<16xf32>, vector<16xi1>
    %broadcast_in_dim3A_894 = arith.constant 0xFF800000 : f32
    %broadcast_in_dim3A_895 = vector.broadcast %broadcast_in_dim3A_894 : f32 to vector<16xf32>
    %get3A_896 = arith.constant 1024 : index
    %get3A_897 = tpu.vector_load %arg9[%get3A_896] {strides = array<i32>} : memref<2048xf32, #tpu.memory_space<vmem>>, vector<16xf32>,
    %max3A_898 = arith.maximumf %broadcast_in_dim3A_895, %get3A_897 : vector<16xf32>
    %get3A_899 = arith.constant 1040 : index
    %get3A_900 = tpu.vector_load %arg9[%get3A_899] {strides = array<i32>} : memref<2048xf32, #tpu.memory_space<vmem>>, vector<16xf32>,
    %max3A_901 = arith.maximumf %max3A_898, %get3A_900 : vector<16xf32>
    %get3A_902 = arith.constant 1056 : index
    %get3A_903 = tpu.vector_load %arg9[%get3A_902] {strides = array<i32>} : memref<2048xf32, #tpu.memory_space<vmem>>, vector<16xf32>,
    %max3A_904 = arith.maximumf %max3A_901, %get3A_903 : vector<16xf32>
    %get3A_905 = arith.constant 1072 : index
    %get3A_906 = tpu.vector_load %arg9[%get3A_905] {strides = array<i32>} : memref<2048xf32, #tpu.memory_space<vmem>>, vector<16xf32>,
    %max3A_907 = arith.maximumf %max3A_904, %get3A_906 : vector<16xf32>
    %get3A_908 = arith.constant 1088 : index
    %get3A_909 = tpu.vector_load %arg9[%get3A_908] {strides = array<i32>} : memref<2048xf32, #tpu.memory_space<vmem>>, vector<16xf32>,
    %max3A_910 = arith.maximumf %max3A_907, %get3A_909 : vector<16xf32>
    %get3A_911 = arith.constant 1104 : index
    %get3A_912 = tpu.vector_load %arg9[%get3A_911] {strides = array<i32>} : memref<2048xf32, #tpu.memory_space<vmem>>, vector<16xf32>,
    %max3A_913 = arith.maximumf %max3A_910, %get3A_912 : vector<16xf32>
    %get3A_914 = arith.constant 1120 : index
    %get3A_915 = tpu.vector_load %arg9[%get3A_914] {strides = array<i32>} : memref<2048xf32, #tpu.memory_space<vmem>>, vector<16xf32>,
    %max3A_916 = arith.maximumf %max3A_913, %get3A_915 : vector<16xf32>
    %get3A_917 = arith.constant 1136 : index
    %get3A_918 = tpu.vector_load %arg9[%get3A_917] {strides = array<i32>} : memref<2048xf32, #tpu.memory_space<vmem>>, vector<16xf32>,
    %max3A_919 = arith.maximumf %max3A_916, %get3A_918 : vector<16xf32>
    %broadcast_in_dim3A_920 = arith.constant 8 : i32
    %broadcast_in_dim3A_921 = vector.broadcast %broadcast_in_dim3A_920 : i32 to vector<16xi32>
    %reduce_max3A_922 = arith.constant true
    %reduce_max3A_923 = vector.broadcast %reduce_max3A_922 : i1 to vector<16xi1>
    %reduce_max3A_924 = tpu.scan <max>, %max3A_919 masked %reduce_max3A_923 : vector<16xf32>, vector<16xi1> -> vector<16xf32>
    %reduce_max3A_925 = vector.extract %reduce_max3A_924[15] : f32 from vector<16xf32>
    %broadcast_in_dim3A_926 = vector.broadcast %reduce_max3A_925 : f32 to vector<16xf32>
    tpu.vector_store_idx %arg11[%broadcast_in_dim3A_921], %broadcast_in_dim3A_926 masked %eq3A_609 : memref<16xf32, #tpu.memory_space<vmem>>[vector<16xi32>], vector<16xf32>, vector<16xi1>
    %broadcast_in_dim3A_927 = arith.constant 0xFF800000 : f32
    %broadcast_in_dim3A_928 = vector.broadcast %broadcast_in_dim3A_927 : f32 to vector<16xf32>
    %get3A_929 = arith.constant 1152 : index
    %get3A_930 = tpu.vector_load %arg9[%get3A_929] {strides = array<i32>} : memref<2048xf32, #tpu.memory_space<vmem>>, vector<16xf32>,
    %max3A_931 = arith.maximumf %broadcast_in_dim3A_928, %get3A_930 : vector<16xf32>
    %get3A_932 = arith.constant 1168 : index
    %get3A_933 = tpu.vector_load %arg9[%get3A_932] {strides = array<i32>} : memref<2048xf32, #tpu.memory_space<vmem>>, vector<16xf32>,
    %max3A_934 = arith.maximumf %max3A_931, %get3A_933 : vector<16xf32>
    %get3A_935 = arith.constant 1184 : index
    %get3A_936 = tpu.vector_load %arg9[%get3A_935] {strides = array<i32>} : memref<2048xf32, #tpu.memory_space<vmem>>, vector<16xf32>,
    %max3A_937 = arith.maximumf %max3A_934, %get3A_936 : vector<16xf32>
    %get3A_938 = arith.constant 1200 : index
    %get3A_939 = tpu.vector_load %arg9[%get3A_938] {strides = array<i32>} : memref<2048xf32, #tpu.memory_space<vmem>>, vector<16xf32>,
    %max3A_940 = arith.maximumf %max3A_937, %get3A_939 : vector<16xf32>
    %get3A_941 = arith.constant 1216 : index
    %get3A_942 = tpu.vector_load %arg9[%get3A_941] {strides = array<i32>} : memref<2048xf32, #tpu.memory_space<vmem>>, vector<16xf32>,
    %max3A_943 = arith.maximumf %max3A_940, %get3A_942 : vector<16xf32>
    %get3A_944 = arith.constant 1232 : index
    %get3A_945 = tpu.vector_load %arg9[%get3A_944] {strides = array<i32>} : memref<2048xf32, #tpu.memory_space<vmem>>, vector<16xf32>,
    %max3A_946 = arith.maximumf %max3A_943, %get3A_945 : vector<16xf32>
    %get3A_947 = arith.constant 1248 : index
    %get3A_948 = tpu.vector_load %arg9[%get3A_947] {strides = array<i32>} : memref<2048xf32, #tpu.memory_space<vmem>>, vector<16xf32>,
    %max3A_949 = arith.maximumf %max3A_946, %get3A_948 : vector<16xf32>
    %get3A_950 = arith.constant 1264 : index
    %get3A_951 = tpu.vector_load %arg9[%get3A_950] {strides = array<i32>} : memref<2048xf32, #tpu.memory_space<vmem>>, vector<16xf32>,
    %max3A_952 = arith.maximumf %max3A_949, %get3A_951 : vector<16xf32>
    %broadcast_in_dim3A_953 = arith.constant 9 : i32
    %broadcast_in_dim3A_954 = vector.broadcast %broadcast_in_dim3A_953 : i32 to vector<16xi32>
    %reduce_max3A_955 = arith.constant true
    %reduce_max3A_956 = vector.broadcast %reduce_max3A_955 : i1 to vector<16xi1>
    %reduce_max3A_957 = tpu.scan <max>, %max3A_952 masked %reduce_max3A_956 : vector<16xf32>, vector<16xi1> -> vector<16xf32>
    %reduce_max3A_958 = vector.extract %reduce_max3A_957[15] : f32 from vector<16xf32>
    %broadcast_in_dim3A_959 = vector.broadcast %reduce_max3A_958 : f32 to vector<16xf32>
    tpu.vector_store_idx %arg11[%broadcast_in_dim3A_954], %broadcast_in_dim3A_959 masked %eq3A_609 : memref<16xf32, #tpu.memory_space<vmem>>[vector<16xi32>], vector<16xf32>, vector<16xi1>
    %broadcast_in_dim3A_960 = arith.constant 0xFF800000 : f32
    %broadcast_in_dim3A_961 = vector.broadcast %broadcast_in_dim3A_960 : f32 to vector<16xf32>
    %get3A_962 = arith.constant 1280 : index
    %get3A_963 = tpu.vector_load %arg9[%get3A_962] {strides = array<i32>} : memref<2048xf32, #tpu.memory_space<vmem>>, vector<16xf32>,
    %max3A_964 = arith.maximumf %broadcast_in_dim3A_961, %get3A_963 : vector<16xf32>
    %get3A_965 = arith.constant 1296 : index
    %get3A_966 = tpu.vector_load %arg9[%get3A_965] {strides = array<i32>} : memref<2048xf32, #tpu.memory_space<vmem>>, vector<16xf32>,
    %max3A_967 = arith.maximumf %max3A_964, %get3A_966 : vector<16xf32>
    %get3A_968 = arith.constant 1312 : index
    %get3A_969 = tpu.vector_load %arg9[%get3A_968] {strides = array<i32>} : memref<2048xf32, #tpu.memory_space<vmem>>, vector<16xf32>,
    %max3A_970 = arith.maximumf %max3A_967, %get3A_969 : vector<16xf32>
    %get3A_971 = arith.constant 1328 : index
    %get3A_972 = tpu.vector_load %arg9[%get3A_971] {strides = array<i32>} : memref<2048xf32, #tpu.memory_space<vmem>>, vector<16xf32>,
    %max3A_973 = arith.maximumf %max3A_970, %get3A_972 : vector<16xf32>
    %get3A_974 = arith.constant 1344 : index
    %get3A_975 = tpu.vector_load %arg9[%get3A_974] {strides = array<i32>} : memref<2048xf32, #tpu.memory_space<vmem>>, vector<16xf32>,
    %max3A_976 = arith.maximumf %max3A_973, %get3A_975 : vector<16xf32>
    %get3A_977 = arith.constant 1360 : index
    %get3A_978 = tpu.vector_load %arg9[%get3A_977] {strides = array<i32>} : memref<2048xf32, #tpu.memory_space<vmem>>, vector<16xf32>,
    %max3A_979 = arith.maximumf %max3A_976, %get3A_978 : vector<16xf32>
    %get3A_980 = arith.constant 1376 : index
    %get3A_981 = tpu.vector_load %arg9[%get3A_980] {strides = array<i32>} : memref<2048xf32, #tpu.memory_space<vmem>>, vector<16xf32>,
    %max3A_982 = arith.maximumf %max3A_979, %get3A_981 : vector<16xf32>
    %get3A_983 = arith.constant 1392 : index
    %get3A_984 = tpu.vector_load %arg9[%get3A_983] {strides = array<i32>} : memref<2048xf32, #tpu.memory_space<vmem>>, vector<16xf32>,
    %max3A_985 = arith.maximumf %max3A_982, %get3A_984 : vector<16xf32>
    %broadcast_in_dim3A_986 = arith.constant 10 : i32
    %broadcast_in_dim3A_987 = vector.broadcast %broadcast_in_dim3A_986 : i32 to vector<16xi32>
    %reduce_max3A_988 = arith.constant true
    %reduce_max3A_989 = vector.broadcast %reduce_max3A_988 : i1 to vector<16xi1>
    %reduce_max3A_990 = tpu.scan <max>, %max3A_985 masked %reduce_max3A_989 : vector<16xf32>, vector<16xi1> -> vector<16xf32>
    %reduce_max3A_991 = vector.extract %reduce_max3A_990[15] : f32 from vector<16xf32>
    %broadcast_in_dim3A_992 = vector.broadcast %reduce_max3A_991 : f32 to vector<16xf32>
    tpu.vector_store_idx %arg11[%broadcast_in_dim3A_987], %broadcast_in_dim3A_992 masked %eq3A_609 : memref<16xf32, #tpu.memory_space<vmem>>[vector<16xi32>], vector<16xf32>, vector<16xi1>
    %broadcast_in_dim3A_993 = arith.constant 0xFF800000 : f32
    %broadcast_in_dim3A_994 = vector.broadcast %broadcast_in_dim3A_993 : f32 to vector<16xf32>
    %get3A_995 = arith.constant 1408 : index
    %get3A_996 = tpu.vector_load %arg9[%get3A_995] {strides = array<i32>} : memref<2048xf32, #tpu.memory_space<vmem>>, vector<16xf32>,
    %max3A_997 = arith.maximumf %broadcast_in_dim3A_994, %get3A_996 : vector<16xf32>
    %get3A_998 = arith.constant 1424 : index
    %get3A_999 = tpu.vector_load %arg9[%get3A_998] {strides = array<i32>} : memref<2048xf32, #tpu.memory_space<vmem>>, vector<16xf32>,
    %max3A_1000 = arith.maximumf %max3A_997, %get3A_999 : vector<16xf32>
    %get3A_1001 = arith.constant 1440 : index
    %get3A_1002 = tpu.vector_load %arg9[%get3A_1001] {strides = array<i32>} : memref<2048xf32, #tpu.memory_space<vmem>>, vector<16xf32>,
    %max3A_1003 = arith.maximumf %max3A_1000, %get3A_1002 : vector<16xf32>
    %get3A_1004 = arith.constant 1456 : index
    %get3A_1005 = tpu.vector_load %arg9[%get3A_1004] {strides = array<i32>} : memref<2048xf32, #tpu.memory_space<vmem>>, vector<16xf32>,
    %max3A_1006 = arith.maximumf %max3A_1003, %get3A_1005 : vector<16xf32>
    %get3A_1007 = arith.constant 1472 : index
    %get3A_1008 = tpu.vector_load %arg9[%get3A_1007] {strides = array<i32>} : memref<2048xf32, #tpu.memory_space<vmem>>, vector<16xf32>,
    %max3A_1009 = arith.maximumf %max3A_1006, %get3A_1008 : vector<16xf32>
    %get3A_1010 = arith.constant 1488 : index
    %get3A_1011 = tpu.vector_load %arg9[%get3A_1010] {strides = array<i32>} : memref<2048xf32, #tpu.memory_space<vmem>>, vector<16xf32>,
    %max3A_1012 = arith.maximumf %max3A_1009, %get3A_1011 : vector<16xf32>
    %get3A_1013 = arith.constant 1504 : index
    %get3A_1014 = tpu.vector_load %arg9[%get3A_1013] {strides = array<i32>} : memref<2048xf32, #tpu.memory_space<vmem>>, vector<16xf32>,
    %max3A_1015 = arith.maximumf %max3A_1012, %get3A_1014 : vector<16xf32>
    %get3A_1016 = arith.constant 1520 : index
    %get3A_1017 = tpu.vector_load %arg9[%get3A_1016] {strides = array<i32>} : memref<2048xf32, #tpu.memory_space<vmem>>, vector<16xf32>,
    %max3A_1018 = arith.maximumf %max3A_1015, %get3A_1017 : vector<16xf32>
    %broadcast_in_dim3A_1019 = arith.constant 11 : i32
    %broadcast_in_dim3A_1020 = vector.broadcast %broadcast_in_dim3A_1019 : i32 to vector<16xi32>
    %reduce_max3A_1021 = arith.constant true
    %reduce_max3A_1022 = vector.broadcast %reduce_max3A_1021 : i1 to vector<16xi1>
    %reduce_max3A_1023 = tpu.scan <max>, %max3A_1018 masked %reduce_max3A_1022 : vector<16xf32>, vector<16xi1> -> vector<16xf32>
    %reduce_max3A_1024 = vector.extract %reduce_max3A_1023[15] : f32 from vector<16xf32>
    %broadcast_in_dim3A_1025 = vector.broadcast %reduce_max3A_1024 : f32 to vector<16xf32>
    tpu.vector_store_idx %arg11[%broadcast_in_dim3A_1020], %broadcast_in_dim3A_1025 masked %eq3A_609 : memref<16xf32, #tpu.memory_space<vmem>>[vector<16xi32>], vector<16xf32>, vector<16xi1>
    %broadcast_in_dim3A_1026 = arith.constant 0xFF800000 : f32
    %broadcast_in_dim3A_1027 = vector.broadcast %broadcast_in_dim3A_1026 : f32 to vector<16xf32>
    %get3A_1028 = arith.constant 1536 : index
    %get3A_1029 = tpu.vector_load %arg9[%get3A_1028] {strides = array<i32>} : memref<2048xf32, #tpu.memory_space<vmem>>, vector<16xf32>,
    %max3A_1030 = arith.maximumf %broadcast_in_dim3A_1027, %get3A_1029 : vector<16xf32>
    %get3A_1031 = arith.constant 1552 : index
    %get3A_1032 = tpu.vector_load %arg9[%get3A_1031] {strides = array<i32>} : memref<2048xf32, #tpu.memory_space<vmem>>, vector<16xf32>,
    %max3A_1033 = arith.maximumf %max3A_1030, %get3A_1032 : vector<16xf32>
    %get3A_1034 = arith.constant 1568 : index
    %get3A_1035 = tpu.vector_load %arg9[%get3A_1034] {strides = array<i32>} : memref<2048xf32, #tpu.memory_space<vmem>>, vector<16xf32>,
    %max3A_1036 = arith.maximumf %max3A_1033, %get3A_1035 : vector<16xf32>
    %get3A_1037 = arith.constant 1584 : index
    %get3A_1038 = tpu.vector_load %arg9[%get3A_1037] {strides = array<i32>} : memref<2048xf32, #tpu.memory_space<vmem>>, vector<16xf32>,
    %max3A_1039 = arith.maximumf %max3A_1036, %get3A_1038 : vector<16xf32>
    %get3A_1040 = arith.constant 1600 : index
    %get3A_1041 = tpu.vector_load %arg9[%get3A_1040] {strides = array<i32>} : memref<2048xf32, #tpu.memory_space<vmem>>, vector<16xf32>,
    %max3A_1042 = arith.maximumf %max3A_1039, %get3A_1041 : vector<16xf32>
    %get3A_1043 = arith.constant 1616 : index
    %get3A_1044 = tpu.vector_load %arg9[%get3A_1043] {strides = array<i32>} : memref<2048xf32, #tpu.memory_space<vmem>>, vector<16xf32>,
    %max3A_1045 = arith.maximumf %max3A_1042, %get3A_1044 : vector<16xf32>
    %get3A_1046 = arith.constant 1632 : index
    %get3A_1047 = tpu.vector_load %arg9[%get3A_1046] {strides = array<i32>} : memref<2048xf32, #tpu.memory_space<vmem>>, vector<16xf32>,
    %max3A_1048 = arith.maximumf %max3A_1045, %get3A_1047 : vector<16xf32>
    %get3A_1049 = arith.constant 1648 : index
    %get3A_1050 = tpu.vector_load %arg9[%get3A_1049] {strides = array<i32>} : memref<2048xf32, #tpu.memory_space<vmem>>, vector<16xf32>,
    %max3A_1051 = arith.maximumf %max3A_1048, %get3A_1050 : vector<16xf32>
    %broadcast_in_dim3A_1052 = arith.constant 12 : i32
    %broadcast_in_dim3A_1053 = vector.broadcast %broadcast_in_dim3A_1052 : i32 to vector<16xi32>
    %reduce_max3A_1054 = arith.constant true
    %reduce_max3A_1055 = vector.broadcast %reduce_max3A_1054 : i1 to vector<16xi1>
    %reduce_max3A_1056 = tpu.scan <max>, %max3A_1051 masked %reduce_max3A_1055 : vector<16xf32>, vector<16xi1> -> vector<16xf32>
    %reduce_max3A_1057 = vector.extract %reduce_max3A_1056[15] : f32 from vector<16xf32>
    %broadcast_in_dim3A_1058 = vector.broadcast %reduce_max3A_1057 : f32 to vector<16xf32>
    tpu.vector_store_idx %arg11[%broadcast_in_dim3A_1053], %broadcast_in_dim3A_1058 masked %eq3A_609 : memref<16xf32, #tpu.memory_space<vmem>>[vector<16xi32>], vector<16xf32>, vector<16xi1>
    %broadcast_in_dim3A_1059 = arith.constant 0xFF800000 : f32
    %broadcast_in_dim3A_1060 = vector.broadcast %broadcast_in_dim3A_1059 : f32 to vector<16xf32>
    %get3A_1061 = arith.constant 1664 : index
    %get3A_1062 = tpu.vector_load %arg9[%get3A_1061] {strides = array<i32>} : memref<2048xf32, #tpu.memory_space<vmem>>, vector<16xf32>,
    %max3A_1063 = arith.maximumf %broadcast_in_dim3A_1060, %get3A_1062 : vector<16xf32>
    %get3A_1064 = arith.constant 1680 : index
    %get3A_1065 = tpu.vector_load %arg9[%get3A_1064] {strides = array<i32>} : memref<2048xf32, #tpu.memory_space<vmem>>, vector<16xf32>,
    %max3A_1066 = arith.maximumf %max3A_1063, %get3A_1065 : vector<16xf32>
    %get3A_1067 = arith.constant 1696 : index
    %get3A_1068 = tpu.vector_load %arg9[%get3A_1067] {strides = array<i32>} : memref<2048xf32, #tpu.memory_space<vmem>>, vector<16xf32>,
    %max3A_1069 = arith.maximumf %max3A_1066, %get3A_1068 : vector<16xf32>
    %get3A_1070 = arith.constant 1712 : index
    %get3A_1071 = tpu.vector_load %arg9[%get3A_1070] {strides = array<i32>} : memref<2048xf32, #tpu.memory_space<vmem>>, vector<16xf32>,
    %max3A_1072 = arith.maximumf %max3A_1069, %get3A_1071 : vector<16xf32>
    %get3A_1073 = arith.constant 1728 : index
    %get3A_1074 = tpu.vector_load %arg9[%get3A_1073] {strides = array<i32>} : memref<2048xf32, #tpu.memory_space<vmem>>, vector<16xf32>,
    %max3A_1075 = arith.maximumf %max3A_1072, %get3A_1074 : vector<16xf32>
    %get3A_1076 = arith.constant 1744 : index
    %get3A_1077 = tpu.vector_load %arg9[%get3A_1076] {strides = array<i32>} : memref<2048xf32, #tpu.memory_space<vmem>>, vector<16xf32>,
    %max3A_1078 = arith.maximumf %max3A_1075, %get3A_1077 : vector<16xf32>
    %get3A_1079 = arith.constant 1760 : index
    %get3A_1080 = tpu.vector_load %arg9[%get3A_1079] {strides = array<i32>} : memref<2048xf32, #tpu.memory_space<vmem>>, vector<16xf32>,
    %max3A_1081 = arith.maximumf %max3A_1078, %get3A_1080 : vector<16xf32>
    %get3A_1082 = arith.constant 1776 : index
    %get3A_1083 = tpu.vector_load %arg9[%get3A_1082] {strides = array<i32>} : memref<2048xf32, #tpu.memory_space<vmem>>, vector<16xf32>,
    %max3A_1084 = arith.maximumf %max3A_1081, %get3A_1083 : vector<16xf32>
    %broadcast_in_dim3A_1085 = arith.constant 13 : i32
    %broadcast_in_dim3A_1086 = vector.broadcast %broadcast_in_dim3A_1085 : i32 to vector<16xi32>
    %reduce_max3A_1087 = arith.constant true
    %reduce_max3A_1088 = vector.broadcast %reduce_max3A_1087 : i1 to vector<16xi1>
    %reduce_max3A_1089 = tpu.scan <max>, %max3A_1084 masked %reduce_max3A_1088 : vector<16xf32>, vector<16xi1> -> vector<16xf32>
    %reduce_max3A_1090 = vector.extract %reduce_max3A_1089[15] : f32 from vector<16xf32>
    %broadcast_in_dim3A_1091 = vector.broadcast %reduce_max3A_1090 : f32 to vector<16xf32>
    tpu.vector_store_idx %arg11[%broadcast_in_dim3A_1086], %broadcast_in_dim3A_1091 masked %eq3A_609 : memref<16xf32, #tpu.memory_space<vmem>>[vector<16xi32>], vector<16xf32>, vector<16xi1>
    %broadcast_in_dim3A_1092 = arith.constant 0xFF800000 : f32
    %broadcast_in_dim3A_1093 = vector.broadcast %broadcast_in_dim3A_1092 : f32 to vector<16xf32>
    %get3A_1094 = arith.constant 1792 : index
    %get3A_1095 = tpu.vector_load %arg9[%get3A_1094] {strides = array<i32>} : memref<2048xf32, #tpu.memory_space<vmem>>, vector<16xf32>,
    %max3A_1096 = arith.maximumf %broadcast_in_dim3A_1093, %get3A_1095 : vector<16xf32>
    %get3A_1097 = arith.constant 1808 : index
    %get3A_1098 = tpu.vector_load %arg9[%get3A_1097] {strides = array<i32>} : memref<2048xf32, #tpu.memory_space<vmem>>, vector<16xf32>,
    %max3A_1099 = arith.maximumf %max3A_1096, %get3A_1098 : vector<16xf32>
    %get3A_1100 = arith.constant 1824 : index
    %get3A_1101 = tpu.vector_load %arg9[%get3A_1100] {strides = array<i32>} : memref<2048xf32, #tpu.memory_space<vmem>>, vector<16xf32>,
    %max3A_1102 = arith.maximumf %max3A_1099, %get3A_1101 : vector<16xf32>
    %get3A_1103 = arith.constant 1840 : index
    %get3A_1104 = tpu.vector_load %arg9[%get3A_1103] {strides = array<i32>} : memref<2048xf32, #tpu.memory_space<vmem>>, vector<16xf32>,
    %max3A_1105 = arith.maximumf %max3A_1102, %get3A_1104 : vector<16xf32>
    %get3A_1106 = arith.constant 1856 : index
    %get3A_1107 = tpu.vector_load %arg9[%get3A_1106] {strides = array<i32>} : memref<2048xf32, #tpu.memory_space<vmem>>, vector<16xf32>,
    %max3A_1108 = arith.maximumf %max3A_1105, %get3A_1107 : vector<16xf32>
    %get3A_1109 = arith.constant 1872 : index
    %get3A_1110 = tpu.vector_load %arg9[%get3A_1109] {strides = array<i32>} : memref<2048xf32, #tpu.memory_space<vmem>>, vector<16xf32>,
    %max3A_1111 = arith.maximumf %max3A_1108, %get3A_1110 : vector<16xf32>
    %get3A_1112 = arith.constant 1888 : index
    %get3A_1113 = tpu.vector_load %arg9[%get3A_1112] {strides = array<i32>} : memref<2048xf32, #tpu.memory_space<vmem>>, vector<16xf32>,
    %max3A_1114 = arith.maximumf %max3A_1111, %get3A_1113 : vector<16xf32>
    %get3A_1115 = arith.constant 1904 : index
    %get3A_1116 = tpu.vector_load %arg9[%get3A_1115] {strides = array<i32>} : memref<2048xf32, #tpu.memory_space<vmem>>, vector<16xf32>,
    %max3A_1117 = arith.maximumf %max3A_1114, %get3A_1116 : vector<16xf32>
    %broadcast_in_dim3A_1118 = arith.constant 14 : i32
    %broadcast_in_dim3A_1119 = vector.broadcast %broadcast_in_dim3A_1118 : i32 to vector<16xi32>
    %reduce_max3A_1120 = arith.constant true
    %reduce_max3A_1121 = vector.broadcast %reduce_max3A_1120 : i1 to vector<16xi1>
    %reduce_max3A_1122 = tpu.scan <max>, %max3A_1117 masked %reduce_max3A_1121 : vector<16xf32>, vector<16xi1> -> vector<16xf32>
    %reduce_max3A_1123 = vector.extract %reduce_max3A_1122[15] : f32 from vector<16xf32>
    %broadcast_in_dim3A_1124 = vector.broadcast %reduce_max3A_1123 : f32 to vector<16xf32>
    tpu.vector_store_idx %arg11[%broadcast_in_dim3A_1119], %broadcast_in_dim3A_1124 masked %eq3A_609 : memref<16xf32, #tpu.memory_space<vmem>>[vector<16xi32>], vector<16xf32>, vector<16xi1>
    %broadcast_in_dim3A_1125 = arith.constant 0xFF800000 : f32
    %broadcast_in_dim3A_1126 = vector.broadcast %broadcast_in_dim3A_1125 : f32 to vector<16xf32>
    %get3A_1127 = arith.constant 1920 : index
    %get3A_1128 = tpu.vector_load %arg9[%get3A_1127] {strides = array<i32>} : memref<2048xf32, #tpu.memory_space<vmem>>, vector<16xf32>,
    %max3A_1129 = arith.maximumf %broadcast_in_dim3A_1126, %get3A_1128 : vector<16xf32>
    %get3A_1130 = arith.constant 1936 : index
    %get3A_1131 = tpu.vector_load %arg9[%get3A_1130] {strides = array<i32>} : memref<2048xf32, #tpu.memory_space<vmem>>, vector<16xf32>,
    %max3A_1132 = arith.maximumf %max3A_1129, %get3A_1131 : vector<16xf32>
    %get3A_1133 = arith.constant 1952 : index
    %get3A_1134 = tpu.vector_load %arg9[%get3A_1133] {strides = array<i32>} : memref<2048xf32, #tpu.memory_space<vmem>>, vector<16xf32>,
    %max3A_1135 = arith.maximumf %max3A_1132, %get3A_1134 : vector<16xf32>
    %get3A_1136 = arith.constant 1968 : index
    %get3A_1137 = tpu.vector_load %arg9[%get3A_1136] {strides = array<i32>} : memref<2048xf32, #tpu.memory_space<vmem>>, vector<16xf32>,
    %max3A_1138 = arith.maximumf %max3A_1135, %get3A_1137 : vector<16xf32>
    %get3A_1139 = arith.constant 1984 : index
    %get3A_1140 = tpu.vector_load %arg9[%get3A_1139] {strides = array<i32>} : memref<2048xf32, #tpu.memory_space<vmem>>, vector<16xf32>,
    %max3A_1141 = arith.maximumf %max3A_1138, %get3A_1140 : vector<16xf32>
    %get3A_1142 = arith.constant 2000 : index
    %get3A_1143 = tpu.vector_load %arg9[%get3A_1142] {strides = array<i32>} : memref<2048xf32, #tpu.memory_space<vmem>>, vector<16xf32>,
    %max3A_1144 = arith.maximumf %max3A_1141, %get3A_1143 : vector<16xf32>
    %get3A_1145 = arith.constant 2016 : index
    %get3A_1146 = tpu.vector_load %arg9[%get3A_1145] {strides = array<i32>} : memref<2048xf32, #tpu.memory_space<vmem>>, vector<16xf32>,
    %max3A_1147 = arith.maximumf %max3A_1144, %get3A_1146 : vector<16xf32>
    %get3A_1148 = arith.constant 2032 : index
    %get3A_1149 = tpu.vector_load %arg9[%get3A_1148] {strides = array<i32>} : memref<2048xf32, #tpu.memory_space<vmem>>, vector<16xf32>,
    %max3A_1150 = arith.maximumf %max3A_1147, %get3A_1149 : vector<16xf32>
    %broadcast_in_dim3A_1151 = arith.constant 15 : i32
    %broadcast_in_dim3A_1152 = vector.broadcast %broadcast_in_dim3A_1151 : i32 to vector<16xi32>
    %reduce_max3A_1153 = arith.constant true
    %reduce_max3A_1154 = vector.broadcast %reduce_max3A_1153 : i1 to vector<16xi1>
    %reduce_max3A_1155 = tpu.scan <max>, %max3A_1150 masked %reduce_max3A_1154 : vector<16xf32>, vector<16xi1> -> vector<16xf32>
    %reduce_max3A_1156 = vector.extract %reduce_max3A_1155[15] : f32 from vector<16xf32>
    %broadcast_in_dim3A_1157 = vector.broadcast %reduce_max3A_1156 : f32 to vector<16xf32>
    tpu.vector_store_idx %arg11[%broadcast_in_dim3A_1152], %broadcast_in_dim3A_1157 masked %eq3A_609 : memref<16xf32, #tpu.memory_space<vmem>>[vector<16xi32>], vector<16xf32>, vector<16xi1>
    %scan3A_1158 = arith.constant 0 : i32
    %scan3A_1159 = arith.constant 0 : i32
    %scan3A_1160 = arith.constant 50 : i32
    %scan3A_1161 = arith.addi %scan3A_1159, %scan3A_1160 : i32
    %scan3A_1162 = arith.constant 1 : i32
    scf.for %scan3A_1214 = %scan3A_1159 to %scan3A_1161 step %scan3A_1162  : i32 {
      %get3A_1215 = arith.constant 0 : index
      %get3A_1216 = tpu.vector_load %arg11[%get3A_1215] {strides = array<i32>} : memref<16xf32, #tpu.memory_space<vmem>>, vector<16xf32>,
      %reduce_max3A_1217 = arith.constant true
      %reduce_max3A_1218 = vector.broadcast %reduce_max3A_1217 : i1 to vector<16xi1>
      %reduce_max3A_1219 = tpu.scan <max>, %get3A_1216 masked %reduce_max3A_1218 : vector<16xf32>, vector<16xi1> -> vector<16xf32>
      %reduce_max3A_1220 = vector.extract %reduce_max3A_1219[15] : f32 from vector<16xf32>
      %eq3A_1221 = vector.broadcast %reduce_max3A_1220 : f32 to vector<16xf32>
      %eq3A_1222 = arith.cmpf oeq, %get3A_1216, %eq3A_1221 : vector<16xf32>
      %jit3A = arith.constant 16 : i32
      %broadcast_in_dim3A_1223 = vector.broadcast %jit3A : i32 to vector<16xi32>
      %select_n3A = arith.select %eq3A_1222, %iota3A_606, %broadcast_in_dim3A_1223 : vector<16xi1>, vector<16xi32>
      %reduce_min3A = arith.constant true
      %reduce_min3A_1224 = vector.broadcast %reduce_min3A : i1 to vector<16xi1>
      %reduce_min3A_1225 = arith.constant -2147483648 : i32
      %reduce_min3A_1226 = vector.broadcast %reduce_min3A_1225 : i32 to vector<16xi32>
      %reduce_min3A_1227 = arith.xori %select_n3A, %reduce_min3A_1226 : vector<16xi32>
      %reduce_min3A_1228 = tpu.scan <min>, %reduce_min3A_1227 masked %reduce_min3A_1224 : vector<16xi32>, vector<16xi1> -> vector<16xi32>
      %reduce_min3A_1229 = arith.xori %reduce_min3A_1228, %reduce_min3A_1226 : vector<16xi32>
      %reduce_min3A_1230 = vector.extract %reduce_min3A_1229[15] : i32 from vector<16xi32>
      %mul3A_1231 = arith.constant 128 : i32
      %mul3A_1232 = arith.muli %reduce_min3A_1230, %mul3A_1231 : i32
      %broadcast_in_dim3A_1233 = arith.constant 2048 : i32
      %broadcast_in_dim3A_1234 = vector.broadcast %broadcast_in_dim3A_1233 : i32 to vector<16xi32>
      %add3A_1235 = arith.constant 0 : i32
      %add3A_1236 = arith.addi %mul3A_1232, %add3A_1235 : i32
      %get3A_1237 = arith.index_cast %add3A_1236 : i32 to index
      %get3A_1238 = tpu.vector_load %arg9[%get3A_1237] {strides = array<i32>} : memref<2048xf32, #tpu.memory_space<vmem>>, vector<16xf32>,
      %eq3A_1239 = vector.broadcast %reduce_max3A_1220 : f32 to vector<16xf32>
      %eq3A_1240 = arith.cmpf oeq, %get3A_1238, %eq3A_1239 : vector<16xf32>
      %add3A_1241 = vector.broadcast %add3A_1236 : i32 to vector<16xi32>
      %add3A_1242 = arith.addi %add3A_1241, %iota3A_606 : vector<16xi32>
      %jit3A_1243 = arith.constant 2048 : i32
      %broadcast_in_dim3A_1244 = vector.broadcast %jit3A_1243 : i32 to vector<16xi32>
      %select_n3A_1245 = arith.select %eq3A_1240, %add3A_1242, %broadcast_in_dim3A_1244 : vector<16xi1>, vector<16xi32>
      %min3A = arith.minsi %broadcast_in_dim3A_1234, %select_n3A_1245 : vector<16xi32>
      %add3A_1246 = arith.constant 16 : i32
      %add3A_1247 = arith.addi %mul3A_1232, %add3A_1246 : i32
      %get3A_1248 = arith.index_cast %add3A_1247 : i32 to index
      %get3A_1249 = tpu.vector_load %arg9[%get3A_1248] {strides = array<i32>} : memref<2048xf32, #tpu.memory_space<vmem>>, vector<16xf32>,
      %eq3A_1250 = vector.broadcast %reduce_max3A_1220 : f32 to vector<16xf32>
      %eq3A_1251 = arith.cmpf oeq, %get3A_1249, %eq3A_1250 : vector<16xf32>
      %add3A_1252 = vector.broadcast %add3A_1247 : i32 to vector<16xi32>
      %add3A_1253 = arith.addi %add3A_1252, %iota3A_606 : vector<16xi32>
      %jit3A_1254 = arith.constant 2048 : i32
      %broadcast_in_dim3A_1255 = vector.broadcast %jit3A_1254 : i32 to vector<16xi32>
      %select_n3A_1256 = arith.select %eq3A_1251, %add3A_1253, %broadcast_in_dim3A_1255 : vector<16xi1>, vector<16xi32>
      %min3A_1257 = arith.minsi %min3A, %select_n3A_1256 : vector<16xi32>
      %add3A_1258 = arith.constant 32 : i32
      %add3A_1259 = arith.addi %mul3A_1232, %add3A_1258 : i32
      %get3A_1260 = arith.index_cast %add3A_1259 : i32 to index
      %get3A_1261 = tpu.vector_load %arg9[%get3A_1260] {strides = array<i32>} : memref<2048xf32, #tpu.memory_space<vmem>>, vector<16xf32>,
      %eq3A_1262 = vector.broadcast %reduce_max3A_1220 : f32 to vector<16xf32>
      %eq3A_1263 = arith.cmpf oeq, %get3A_1261, %eq3A_1262 : vector<16xf32>
      %add3A_1264 = vector.broadcast %add3A_1259 : i32 to vector<16xi32>
      %add3A_1265 = arith.addi %add3A_1264, %iota3A_606 : vector<16xi32>
      %jit3A_1266 = arith.constant 2048 : i32
      %broadcast_in_dim3A_1267 = vector.broadcast %jit3A_1266 : i32 to vector<16xi32>
      %select_n3A_1268 = arith.select %eq3A_1263, %add3A_1265, %broadcast_in_dim3A_1267 : vector<16xi1>, vector<16xi32>
      %min3A_1269 = arith.minsi %min3A_1257, %select_n3A_1268 : vector<16xi32>
      %add3A_1270 = arith.constant 48 : i32
      %add3A_1271 = arith.addi %mul3A_1232, %add3A_1270 : i32
      %get3A_1272 = arith.index_cast %add3A_1271 : i32 to index
      %get3A_1273 = tpu.vector_load %arg9[%get3A_1272] {strides = array<i32>} : memref<2048xf32, #tpu.memory_space<vmem>>, vector<16xf32>,
      %eq3A_1274 = vector.broadcast %reduce_max3A_1220 : f32 to vector<16xf32>
      %eq3A_1275 = arith.cmpf oeq, %get3A_1273, %eq3A_1274 : vector<16xf32>
      %add3A_1276 = vector.broadcast %add3A_1271 : i32 to vector<16xi32>
      %add3A_1277 = arith.addi %add3A_1276, %iota3A_606 : vector<16xi32>
      %jit3A_1278 = arith.constant 2048 : i32
      %broadcast_in_dim3A_1279 = vector.broadcast %jit3A_1278 : i32 to vector<16xi32>
      %select_n3A_1280 = arith.select %eq3A_1275, %add3A_1277, %broadcast_in_dim3A_1279 : vector<16xi1>, vector<16xi32>
      %min3A_1281 = arith.minsi %min3A_1269, %select_n3A_1280 : vector<16xi32>
      %add3A_1282 = arith.constant 64 : i32
      %add3A_1283 = arith.addi %mul3A_1232, %add3A_1282 : i32
      %get3A_1284 = arith.index_cast %add3A_1283 : i32 to index
      %get3A_1285 = tpu.vector_load %arg9[%get3A_1284] {strides = array<i32>} : memref<2048xf32, #tpu.memory_space<vmem>>, vector<16xf32>,
      %eq3A_1286 = vector.broadcast %reduce_max3A_1220 : f32 to vector<16xf32>
      %eq3A_1287 = arith.cmpf oeq, %get3A_1285, %eq3A_1286 : vector<16xf32>
      %add3A_1288 = vector.broadcast %add3A_1283 : i32 to vector<16xi32>
      %add3A_1289 = arith.addi %add3A_1288, %iota3A_606 : vector<16xi32>
      %jit3A_1290 = arith.constant 2048 : i32
      %broadcast_in_dim3A_1291 = vector.broadcast %jit3A_1290 : i32 to vector<16xi32>
      %select_n3A_1292 = arith.select %eq3A_1287, %add3A_1289, %broadcast_in_dim3A_1291 : vector<16xi1>, vector<16xi32>
      %min3A_1293 = arith.minsi %min3A_1281, %select_n3A_1292 : vector<16xi32>
      %add3A_1294 = arith.constant 80 : i32
      %add3A_1295 = arith.addi %mul3A_1232, %add3A_1294 : i32
      %get3A_1296 = arith.index_cast %add3A_1295 : i32 to index
      %get3A_1297 = tpu.vector_load %arg9[%get3A_1296] {strides = array<i32>} : memref<2048xf32, #tpu.memory_space<vmem>>, vector<16xf32>,
      %eq3A_1298 = vector.broadcast %reduce_max3A_1220 : f32 to vector<16xf32>
      %eq3A_1299 = arith.cmpf oeq, %get3A_1297, %eq3A_1298 : vector<16xf32>
      %add3A_1300 = vector.broadcast %add3A_1295 : i32 to vector<16xi32>
      %add3A_1301 = arith.addi %add3A_1300, %iota3A_606 : vector<16xi32>
      %jit3A_1302 = arith.constant 2048 : i32
      %broadcast_in_dim3A_1303 = vector.broadcast %jit3A_1302 : i32 to vector<16xi32>
      %select_n3A_1304 = arith.select %eq3A_1299, %add3A_1301, %broadcast_in_dim3A_1303 : vector<16xi1>, vector<16xi32>
      %min3A_1305 = arith.minsi %min3A_1293, %select_n3A_1304 : vector<16xi32>
      %add3A_1306 = arith.constant 96 : i32
      %add3A_1307 = arith.addi %mul3A_1232, %add3A_1306 : i32
      %get3A_1308 = arith.index_cast %add3A_1307 : i32 to index
      %get3A_1309 = tpu.vector_load %arg9[%get3A_1308] {strides = array<i32>} : memref<2048xf32, #tpu.memory_space<vmem>>, vector<16xf32>,
      %eq3A_1310 = vector.broadcast %reduce_max3A_1220 : f32 to vector<16xf32>
      %eq3A_1311 = arith.cmpf oeq, %get3A_1309, %eq3A_1310 : vector<16xf32>
      %add3A_1312 = vector.broadcast %add3A_1307 : i32 to vector<16xi32>
      %add3A_1313 = arith.addi %add3A_1312, %iota3A_606 : vector<16xi32>
      %jit3A_1314 = arith.constant 2048 : i32
      %broadcast_in_dim3A_1315 = vector.broadcast %jit3A_1314 : i32 to vector<16xi32>
      %select_n3A_1316 = arith.select %eq3A_1311, %add3A_1313, %broadcast_in_dim3A_1315 : vector<16xi1>, vector<16xi32>
      %min3A_1317 = arith.minsi %min3A_1305, %select_n3A_1316 : vector<16xi32>
      %add3A_1318 = arith.constant 112 : i32
      %add3A_1319 = arith.addi %mul3A_1232, %add3A_1318 : i32
      %get3A_1320 = arith.index_cast %add3A_1319 : i32 to index
      %get3A_1321 = tpu.vector_load %arg9[%get3A_1320] {strides = array<i32>} : memref<2048xf32, #tpu.memory_space<vmem>>, vector<16xf32>,
      %eq3A_1322 = vector.broadcast %reduce_max3A_1220 : f32 to vector<16xf32>
      %eq3A_1323 = arith.cmpf oeq, %get3A_1321, %eq3A_1322 : vector<16xf32>
      %add3A_1324 = vector.broadcast %add3A_1319 : i32 to vector<16xi32>
      %add3A_1325 = arith.addi %add3A_1324, %iota3A_606 : vector<16xi32>
      %jit3A_1326 = arith.constant 2048 : i32
      %broadcast_in_dim3A_1327 = vector.broadcast %jit3A_1326 : i32 to vector<16xi32>
      %select_n3A_1328 = arith.select %eq3A_1323, %add3A_1325, %broadcast_in_dim3A_1327 : vector<16xi1>, vector<16xi32>
      %min3A_1329 = arith.minsi %min3A_1317, %select_n3A_1328 : vector<16xi32>
      %reduce_min3A_1330 = arith.constant true
      %reduce_min3A_1331 = vector.broadcast %reduce_min3A_1330 : i1 to vector<16xi1>
      %reduce_min3A_1332 = arith.constant -2147483648 : i32
      %reduce_min3A_1333 = vector.broadcast %reduce_min3A_1332 : i32 to vector<16xi32>
      %reduce_min3A_1334 = arith.xori %min3A_1329, %reduce_min3A_1333 : vector<16xi32>
      %reduce_min3A_1335 = tpu.scan <min>, %reduce_min3A_1334 masked %reduce_min3A_1331 : vector<16xi32>, vector<16xi1> -> vector<16xi32>
      %reduce_min3A_1336 = arith.xori %reduce_min3A_1335, %reduce_min3A_1333 : vector<16xi32>
      %reduce_min3A_1337 = vector.extract %reduce_min3A_1336[15] : i32 from vector<16xi32>
      %broadcast_in_dim3A_1338 = vector.broadcast %scan3A_1214 : i32 to vector<16xi32>
      %broadcast_in_dim3A_1339 = vector.broadcast %reduce_min3A_1337 : i32 to vector<16xi32>
      tpu.vector_store_idx %arg12[%broadcast_in_dim3A_1338], %broadcast_in_dim3A_1339 masked %eq3A_609 : memref<64xi32, #tpu.memory_space<vmem>>[vector<16xi32>], vector<16xi32>, vector<16xi1>
      %broadcast_in_dim3A_1340 = vector.broadcast %reduce_max3A_1220 : f32 to vector<16xf32>
      tpu.vector_store_idx %arg13[%broadcast_in_dim3A_1338], %broadcast_in_dim3A_1340 masked %eq3A_609 : memref<64xf32, #tpu.memory_space<vmem>>[vector<16xi32>], vector<16xf32>, vector<16xi1>
      %broadcast_in_dim3A_1341 = vector.broadcast %reduce_min3A_1337 : i32 to vector<16xi32>
      %broadcast_in_dim3A_1342 = arith.constant 0xFF800000 : f32
      %broadcast_in_dim3A_1343 = vector.broadcast %broadcast_in_dim3A_1342 : f32 to vector<16xf32>
      tpu.vector_store_idx %arg9[%broadcast_in_dim3A_1341], %broadcast_in_dim3A_1343 masked %eq3A_609 : memref<2048xf32, #tpu.memory_space<vmem>>[vector<16xi32>], vector<16xf32>, vector<16xi1>
      %broadcast_in_dim3A_1344 = arith.constant 0xFF800000 : f32
      %broadcast_in_dim3A_1345 = vector.broadcast %broadcast_in_dim3A_1344 : f32 to vector<16xf32>
      %add3A_1346 = arith.constant 0 : i32
      %add3A_1347 = arith.addi %mul3A_1232, %add3A_1346 : i32
      %get3A_1348 = arith.index_cast %add3A_1347 : i32 to index
      %get3A_1349 = tpu.vector_load %arg9[%get3A_1348] {strides = array<i32>} : memref<2048xf32, #tpu.memory_space<vmem>>, vector<16xf32>,
      %max3A_1350 = arith.maximumf %broadcast_in_dim3A_1345, %get3A_1349 : vector<16xf32>
      %add3A_1351 = arith.constant 16 : i32
      %add3A_1352 = arith.addi %mul3A_1232, %add3A_1351 : i32
      %get3A_1353 = arith.index_cast %add3A_1352 : i32 to index
      %get3A_1354 = tpu.vector_load %arg9[%get3A_1353] {strides = array<i32>} : memref<2048xf32, #tpu.memory_space<vmem>>, vector<16xf32>,
      %max3A_1355 = arith.maximumf %max3A_1350, %get3A_1354 : vector<16xf32>
      %add3A_1356 = arith.constant 32 : i32
      %add3A_1357 = arith.addi %mul3A_1232, %add3A_1356 : i32
      %get3A_1358 = arith.index_cast %add3A_1357 : i32 to index
      %get3A_1359 = tpu.vector_load %arg9[%get3A_1358] {strides = array<i32>} : memref<2048xf32, #tpu.memory_space<vmem>>, vector<16xf32>,
      %max3A_1360 = arith.maximumf %max3A_1355, %get3A_1359 : vector<16xf32>
      %add3A_1361 = arith.constant 48 : i32
      %add3A_1362 = arith.addi %mul3A_1232, %add3A_1361 : i32
      %get3A_1363 = arith.index_cast %add3A_1362 : i32 to index
      %get3A_1364 = tpu.vector_load %arg9[%get3A_1363] {strides = array<i32>} : memref<2048xf32, #tpu.memory_space<vmem>>, vector<16xf32>,
      %max3A_1365 = arith.maximumf %max3A_1360, %get3A_1364 : vector<16xf32>
      %add3A_1366 = arith.constant 64 : i32
      %add3A_1367 = arith.addi %mul3A_1232, %add3A_1366 : i32
      %get3A_1368 = arith.index_cast %add3A_1367 : i32 to index
      %get3A_1369 = tpu.vector_load %arg9[%get3A_1368] {strides = array<i32>} : memref<2048xf32, #tpu.memory_space<vmem>>, vector<16xf32>,
      %max3A_1370 = arith.maximumf %max3A_1365, %get3A_1369 : vector<16xf32>
      %add3A_1371 = arith.constant 80 : i32
      %add3A_1372 = arith.addi %mul3A_1232, %add3A_1371 : i32
      %get3A_1373 = arith.index_cast %add3A_1372 : i32 to index
      %get3A_1374 = tpu.vector_load %arg9[%get3A_1373] {strides = array<i32>} : memref<2048xf32, #tpu.memory_space<vmem>>, vector<16xf32>,
      %max3A_1375 = arith.maximumf %max3A_1370, %get3A_1374 : vector<16xf32>
      %add3A_1376 = arith.constant 96 : i32
      %add3A_1377 = arith.addi %mul3A_1232, %add3A_1376 : i32
      %get3A_1378 = arith.index_cast %add3A_1377 : i32 to index
      %get3A_1379 = tpu.vector_load %arg9[%get3A_1378] {strides = array<i32>} : memref<2048xf32, #tpu.memory_space<vmem>>, vector<16xf32>,
      %max3A_1380 = arith.maximumf %max3A_1375, %get3A_1379 : vector<16xf32>
      %add3A_1381 = arith.constant 112 : i32
      %add3A_1382 = arith.addi %mul3A_1232, %add3A_1381 : i32
      %get3A_1383 = arith.index_cast %add3A_1382 : i32 to index
      %get3A_1384 = tpu.vector_load %arg9[%get3A_1383] {strides = array<i32>} : memref<2048xf32, #tpu.memory_space<vmem>>, vector<16xf32>,
      %max3A_1385 = arith.maximumf %max3A_1380, %get3A_1384 : vector<16xf32>
      %broadcast_in_dim3A_1386 = vector.broadcast %reduce_min3A_1230 : i32 to vector<16xi32>
      %reduce_max3A_1387 = arith.constant true
      %reduce_max3A_1388 = vector.broadcast %reduce_max3A_1387 : i1 to vector<16xi1>
      %reduce_max3A_1389 = tpu.scan <max>, %max3A_1385 masked %reduce_max3A_1388 : vector<16xf32>, vector<16xi1> -> vector<16xf32>
      %reduce_max3A_1390 = vector.extract %reduce_max3A_1389[15] : f32 from vector<16xf32>
      %broadcast_in_dim3A_1391 = vector.broadcast %reduce_max3A_1390 : f32 to vector<16xf32>
      tpu.vector_store_idx %arg11[%broadcast_in_dim3A_1386], %broadcast_in_dim3A_1391 masked %eq3A_609 : memref<16xf32, #tpu.memory_space<vmem>>[vector<16xi32>], vector<16xf32>, vector<16xi1>
    }
    %scan3A_1163 = arith.constant 50 : i32
    %get3A_1164 = arith.constant 0 : index
    %get3A_1165 = tpu.vector_load %arg12[%get3A_1164] {strides = array<i32>} : memref<64xi32, #tpu.memory_space<vmem>>, vector<16xi32>,
    %gather3A_1166 = tpu.vector_load_idx %arg10[%get3A_1165] : memref<2048xf32, #tpu.memory_space<vmem>>[vector<16xi32>], vector<16xf32>,
    %swap3A_1167 = arith.constant 0 : index
    %swap3A_1168 = tpu.vector_load %arg14[%swap3A_1167] {strides = array<i32>} : memref<64xf32, #tpu.memory_space<vmem>>, vector<16xf32>,
    tpu.vector_store %arg14[%swap3A_1167], %gather3A_1166 {strides = array<i32>} : memref<64xf32, #tpu.memory_space<vmem>>, vector<16xf32>,
    %mul3A_1169 = arith.constant 2048 : i32
    %mul3A_1170 = arith.muli %add3A_605, %mul3A_1169 : i32
    %add3A_1171 = vector.broadcast %mul3A_1170 : i32 to vector<16xi32>
    %add3A_1172 = arith.addi %get3A_1165, %add3A_1171 : vector<16xi32>
    %swap3A_1173 = arith.constant 0 : index
    %swap3A_1174 = tpu.vector_load %arg15[%swap3A_1173] {strides = array<i32>} : memref<64xi32, #tpu.memory_space<vmem>>, vector<16xi32>,
    tpu.vector_store %arg15[%swap3A_1173], %add3A_1172 {strides = array<i32>} : memref<64xi32, #tpu.memory_space<vmem>>, vector<16xi32>,
    %get3A_1175 = arith.constant 16 : index
    %get3A_1176 = tpu.vector_load %arg12[%get3A_1175] {strides = array<i32>} : memref<64xi32, #tpu.memory_space<vmem>>, vector<16xi32>,
    %gather3A_1177 = tpu.vector_load_idx %arg10[%get3A_1176] : memref<2048xf32, #tpu.memory_space<vmem>>[vector<16xi32>], vector<16xf32>,
    %swap3A_1178 = arith.constant 16 : index
    %swap3A_1179 = tpu.vector_load %arg14[%swap3A_1178] {strides = array<i32>} : memref<64xf32, #tpu.memory_space<vmem>>, vector<16xf32>,
    tpu.vector_store %arg14[%swap3A_1178], %gather3A_1177 {strides = array<i32>} : memref<64xf32, #tpu.memory_space<vmem>>, vector<16xf32>,
    %mul3A_1180 = arith.constant 2048 : i32
    %mul3A_1181 = arith.muli %add3A_605, %mul3A_1180 : i32
    %add3A_1182 = vector.broadcast %mul3A_1181 : i32 to vector<16xi32>
    %add3A_1183 = arith.addi %get3A_1176, %add3A_1182 : vector<16xi32>
    %swap3A_1184 = arith.constant 16 : index
    %swap3A_1185 = tpu.vector_load %arg15[%swap3A_1184] {strides = array<i32>} : memref<64xi32, #tpu.memory_space<vmem>>, vector<16xi32>,
    tpu.vector_store %arg15[%swap3A_1184], %add3A_1183 {strides = array<i32>} : memref<64xi32, #tpu.memory_space<vmem>>, vector<16xi32>,
    %get3A_1186 = arith.constant 32 : index
    %get3A_1187 = tpu.vector_load %arg12[%get3A_1186] {strides = array<i32>} : memref<64xi32, #tpu.memory_space<vmem>>, vector<16xi32>,
    %gather3A_1188 = tpu.vector_load_idx %arg10[%get3A_1187] : memref<2048xf32, #tpu.memory_space<vmem>>[vector<16xi32>], vector<16xf32>,
    %swap3A_1189 = arith.constant 32 : index
    %swap3A_1190 = tpu.vector_load %arg14[%swap3A_1189] {strides = array<i32>} : memref<64xf32, #tpu.memory_space<vmem>>, vector<16xf32>,
    tpu.vector_store %arg14[%swap3A_1189], %gather3A_1188 {strides = array<i32>} : memref<64xf32, #tpu.memory_space<vmem>>, vector<16xf32>,
    %mul3A_1191 = arith.constant 2048 : i32
    %mul3A_1192 = arith.muli %add3A_605, %mul3A_1191 : i32
    %add3A_1193 = vector.broadcast %mul3A_1192 : i32 to vector<16xi32>
    %add3A_1194 = arith.addi %get3A_1187, %add3A_1193 : vector<16xi32>
    %swap3A_1195 = arith.constant 32 : index
    %swap3A_1196 = tpu.vector_load %arg15[%swap3A_1195] {strides = array<i32>} : memref<64xi32, #tpu.memory_space<vmem>>, vector<16xi32>,
    tpu.vector_store %arg15[%swap3A_1195], %add3A_1194 {strides = array<i32>} : memref<64xi32, #tpu.memory_space<vmem>>, vector<16xi32>,
    %get3A_1197 = arith.constant 48 : index
    %get3A_1198 = tpu.vector_load %arg12[%get3A_1197] {strides = array<i32>} : memref<64xi32, #tpu.memory_space<vmem>>, vector<16xi32>,
    %gather3A_1199 = tpu.vector_load_idx %arg10[%get3A_1198] : memref<2048xf32, #tpu.memory_space<vmem>>[vector<16xi32>], vector<16xf32>,
    %swap3A_1200 = arith.constant 48 : index
    %swap3A_1201 = tpu.vector_load %arg14[%swap3A_1200] {strides = array<i32>} : memref<64xf32, #tpu.memory_space<vmem>>, vector<16xf32>,
    tpu.vector_store %arg14[%swap3A_1200], %gather3A_1199 {strides = array<i32>} : memref<64xf32, #tpu.memory_space<vmem>>, vector<16xf32>,
    %mul3A_1202 = arith.constant 2048 : i32
    %mul3A_1203 = arith.muli %add3A_605, %mul3A_1202 : i32
    %add3A_1204 = vector.broadcast %mul3A_1203 : i32 to vector<16xi32>
    %add3A_1205 = arith.addi %get3A_1198, %add3A_1204 : vector<16xi32>
    %swap3A_1206 = arith.constant 48 : index
    %swap3A_1207 = tpu.vector_load %arg15[%swap3A_1206] {strides = array<i32>} : memref<64xi32, #tpu.memory_space<vmem>>, vector<16xi32>,
    tpu.vector_store %arg15[%swap3A_1206], %add3A_1205 {strides = array<i32>} : memref<64xi32, #tpu.memory_space<vmem>>, vector<16xi32>,
    %dma_start3A_1208 = arith.constant 0 : i32
    %dma_start3A_1209 = arith.constant 0 : i32
    %dma_start3A_1210 = tpu.memref_slice %arg4[%dma_start3A_1208, %dma_start3A_1209] : memref<131072x256xf32, #tpu.memory_space<hbm>> -> memref<131072x256xf32, #tpu.memory_space<hbm>>
    tpu.enqueue_indirect_dma source(%dma_start3A_1210 : memref<131072x256xf32, #tpu.memory_space<hbm>>) target(%arg16 : memref<64x256xf32, #tpu.memory_space<vmem>>) offsets(%arg15 : memref<64xi32, #tpu.memory_space<vmem>>) semaphore(%arg17 : memref<!tpu.dma_semaphore, #tpu.memory_space<semaphore_mem>>)
    %dma_wait3A_1211 = arith.constant 0 : i32
    %dma_wait3A_1212 = arith.constant 0 : i32
    %dma_wait3A_1213 = tpu.memref_slice %arg4[%dma_wait3A_1211, %dma_wait3A_1212] : memref<131072x256xf32, #tpu.memory_space<hbm>> -> memref<131072x256xf32, #tpu.memory_space<hbm>>
    tpu.wait_indirect_dma semaphore(%arg17 : memref<!tpu.dma_semaphore, #tpu.memory_space<semaphore_mem>>) src(%dma_wait3A_1213 : memref<131072x256xf32, #tpu.memory_space<hbm>>) dst(%arg16 : memref<64x256xf32, #tpu.memory_space<vmem>>)
    "tpu.region"() ({
      %run_scoped3A = tpu.sem_alloc : memref<!tpu.dma_semaphore, #tpu.memory_space<semaphore_mem>>
      %dma_start3A_1214 = arith.constant 0 : i32
      %dma_start3A_1215 = arith.constant 0 : i32
      %dma_start3A_1216 = tpu.memref_slice %arg8[%add3A_605, %dma_start3A_1214, %dma_start3A_1215] : memref<64x64x256xf32, #tpu.memory_space<hbm>> -> memref<1x64x256xf32, #tpu.memory_space<hbm>>
      %dma_start3A_1217 = tpu.memref_squeeze %dma_start3A_1216 : memref<1x64x256xf32, #tpu.memory_space<hbm>> -> memref<64x256xf32, #tpu.memory_space<hbm>>
      %dma_start3A_1218 = arith.constant 0 : i32
      %dma_start3A_1219 = arith.constant 0 : i32
      %dma_start3A_1220 = tpu.memref_slice %arg8[%add3A_605, %dma_start3A_1218, %dma_start3A_1219] : memref<64x64x256xf32, #tpu.memory_space<hbm>> -> memref<1x64x256xf32, #tpu.memory_space<hbm>>
      %dma_start3A_1221 = tpu.memref_squeeze %dma_start3A_1220 : memref<1x64x256xf32, #tpu.memory_space<hbm>> -> memref<64x256xf32, #tpu.memory_space<hbm>>
      tpu.enqueue_dma source(%arg16 : memref<64x256xf32, #tpu.memory_space<vmem>>) target(%dma_start3A_1221 : memref<64x256xf32, #tpu.memory_space<hbm>>) target_semaphore(%run_scoped3A : memref<!tpu.dma_semaphore, #tpu.memory_space<semaphore_mem>>)
      %dma_wait3A_1222 = arith.constant 0 : i32
      %dma_wait3A_1223 = arith.constant 0 : i32
      %dma_wait3A_1224 = tpu.memref_slice %arg8[%add3A_605, %dma_wait3A_1222, %dma_wait3A_1223] : memref<64x64x256xf32, #tpu.memory_space<hbm>> -> memref<1x64x256xf32, #tpu.memory_space<hbm>>
      %dma_wait3A_1225 = tpu.memref_squeeze %dma_wait3A_1224 : memref<1x64x256xf32, #tpu.memory_space<hbm>> -> memref<64x256xf32, #tpu.memory_space<hbm>>
      %dma_wait3A_1226 = arith.constant 0 : i32
      %dma_wait3A_1227 = arith.constant 0 : i32
      %dma_wait3A_1228 = tpu.memref_slice %arg8[%add3A_605, %dma_wait3A_1226, %dma_wait3A_1227] : memref<64x64x256xf32, #tpu.memory_space<hbm>> -> memref<1x64x256xf32, #tpu.memory_space<hbm>>
      %dma_wait3A_1229 = tpu.memref_squeeze %dma_wait3A_1228 : memref<1x64x256xf32, #tpu.memory_space<hbm>> -> memref<64x256xf32, #tpu.memory_space<hbm>>
      tpu.wait_dma2 semaphore(%run_scoped3A : memref<!tpu.dma_semaphore, #tpu.memory_space<semaphore_mem>>) src(%arg16 : memref<64x256xf32, #tpu.memory_space<vmem>>) dst(%dma_wait3A_1229 : memref<64x256xf32, #tpu.memory_space<hbm>>)
      tpu.yield
    }) : () -> ()
    "tpu.region"() ({
      %run_scoped3A = tpu.sem_alloc : memref<!tpu.dma_semaphore, #tpu.memory_space<semaphore_mem>>
      %dma_start3A_1214 = arith.constant 0 : i32
      %dma_start3A_1215 = tpu.memref_slice %arg5[%add3A_605, %dma_start3A_1214] : memref<64x64xi32, #tpu.memory_space<hbm>> -> memref<1x64xi32, #tpu.memory_space<hbm>>
      %dma_start3A_1216 = tpu.memref_squeeze %dma_start3A_1215 : memref<1x64xi32, #tpu.memory_space<hbm>> -> memref<64xi32, #tpu.memory_space<hbm>>
      %dma_start3A_1217 = arith.constant 0 : i32
      %dma_start3A_1218 = tpu.memref_slice %arg5[%add3A_605, %dma_start3A_1217] : memref<64x64xi32, #tpu.memory_space<hbm>> -> memref<1x64xi32, #tpu.memory_space<hbm>>
      %dma_start3A_1219 = tpu.memref_squeeze %dma_start3A_1218 : memref<1x64xi32, #tpu.memory_space<hbm>> -> memref<64xi32, #tpu.memory_space<hbm>>
      tpu.enqueue_dma source(%arg12 : memref<64xi32, #tpu.memory_space<vmem>>) target(%dma_start3A_1219 : memref<64xi32, #tpu.memory_space<hbm>>) target_semaphore(%run_scoped3A : memref<!tpu.dma_semaphore, #tpu.memory_space<semaphore_mem>>)
      %dma_wait3A_1220 = arith.constant 0 : i32
      %dma_wait3A_1221 = tpu.memref_slice %arg5[%add3A_605, %dma_wait3A_1220] : memref<64x64xi32, #tpu.memory_space<hbm>> -> memref<1x64xi32, #tpu.memory_space<hbm>>
      %dma_wait3A_1222 = tpu.memref_squeeze %dma_wait3A_1221 : memref<1x64xi32, #tpu.memory_space<hbm>> -> memref<64xi32, #tpu.memory_space<hbm>>
      %dma_wait3A_1223 = arith.constant 0 : i32
      %dma_wait3A_1224 = tpu.memref_slice %arg5[%add3A_605, %dma_wait3A_1223] : memref<64x64xi32, #tpu.memory_space<hbm>> -> memref<1x64xi32, #tpu.memory_space<hbm>>
      %dma_wait3A_1225 = tpu.memref_squeeze %dma_wait3A_1224 : memref<1x64xi32, #tpu.memory_space<hbm>> -> memref<64xi32, #tpu.memory_space<hbm>>
      tpu.wait_dma2 semaphore(%run_scoped3A : memref<!tpu.dma_semaphore, #tpu.memory_space<semaphore_mem>>) src(%arg12 : memref<64xi32, #tpu.memory_space<vmem>>) dst(%dma_wait3A_1225 : memref<64xi32, #tpu.memory_space<hbm>>)
      tpu.yield
    }) : () -> ()
    "tpu.region"() ({
      %run_scoped3A = tpu.sem_alloc : memref<!tpu.dma_semaphore, #tpu.memory_space<semaphore_mem>>
      %dma_start3A_1214 = arith.constant 0 : i32
      %dma_start3A_1215 = tpu.memref_slice %arg6[%add3A_605, %dma_start3A_1214] : memref<64x64xf32, #tpu.memory_space<hbm>> -> memref<1x64xf32, #tpu.memory_space<hbm>>
      %dma_start3A_1216 = tpu.memref_squeeze %dma_start3A_1215 : memref<1x64xf32, #tpu.memory_space<hbm>> -> memref<64xf32, #tpu.memory_space<hbm>>
      %dma_start3A_1217 = arith.constant 0 : i32
      %dma_start3A_1218 = tpu.memref_slice %arg6[%add3A_605, %dma_start3A_1217] : memref<64x64xf32, #tpu.memory_space<hbm>> -> memref<1x64xf32, #tpu.memory_space<hbm>>
      %dma_start3A_1219 = tpu.memref_squeeze %dma_start3A_1218 : memref<1x64xf32, #tpu.memory_space<hbm>> -> memref<64xf32, #tpu.memory_space<hbm>>
      tpu.enqueue_dma source(%arg13 : memref<64xf32, #tpu.memory_space<vmem>>) target(%dma_start3A_1219 : memref<64xf32, #tpu.memory_space<hbm>>) target_semaphore(%run_scoped3A : memref<!tpu.dma_semaphore, #tpu.memory_space<semaphore_mem>>)
      %dma_wait3A_1220 = arith.constant 0 : i32
      %dma_wait3A_1221 = tpu.memref_slice %arg6[%add3A_605, %dma_wait3A_1220] : memref<64x64xf32, #tpu.memory_space<hbm>> -> memref<1x64xf32, #tpu.memory_space<hbm>>
      %dma_wait3A_1222 = tpu.memref_squeeze %dma_wait3A_1221 : memref<1x64xf32, #tpu.memory_space<hbm>> -> memref<64xf32, #tpu.memory_space<hbm>>
      %dma_wait3A_1223 = arith.constant 0 : i32
      %dma_wait3A_1224 = tpu.memref_slice %arg6[%add3A_605, %dma_wait3A_1223] : memref<64x64xf32, #tpu.memory_space<hbm>> -> memref<1x64xf32, #tpu.memory_space<hbm>>
      %dma_wait3A_1225 = tpu.memref_squeeze %dma_wait3A_1224 : memref<1x64xf32, #tpu.memory_space<hbm>> -> memref<64xf32, #tpu.memory_space<hbm>>
      tpu.wait_dma2 semaphore(%run_scoped3A : memref<!tpu.dma_semaphore, #tpu.memory_space<semaphore_mem>>) src(%arg13 : memref<64xf32, #tpu.memory_space<vmem>>) dst(%dma_wait3A_1225 : memref<64xf32, #tpu.memory_space<hbm>>)
      tpu.yield
    }) : () -> ()
    "tpu.region"() ({
      %run_scoped3A = tpu.sem_alloc : memref<!tpu.dma_semaphore, #tpu.memory_space<semaphore_mem>>
      %dma_start3A_1214 = arith.constant 0 : i32
      %dma_start3A_1215 = tpu.memref_slice %arg7[%add3A_605, %dma_start3A_1214] : memref<64x64xf32, #tpu.memory_space<hbm>> -> memref<1x64xf32, #tpu.memory_space<hbm>>
      %dma_start3A_1216 = tpu.memref_squeeze %dma_start3A_1215 : memref<1x64xf32, #tpu.memory_space<hbm>> -> memref<64xf32, #tpu.memory_space<hbm>>
      %dma_start3A_1217 = arith.constant 0 : i32
      %dma_start3A_1218 = tpu.memref_slice %arg7[%add3A_605, %dma_start3A_1217] : memref<64x64xf32, #tpu.memory_space<hbm>> -> memref<1x64xf32, #tpu.memory_space<hbm>>
      %dma_start3A_1219 = tpu.memref_squeeze %dma_start3A_1218 : memref<1x64xf32, #tpu.memory_space<hbm>> -> memref<64xf32, #tpu.memory_space<hbm>>
      tpu.enqueue_dma source(%arg14 : memref<64xf32, #tpu.memory_space<vmem>>) target(%dma_start3A_1219 : memref<64xf32, #tpu.memory_space<hbm>>) target_semaphore(%run_scoped3A : memref<!tpu.dma_semaphore, #tpu.memory_space<semaphore_mem>>)
      %dma_wait3A_1220 = arith.constant 0 : i32
      %dma_wait3A_1221 = tpu.memref_slice %arg7[%add3A_605, %dma_wait3A_1220] : memref<64x64xf32, #tpu.memory_space<hbm>> -> memref<1x64xf32, #tpu.memory_space<hbm>>
      %dma_wait3A_1222 = tpu.memref_squeeze %dma_wait3A_1221 : memref<1x64xf32, #tpu.memory_space<hbm>> -> memref<64xf32, #tpu.memory_space<hbm>>
      %dma_wait3A_1223 = arith.constant 0 : i32
      %dma_wait3A_1224 = tpu.memref_slice %arg7[%add3A_605, %dma_wait3A_1223] : memref<64x64xf32, #tpu.memory_space<hbm>> -> memref<1x64xf32, #tpu.memory_space<hbm>>
      %dma_wait3A_1225 = tpu.memref_squeeze %dma_wait3A_1224 : memref<1x64xf32, #tpu.memory_space<hbm>> -> memref<64xf32, #tpu.memory_space<hbm>>
      tpu.wait_dma2 semaphore(%run_scoped3A : memref<!tpu.dma_semaphore, #tpu.memory_space<semaphore_mem>>) src(%arg14 : memref<64xf32, #tpu.memory_space<vmem>>) dst(%dma_wait3A_1225 : memref<64xf32, #tpu.memory_space<hbm>>)
      tpu.yield
    }) : () -> ()
    return
  }
}

module attributes {stable_mosaic.version = 14 : i64} {
  func.func @_scorer_body(%arg0: i32, %arg1: memref<1x1x256xf32, #tpu.memory_space<vmem>>, %arg2: memref<1x2048x256xf32, #tpu.memory_space<vmem>>, %arg3: memref<256x256xf32, #tpu.memory_space<vmem>>, %arg4: memref<256x256xf32, #tpu.memory_space<vmem>>, %arg5: memref<1x256xf32, #tpu.memory_space<vmem>>, %arg6: memref<1x256xf32, #tpu.memory_space<vmem>>, %arg7: memref<1x1x2048xf32, #tpu.memory_space<vmem>>) attributes {dimension_semantics = [#tpu.dimension_semantics<arbitrary>], iteration_bounds = array<i64: 64>, scalar_prefetch = 0 : i64, scratch_operands = 0 : i64, tpu.core_type = #tpu.core_type<tc>, window_params = [{transform_indices = @transform_0, window_bounds = array<i64: 1, 1, 256>}, {transform_indices = @transform_1, window_bounds = array<i64: 1, 2048, 256>}, {pipeline_mode = #tpu.pipeline_mode<synchronous>, transform_indices = @transform_2, window_bounds = array<i64: 256, 256>}, {pipeline_mode = #tpu.pipeline_mode<synchronous>, transform_indices = @transform_3, window_bounds = array<i64: 256, 256>}, {pipeline_mode = #tpu.pipeline_mode<synchronous>, transform_indices = @transform_4, window_bounds = array<i64: 1, 256>}, {pipeline_mode = #tpu.pipeline_mode<synchronous>, transform_indices = @transform_5, window_bounds = array<i64: 1, 256>}, {transform_indices = @transform_6, window_bounds = array<i64: 1, 1, 2048>}]} {
    %get3A = arith.constant 0 : index
    %get3A_0 = arith.constant 0 : index
    %get3A_1 = arith.constant 0 : index
    %get3A_2 = vector.load %arg1[%get3A, %get3A_0, %get3A_1] : memref<1x1x256xf32, #tpu.memory_space<vmem>>, vector<1x1x256xf32>
    %get3A_3 = vector.shape_cast %get3A_2 : vector<1x1x256xf32> to vector<1x256xf32>
    %get3A_4 = arith.constant 0 : index
    %get3A_5 = arith.constant 0 : index
    %get3A_6 = vector.load %arg4[%get3A_4, %get3A_5] : memref<256x256xf32, #tpu.memory_space<vmem>>, vector<256x256xf32>
    %dot_general3A = arith.constant dense<0.000000e+00> : vector<1x256xf32>
    %dot_general3A_7 = tpu.matmul %get3A_3, %get3A_6, %dot_general3A {dimension_numbers = #tpu.dot_dimension_numbers<[1], [0], [0], [1], [0, 0, 1, 1], [], []>, transpose_lhs_hint = false} : vector<1x256xf32>, vector<256x256xf32>, vector<1x256xf32> -> vector<1x256xf32>
    %get3A_8 = arith.constant 0 : index
    %get3A_9 = arith.constant 0 : index
    %get3A_10 = arith.constant 0 : index
    %get3A_11 = vector.load %arg2[%get3A_8, %get3A_9, %get3A_10] : memref<1x2048x256xf32, #tpu.memory_space<vmem>>, vector<1x2048x256xf32>
    %get3A_12 = vector.shape_cast %get3A_11 : vector<1x2048x256xf32> to vector<2048x256xf32>
    %get3A_13 = arith.constant 0 : index
    %get3A_14 = arith.constant 0 : index
    %get3A_15 = vector.load %arg3[%get3A_13, %get3A_14] : memref<256x256xf32, #tpu.memory_space<vmem>>, vector<256x256xf32>
    %dot_general3A_16 = arith.constant dense<0.000000e+00> : vector<2048x256xf32>
    %dot_general3A_17 = tpu.matmul %get3A_12, %get3A_15, %dot_general3A_16 {dimension_numbers = #tpu.dot_dimension_numbers<[1], [0], [0], [1], [0, 0, 1, 1], [], []>, transpose_lhs_hint = false} : vector<2048x256xf32>, vector<256x256xf32>, vector<2048x256xf32> -> vector<2048x256xf32>
    %add3A = vector.broadcast %dot_general3A_7 : vector<1x256xf32> to vector<2048x256xf32>
    %add3A_18 = arith.addf %dot_general3A_17, %add3A : vector<2048x256xf32>
    %get3A_19 = arith.constant 0 : index
    %get3A_20 = arith.constant 0 : index
    %get3A_21 = vector.load %arg5[%get3A_19, %get3A_20] : memref<1x256xf32, #tpu.memory_space<vmem>>, vector<1x256xf32>
    %add3A_22 = vector.broadcast %get3A_21 : vector<1x256xf32> to vector<2048x256xf32>
    %add3A_23 = arith.addf %add3A_18, %add3A_22 : vector<2048x256xf32>
    %max3A = arith.constant 0.000000e+00 : f32
    %max3A_24 = vector.broadcast %max3A : f32 to vector<2048x256xf32>
    %max3A_25 = arith.maximumf %add3A_23, %max3A_24 : vector<2048x256xf32>
    %get3A_26 = arith.constant 0 : index
    %get3A_27 = arith.constant 0 : index
    %get3A_28 = vector.load %arg6[%get3A_26, %get3A_27] : memref<1x256xf32, #tpu.memory_space<vmem>>, vector<1x256xf32>
    %transpose3A = tpu.transpose %max3A_25, [1, 0] : vector<2048x256xf32> -> vector<256x2048xf32>
    %dot_general3A_29 = arith.constant dense<0.000000e+00> : vector<1x2048xf32>
    %dot_general3A_30 = tpu.matmul %get3A_28, %transpose3A, %dot_general3A_29 {dimension_numbers = #tpu.dot_dimension_numbers<[1], [0], [0], [1], [0, 0, 1, 1], [], []>, transpose_lhs_hint = false} : vector<1x256xf32>, vector<256x2048xf32>, vector<1x2048xf32> -> vector<1x2048xf32>
    %broadcast_in_dim3A = vector.shape_cast %dot_general3A_30 : vector<1x2048xf32> to vector<1x1x2048xf32>
    %swap3A = arith.constant 0 : index
    %swap3A_31 = arith.constant 0 : index
    %swap3A_32 = arith.constant 0 : index
    %swap3A_33 = vector.load %arg7[%swap3A, %swap3A_31, %swap3A_32] : memref<1x1x2048xf32, #tpu.memory_space<vmem>>, vector<1x1x2048xf32>
    tpu.vector_store %arg7[%swap3A, %swap3A_31, %swap3A_32], %broadcast_in_dim3A {strides = array<i32>} : memref<1x1x2048xf32, #tpu.memory_space<vmem>>, vector<1x1x2048xf32>,
    return
  }
  func.func @transform_0(%arg0: i32) -> (i32, i32, i32) {
    %c0_i32 = arith.constant 0 : i32
    %c0_i32_0 = arith.constant 0 : i32
    %c0_i32_1 = arith.constant 0 : i32
    return %arg0, %c0_i32, %c0_i32_0 : i32, i32, i32
  }
  func.func @transform_1(%arg0: i32) -> (i32, i32, i32) {
    %c0_i32 = arith.constant 0 : i32
    %c0_i32_0 = arith.constant 0 : i32
    %c0_i32_1 = arith.constant 0 : i32
    return %arg0, %c0_i32, %c0_i32_0 : i32, i32, i32
  }
  func.func @transform_2(%arg0: i32) -> (i32, i32) {
    %c0_i32 = arith.constant 0 : i32
    %c0_i32_0 = arith.constant 0 : i32
    %c0_i32_1 = arith.constant 0 : i32
    return %c0_i32, %c0_i32_0 : i32, i32
  }
  func.func @transform_3(%arg0: i32) -> (i32, i32) {
    %c0_i32 = arith.constant 0 : i32
    %c0_i32_0 = arith.constant 0 : i32
    %c0_i32_1 = arith.constant 0 : i32
    return %c0_i32, %c0_i32_0 : i32, i32
  }
  func.func @transform_4(%arg0: i32) -> (i32, i32) {
    %c0_i32 = arith.constant 0 : i32
    %c0_i32_0 = arith.constant 0 : i32
    %c0_i32_1 = arith.constant 0 : i32
    return %c0_i32, %c0_i32_0 : i32, i32
  }
  func.func @transform_5(%arg0: i32) -> (i32, i32) {
    %c0_i32 = arith.constant 0 : i32
    %c0_i32_0 = arith.constant 0 : i32
    %c0_i32_1 = arith.constant 0 : i32
    return %c0_i32, %c0_i32_0 : i32, i32
  }
  func.func @transform_6(%arg0: i32) -> (i32, i32, i32) {
    %c0_i32 = arith.constant 0 : i32
    %c0_i32_0 = arith.constant 0 : i32
    %c0_i32_1 = arith.constant 0 : i32
    return %arg0, %c0_i32, %c0_i32_0 : i32, i32, i32
  }
}

module attributes {stable_mosaic.version = 14 : i64} {
  func.func @_comp_body(%arg0: i32, %arg1: memref<512x256xf32, #tpu.memory_space<vmem>>, %arg2: memref<8x1x256xf32, #tpu.memory_space<vmem>>, %arg3: memref<256x512xf32, #tpu.memory_space<vmem>>, %arg4: memref<256x512xf32, #tpu.memory_space<vmem>>, %arg5: memref<1x512xf32, #tpu.memory_space<vmem>>, %arg6: memref<512x1024xf32, #tpu.memory_space<vmem>>, %arg7: memref<1x1024xf32, #tpu.memory_space<vmem>>, %arg8: memref<8x50x512xf32, #tpu.memory_space<vmem>>, %arg9: memref<1x1x128xf32, #tpu.memory_space<vmem>>) attributes {dimension_semantics = [#tpu.dimension_semantics<arbitrary>], iteration_bounds = array<i64: 8>, scalar_prefetch = 0 : i64, scratch_operands = 0 : i64, tpu.core_type = #tpu.core_type<tc>, window_params = [{transform_indices = @transform_0, window_bounds = array<i64: 512, 256>}, {transform_indices = @transform_1, window_bounds = array<i64: 8, 1, 256>}, {pipeline_mode = #tpu.pipeline_mode<synchronous>, transform_indices = @transform_2, window_bounds = array<i64: 256, 512>}, {pipeline_mode = #tpu.pipeline_mode<synchronous>, transform_indices = @transform_3, window_bounds = array<i64: 256, 512>}, {pipeline_mode = #tpu.pipeline_mode<synchronous>, transform_indices = @transform_4, window_bounds = array<i64: 1, 512>}, {pipeline_mode = #tpu.pipeline_mode<synchronous>, transform_indices = @transform_5, window_bounds = array<i64: 512, 1024>}, {pipeline_mode = #tpu.pipeline_mode<synchronous>, transform_indices = @transform_6, window_bounds = array<i64: 1, 1024>}, {transform_indices = @transform_7, window_bounds = array<i64: 8, 50, 512>}, {transform_indices = @transform_8, window_bounds = array<i64: 1, 1, 128>}]} {
    %get3A = arith.constant 0 : index
    %get3A_0 = arith.constant 0 : index
    %get3A_1 = vector.load %arg1[%get3A, %get3A_0] : memref<512x256xf32, #tpu.memory_space<vmem>>, vector<512x256xf32>
    %get3A_2 = arith.constant 0 : index
    %get3A_3 = arith.constant 0 : index
    %get3A_4 = arith.constant 0 : index
    %get3A_5 = vector.load %arg2[%get3A_2, %get3A_3, %get3A_4] : memref<8x1x256xf32, #tpu.memory_space<vmem>>, vector<8x1x256xf32>
    %get3A_6 = vector.shape_cast %get3A_5 : vector<8x1x256xf32> to vector<8x256xf32>
    %get3A_7 = arith.constant 0 : index
    %get3A_8 = arith.constant 0 : index
    %get3A_9 = vector.load %arg4[%get3A_7, %get3A_8] : memref<256x512xf32, #tpu.memory_space<vmem>>, vector<256x512xf32>
    %dot_general3A = arith.constant dense<0.000000e+00> : vector<8x512xf32>
    %dot_general3A_10 = tpu.matmul %get3A_6, %get3A_9, %dot_general3A {dimension_numbers = #tpu.dot_dimension_numbers<[1], [0], [0], [1], [0, 0, 1, 1], [], []>, transpose_lhs_hint = false} : vector<8x256xf32>, vector<256x512xf32>, vector<8x512xf32> -> vector<8x512xf32>
    %slice3A = vector.extract_strided_slice %dot_general3A_10 {offsets = [0, 0], sizes = [1, 512], strides = [1, 1]} : vector<8x512xf32> to vector<1x512xf32>
    %broadcast_in_dim3A = vector.shape_cast %slice3A : vector<1x512xf32> to vector<1x512xf32>
    %broadcast_in_dim3A_11 = vector.broadcast %broadcast_in_dim3A : vector<1x512xf32> to vector<64x512xf32>
    %slice3A_12 = vector.extract_strided_slice %dot_general3A_10 {offsets = [1, 0], sizes = [1, 512], strides = [1, 1]} : vector<8x512xf32> to vector<1x512xf32>
    %broadcast_in_dim3A_13 = vector.shape_cast %slice3A_12 : vector<1x512xf32> to vector<1x512xf32>
    %broadcast_in_dim3A_14 = vector.broadcast %broadcast_in_dim3A_13 : vector<1x512xf32> to vector<64x512xf32>
    %slice3A_15 = vector.extract_strided_slice %dot_general3A_10 {offsets = [2, 0], sizes = [1, 512], strides = [1, 1]} : vector<8x512xf32> to vector<1x512xf32>
    %broadcast_in_dim3A_16 = vector.shape_cast %slice3A_15 : vector<1x512xf32> to vector<1x512xf32>
    %broadcast_in_dim3A_17 = vector.broadcast %broadcast_in_dim3A_16 : vector<1x512xf32> to vector<64x512xf32>
    %slice3A_18 = vector.extract_strided_slice %dot_general3A_10 {offsets = [3, 0], sizes = [1, 512], strides = [1, 1]} : vector<8x512xf32> to vector<1x512xf32>
    %broadcast_in_dim3A_19 = vector.shape_cast %slice3A_18 : vector<1x512xf32> to vector<1x512xf32>
    %broadcast_in_dim3A_20 = vector.broadcast %broadcast_in_dim3A_19 : vector<1x512xf32> to vector<64x512xf32>
    %slice3A_21 = vector.extract_strided_slice %dot_general3A_10 {offsets = [4, 0], sizes = [1, 512], strides = [1, 1]} : vector<8x512xf32> to vector<1x512xf32>
    %broadcast_in_dim3A_22 = vector.shape_cast %slice3A_21 : vector<1x512xf32> to vector<1x512xf32>
    %broadcast_in_dim3A_23 = vector.broadcast %broadcast_in_dim3A_22 : vector<1x512xf32> to vector<64x512xf32>
    %slice3A_24 = vector.extract_strided_slice %dot_general3A_10 {offsets = [5, 0], sizes = [1, 512], strides = [1, 1]} : vector<8x512xf32> to vector<1x512xf32>
    %broadcast_in_dim3A_25 = vector.shape_cast %slice3A_24 : vector<1x512xf32> to vector<1x512xf32>
    %broadcast_in_dim3A_26 = vector.broadcast %broadcast_in_dim3A_25 : vector<1x512xf32> to vector<64x512xf32>
    %slice3A_27 = vector.extract_strided_slice %dot_general3A_10 {offsets = [6, 0], sizes = [1, 512], strides = [1, 1]} : vector<8x512xf32> to vector<1x512xf32>
    %broadcast_in_dim3A_28 = vector.shape_cast %slice3A_27 : vector<1x512xf32> to vector<1x512xf32>
    %broadcast_in_dim3A_29 = vector.broadcast %broadcast_in_dim3A_28 : vector<1x512xf32> to vector<64x512xf32>
    %slice3A_30 = vector.extract_strided_slice %dot_general3A_10 {offsets = [7, 0], sizes = [1, 512], strides = [1, 1]} : vector<8x512xf32> to vector<1x512xf32>
    %broadcast_in_dim3A_31 = vector.shape_cast %slice3A_30 : vector<1x512xf32> to vector<1x512xf32>
    %broadcast_in_dim3A_32 = vector.broadcast %broadcast_in_dim3A_31 : vector<1x512xf32> to vector<64x512xf32>
    %concatenate3A = tpu.concatenate %broadcast_in_dim3A_11, %broadcast_in_dim3A_14, %broadcast_in_dim3A_17, %broadcast_in_dim3A_20, %broadcast_in_dim3A_23, %broadcast_in_dim3A_26, %broadcast_in_dim3A_29, %broadcast_in_dim3A_32 in 0 : vector<64x512xf32>, vector<64x512xf32>, vector<64x512xf32>, vector<64x512xf32>, vector<64x512xf32>, vector<64x512xf32>, vector<64x512xf32>, vector<64x512xf32> -> vector<512x512xf32>
    %get3A_33 = arith.constant 0 : index
    %get3A_34 = arith.constant 0 : index
    %get3A_35 = vector.load %arg3[%get3A_33, %get3A_34] : memref<256x512xf32, #tpu.memory_space<vmem>>, vector<256x512xf32>
    %dot_general3A_36 = arith.constant dense<0.000000e+00> : vector<512x512xf32>
    %dot_general3A_37 = tpu.matmul %get3A_1, %get3A_35, %dot_general3A_36 {dimension_numbers = #tpu.dot_dimension_numbers<[1], [0], [0], [1], [0, 0, 1, 1], [], []>, transpose_lhs_hint = false} : vector<512x256xf32>, vector<256x512xf32>, vector<512x512xf32> -> vector<512x512xf32>
    %add3A = arith.addf %dot_general3A_37, %concatenate3A : vector<512x512xf32>
    %get3A_38 = arith.constant 0 : index
    %get3A_39 = arith.constant 0 : index
    %get3A_40 = vector.load %arg5[%get3A_38, %get3A_39] : memref<1x512xf32, #tpu.memory_space<vmem>>, vector<1x512xf32>
    %add3A_41 = vector.broadcast %get3A_40 : vector<1x512xf32> to vector<512x512xf32>
    %add3A_42 = arith.addf %add3A, %add3A_41 : vector<512x512xf32>
    %max3A = arith.constant 0.000000e+00 : f32
    %max3A_43 = vector.broadcast %max3A : f32 to vector<512x512xf32>
    %max3A_44 = arith.maximumf %add3A_42, %max3A_43 : vector<512x512xf32>
    %get3A_45 = arith.constant 0 : index
    %get3A_46 = arith.constant 0 : index
    %get3A_47 = vector.load %arg6[%get3A_45, %get3A_46] : memref<512x1024xf32, #tpu.memory_space<vmem>>, vector<512x1024xf32>
    %dot_general3A_48 = arith.constant dense<0.000000e+00> : vector<512x1024xf32>
    %dot_general3A_49 = tpu.matmul %max3A_44, %get3A_47, %dot_general3A_48 {dimension_numbers = #tpu.dot_dimension_numbers<[1], [0], [0], [1], [0, 0, 1, 1], [], []>, transpose_lhs_hint = false} : vector<512x512xf32>, vector<512x1024xf32>, vector<512x1024xf32> -> vector<512x1024xf32>
    %get3A_50 = arith.constant 0 : index
    %get3A_51 = arith.constant 0 : index
    %get3A_52 = vector.load %arg7[%get3A_50, %get3A_51] : memref<1x1024xf32, #tpu.memory_space<vmem>>, vector<1x1024xf32>
    %add3A_53 = vector.broadcast %get3A_52 : vector<1x1024xf32> to vector<512x1024xf32>
    %add3A_54 = arith.addf %dot_general3A_49, %add3A_53 : vector<512x1024xf32>
    %slice3A_55 = vector.extract_strided_slice %add3A_54 {offsets = [0, 0], sizes = [50, 512], strides = [1, 1]} : vector<512x1024xf32> to vector<50x512xf32>
    %slice3A_56 = vector.extract_strided_slice %add3A_54 {offsets = [0, 512], sizes = [50, 512], strides = [1, 1]} : vector<512x1024xf32> to vector<50x512xf32>
    %swap3A = arith.constant 0 : index
    %swap3A_57 = arith.constant 0 : index
    %swap3A_58 = arith.constant 0 : index
    %swap3A_59 = vector.load %arg8[%swap3A, %swap3A_57, %swap3A_58] : memref<8x50x512xf32, #tpu.memory_space<vmem>>, vector<1x50x512xf32>
    %swap3A_60 = vector.shape_cast %swap3A_59 : vector<1x50x512xf32> to vector<50x512xf32>
    %swap3A_61 = vector.shape_cast %slice3A_55 : vector<50x512xf32> to vector<1x50x512xf32>
    tpu.vector_store %arg8[%swap3A, %swap3A_57, %swap3A_58], %swap3A_61 {strides = array<i32>} : memref<8x50x512xf32, #tpu.memory_space<vmem>>, vector<1x50x512xf32>,
    %jit3A = arith.constant -1.000000e+01 : f32
    %jit3A_62 = arith.constant 1.000000e+01 : f32
    %max3A_63 = vector.broadcast %jit3A : f32 to vector<50x512xf32>
    %max3A_64 = arith.maximumf %max3A_63, %slice3A_56 : vector<50x512xf32>
    %min3A = vector.broadcast %jit3A_62 : f32 to vector<50x512xf32>
    %min3A_65 = arith.minimumf %min3A, %max3A_64 : vector<50x512xf32>
    %exp3A = math.exp %min3A_65 : vector<50x512xf32>
    %mul3A = arith.mulf %slice3A_55, %slice3A_55 : vector<50x512xf32>
    %mul3A_66 = arith.mulf %exp3A, %exp3A : vector<50x512xf32>
    %add3A_67 = arith.addf %mul3A, %mul3A_66 : vector<50x512xf32>
    %sub3A = arith.constant 1.000000e+00 : f32
    %sub3A_68 = vector.broadcast %sub3A : f32 to vector<50x512xf32>
    %sub3A_69 = arith.subf %add3A_67, %sub3A_68 : vector<50x512xf32>
    %mul3A_70 = arith.constant 2.000000e+00 : f32
    %mul3A_71 = vector.broadcast %mul3A_70 : f32 to vector<50x512xf32>
    %mul3A_72 = arith.mulf %mul3A_71, %slice3A_56 : vector<50x512xf32>
    %sub3A_73 = arith.subf %sub3A_69, %mul3A_72 : vector<50x512xf32>
    %reduce_sum3A = vector.shape_cast %sub3A_73 : vector<50x512xf32> to vector<1x50x512xf32>
    %reduce_sum3A_74 = arith.constant dense<0.000000e+00> : vector<1xf32>
    %reduce_sum3A_75 = vector.multi_reduction <add>, %reduce_sum3A, %reduce_sum3A_74 [1, 2] : vector<1x50x512xf32> to vector<1xf32>
    %reduce_sum3A_76 = vector.shape_cast %reduce_sum3A_75 : vector<1xf32> to vector<1x1x1xf32>
    %reduce_sum3A_77 = vector.extract %reduce_sum3A_76[0, 0, 0] : f32 from vector<1x1x1xf32>
    %add3A_78 = arith.constant 0.000000e+00 : f32
    %add3A_79 = arith.addf %add3A_78, %reduce_sum3A_77 : f32
    %slice3A_80 = vector.extract_strided_slice %add3A_54 {offsets = [64, 0], sizes = [50, 512], strides = [1, 1]} : vector<512x1024xf32> to vector<50x512xf32>
    %slice3A_81 = vector.extract_strided_slice %add3A_54 {offsets = [64, 512], sizes = [50, 512], strides = [1, 1]} : vector<512x1024xf32> to vector<50x512xf32>
    %swap3A_82 = arith.constant 1 : index
    %swap3A_83 = arith.constant 0 : index
    %swap3A_84 = arith.constant 0 : index
    %swap3A_85 = vector.load %arg8[%swap3A_82, %swap3A_83, %swap3A_84] : memref<8x50x512xf32, #tpu.memory_space<vmem>>, vector<1x50x512xf32>
    %swap3A_86 = vector.shape_cast %swap3A_85 : vector<1x50x512xf32> to vector<50x512xf32>
    %swap3A_87 = vector.shape_cast %slice3A_80 : vector<50x512xf32> to vector<1x50x512xf32>
    tpu.vector_store %arg8[%swap3A_82, %swap3A_83, %swap3A_84], %swap3A_87 {strides = array<i32>} : memref<8x50x512xf32, #tpu.memory_space<vmem>>, vector<1x50x512xf32>,
    %jit3A_88 = arith.constant -1.000000e+01 : f32
    %jit3A_89 = arith.constant 1.000000e+01 : f32
    %max3A_90 = vector.broadcast %jit3A_88 : f32 to vector<50x512xf32>
    %max3A_91 = arith.maximumf %max3A_90, %slice3A_81 : vector<50x512xf32>
    %min3A_92 = vector.broadcast %jit3A_89 : f32 to vector<50x512xf32>
    %min3A_93 = arith.minimumf %min3A_92, %max3A_91 : vector<50x512xf32>
    %exp3A_94 = math.exp %min3A_93 : vector<50x512xf32>
    %mul3A_95 = arith.mulf %slice3A_80, %slice3A_80 : vector<50x512xf32>
    %mul3A_96 = arith.mulf %exp3A_94, %exp3A_94 : vector<50x512xf32>
    %add3A_97 = arith.addf %mul3A_95, %mul3A_96 : vector<50x512xf32>
    %sub3A_98 = arith.constant 1.000000e+00 : f32
    %sub3A_99 = vector.broadcast %sub3A_98 : f32 to vector<50x512xf32>
    %sub3A_100 = arith.subf %add3A_97, %sub3A_99 : vector<50x512xf32>
    %mul3A_101 = arith.constant 2.000000e+00 : f32
    %mul3A_102 = vector.broadcast %mul3A_101 : f32 to vector<50x512xf32>
    %mul3A_103 = arith.mulf %mul3A_102, %slice3A_81 : vector<50x512xf32>
    %sub3A_104 = arith.subf %sub3A_100, %mul3A_103 : vector<50x512xf32>
    %reduce_sum3A_105 = vector.shape_cast %sub3A_104 : vector<50x512xf32> to vector<1x50x512xf32>
    %reduce_sum3A_106 = arith.constant dense<0.000000e+00> : vector<1xf32>
    %reduce_sum3A_107 = vector.multi_reduction <add>, %reduce_sum3A_105, %reduce_sum3A_106 [1, 2] : vector<1x50x512xf32> to vector<1xf32>
    %reduce_sum3A_108 = vector.shape_cast %reduce_sum3A_107 : vector<1xf32> to vector<1x1x1xf32>
    %reduce_sum3A_109 = vector.extract %reduce_sum3A_108[0, 0, 0] : f32 from vector<1x1x1xf32>
    %add3A_110 = arith.addf %add3A_79, %reduce_sum3A_109 : f32
    %slice3A_111 = vector.extract_strided_slice %add3A_54 {offsets = [128, 0], sizes = [50, 512], strides = [1, 1]} : vector<512x1024xf32> to vector<50x512xf32>
    %slice3A_112 = vector.extract_strided_slice %add3A_54 {offsets = [128, 512], sizes = [50, 512], strides = [1, 1]} : vector<512x1024xf32> to vector<50x512xf32>
    %swap3A_113 = arith.constant 2 : index
    %swap3A_114 = arith.constant 0 : index
    %swap3A_115 = arith.constant 0 : index
    %swap3A_116 = vector.load %arg8[%swap3A_113, %swap3A_114, %swap3A_115] : memref<8x50x512xf32, #tpu.memory_space<vmem>>, vector<1x50x512xf32>
    %swap3A_117 = vector.shape_cast %swap3A_116 : vector<1x50x512xf32> to vector<50x512xf32>
    %swap3A_118 = vector.shape_cast %slice3A_111 : vector<50x512xf32> to vector<1x50x512xf32>
    tpu.vector_store %arg8[%swap3A_113, %swap3A_114, %swap3A_115], %swap3A_118 {strides = array<i32>} : memref<8x50x512xf32, #tpu.memory_space<vmem>>, vector<1x50x512xf32>,
    %jit3A_119 = arith.constant -1.000000e+01 : f32
    %jit3A_120 = arith.constant 1.000000e+01 : f32
    %max3A_121 = vector.broadcast %jit3A_119 : f32 to vector<50x512xf32>
    %max3A_122 = arith.maximumf %max3A_121, %slice3A_112 : vector<50x512xf32>
    %min3A_123 = vector.broadcast %jit3A_120 : f32 to vector<50x512xf32>
    %min3A_124 = arith.minimumf %min3A_123, %max3A_122 : vector<50x512xf32>
    %exp3A_125 = math.exp %min3A_124 : vector<50x512xf32>
    %mul3A_126 = arith.mulf %slice3A_111, %slice3A_111 : vector<50x512xf32>
    %mul3A_127 = arith.mulf %exp3A_125, %exp3A_125 : vector<50x512xf32>
    %add3A_128 = arith.addf %mul3A_126, %mul3A_127 : vector<50x512xf32>
    %sub3A_129 = arith.constant 1.000000e+00 : f32
    %sub3A_130 = vector.broadcast %sub3A_129 : f32 to vector<50x512xf32>
    %sub3A_131 = arith.subf %add3A_128, %sub3A_130 : vector<50x512xf32>
    %mul3A_132 = arith.constant 2.000000e+00 : f32
    %mul3A_133 = vector.broadcast %mul3A_132 : f32 to vector<50x512xf32>
    %mul3A_134 = arith.mulf %mul3A_133, %slice3A_112 : vector<50x512xf32>
    %sub3A_135 = arith.subf %sub3A_131, %mul3A_134 : vector<50x512xf32>
    %reduce_sum3A_136 = vector.shape_cast %sub3A_135 : vector<50x512xf32> to vector<1x50x512xf32>
    %reduce_sum3A_137 = arith.constant dense<0.000000e+00> : vector<1xf32>
    %reduce_sum3A_138 = vector.multi_reduction <add>, %reduce_sum3A_136, %reduce_sum3A_137 [1, 2] : vector<1x50x512xf32> to vector<1xf32>
    %reduce_sum3A_139 = vector.shape_cast %reduce_sum3A_138 : vector<1xf32> to vector<1x1x1xf32>
    %reduce_sum3A_140 = vector.extract %reduce_sum3A_139[0, 0, 0] : f32 from vector<1x1x1xf32>
    %add3A_141 = arith.addf %add3A_110, %reduce_sum3A_140 : f32
    %slice3A_142 = vector.extract_strided_slice %add3A_54 {offsets = [192, 0], sizes = [50, 512], strides = [1, 1]} : vector<512x1024xf32> to vector<50x512xf32>
    %slice3A_143 = vector.extract_strided_slice %add3A_54 {offsets = [192, 512], sizes = [50, 512], strides = [1, 1]} : vector<512x1024xf32> to vector<50x512xf32>
    %swap3A_144 = arith.constant 3 : index
    %swap3A_145 = arith.constant 0 : index
    %swap3A_146 = arith.constant 0 : index
    %swap3A_147 = vector.load %arg8[%swap3A_144, %swap3A_145, %swap3A_146] : memref<8x50x512xf32, #tpu.memory_space<vmem>>, vector<1x50x512xf32>
    %swap3A_148 = vector.shape_cast %swap3A_147 : vector<1x50x512xf32> to vector<50x512xf32>
    %swap3A_149 = vector.shape_cast %slice3A_142 : vector<50x512xf32> to vector<1x50x512xf32>
    tpu.vector_store %arg8[%swap3A_144, %swap3A_145, %swap3A_146], %swap3A_149 {strides = array<i32>} : memref<8x50x512xf32, #tpu.memory_space<vmem>>, vector<1x50x512xf32>,
    %jit3A_150 = arith.constant -1.000000e+01 : f32
    %jit3A_151 = arith.constant 1.000000e+01 : f32
    %max3A_152 = vector.broadcast %jit3A_150 : f32 to vector<50x512xf32>
    %max3A_153 = arith.maximumf %max3A_152, %slice3A_143 : vector<50x512xf32>
    %min3A_154 = vector.broadcast %jit3A_151 : f32 to vector<50x512xf32>
    %min3A_155 = arith.minimumf %min3A_154, %max3A_153 : vector<50x512xf32>
    %exp3A_156 = math.exp %min3A_155 : vector<50x512xf32>
    %mul3A_157 = arith.mulf %slice3A_142, %slice3A_142 : vector<50x512xf32>
    %mul3A_158 = arith.mulf %exp3A_156, %exp3A_156 : vector<50x512xf32>
    %add3A_159 = arith.addf %mul3A_157, %mul3A_158 : vector<50x512xf32>
    %sub3A_160 = arith.constant 1.000000e+00 : f32
    %sub3A_161 = vector.broadcast %sub3A_160 : f32 to vector<50x512xf32>
    %sub3A_162 = arith.subf %add3A_159, %sub3A_161 : vector<50x512xf32>
    %mul3A_163 = arith.constant 2.000000e+00 : f32
    %mul3A_164 = vector.broadcast %mul3A_163 : f32 to vector<50x512xf32>
    %mul3A_165 = arith.mulf %mul3A_164, %slice3A_143 : vector<50x512xf32>
    %sub3A_166 = arith.subf %sub3A_162, %mul3A_165 : vector<50x512xf32>
    %reduce_sum3A_167 = vector.shape_cast %sub3A_166 : vector<50x512xf32> to vector<1x50x512xf32>
    %reduce_sum3A_168 = arith.constant dense<0.000000e+00> : vector<1xf32>
    %reduce_sum3A_169 = vector.multi_reduction <add>, %reduce_sum3A_167, %reduce_sum3A_168 [1, 2] : vector<1x50x512xf32> to vector<1xf32>
    %reduce_sum3A_170 = vector.shape_cast %reduce_sum3A_169 : vector<1xf32> to vector<1x1x1xf32>
    %reduce_sum3A_171 = vector.extract %reduce_sum3A_170[0, 0, 0] : f32 from vector<1x1x1xf32>
    %add3A_172 = arith.addf %add3A_141, %reduce_sum3A_171 : f32
    %slice3A_173 = vector.extract_strided_slice %add3A_54 {offsets = [256, 0], sizes = [50, 512], strides = [1, 1]} : vector<512x1024xf32> to vector<50x512xf32>
    %slice3A_174 = vector.extract_strided_slice %add3A_54 {offsets = [256, 512], sizes = [50, 512], strides = [1, 1]} : vector<512x1024xf32> to vector<50x512xf32>
    %swap3A_175 = arith.constant 4 : index
    %swap3A_176 = arith.constant 0 : index
    %swap3A_177 = arith.constant 0 : index
    %swap3A_178 = vector.load %arg8[%swap3A_175, %swap3A_176, %swap3A_177] : memref<8x50x512xf32, #tpu.memory_space<vmem>>, vector<1x50x512xf32>
    %swap3A_179 = vector.shape_cast %swap3A_178 : vector<1x50x512xf32> to vector<50x512xf32>
    %swap3A_180 = vector.shape_cast %slice3A_173 : vector<50x512xf32> to vector<1x50x512xf32>
    tpu.vector_store %arg8[%swap3A_175, %swap3A_176, %swap3A_177], %swap3A_180 {strides = array<i32>} : memref<8x50x512xf32, #tpu.memory_space<vmem>>, vector<1x50x512xf32>,
    %jit3A_181 = arith.constant -1.000000e+01 : f32
    %jit3A_182 = arith.constant 1.000000e+01 : f32
    %max3A_183 = vector.broadcast %jit3A_181 : f32 to vector<50x512xf32>
    %max3A_184 = arith.maximumf %max3A_183, %slice3A_174 : vector<50x512xf32>
    %min3A_185 = vector.broadcast %jit3A_182 : f32 to vector<50x512xf32>
    %min3A_186 = arith.minimumf %min3A_185, %max3A_184 : vector<50x512xf32>
    %exp3A_187 = math.exp %min3A_186 : vector<50x512xf32>
    %mul3A_188 = arith.mulf %slice3A_173, %slice3A_173 : vector<50x512xf32>
    %mul3A_189 = arith.mulf %exp3A_187, %exp3A_187 : vector<50x512xf32>
    %add3A_190 = arith.addf %mul3A_188, %mul3A_189 : vector<50x512xf32>
    %sub3A_191 = arith.constant 1.000000e+00 : f32
    %sub3A_192 = vector.broadcast %sub3A_191 : f32 to vector<50x512xf32>
    %sub3A_193 = arith.subf %add3A_190, %sub3A_192 : vector<50x512xf32>
    %mul3A_194 = arith.constant 2.000000e+00 : f32
    %mul3A_195 = vector.broadcast %mul3A_194 : f32 to vector<50x512xf32>
    %mul3A_196 = arith.mulf %mul3A_195, %slice3A_174 : vector<50x512xf32>
    %sub3A_197 = arith.subf %sub3A_193, %mul3A_196 : vector<50x512xf32>
    %reduce_sum3A_198 = vector.shape_cast %sub3A_197 : vector<50x512xf32> to vector<1x50x512xf32>
    %reduce_sum3A_199 = arith.constant dense<0.000000e+00> : vector<1xf32>
    %reduce_sum3A_200 = vector.multi_reduction <add>, %reduce_sum3A_198, %reduce_sum3A_199 [1, 2] : vector<1x50x512xf32> to vector<1xf32>
    %reduce_sum3A_201 = vector.shape_cast %reduce_sum3A_200 : vector<1xf32> to vector<1x1x1xf32>
    %reduce_sum3A_202 = vector.extract %reduce_sum3A_201[0, 0, 0] : f32 from vector<1x1x1xf32>
    %add3A_203 = arith.addf %add3A_172, %reduce_sum3A_202 : f32
    %slice3A_204 = vector.extract_strided_slice %add3A_54 {offsets = [320, 0], sizes = [50, 512], strides = [1, 1]} : vector<512x1024xf32> to vector<50x512xf32>
    %slice3A_205 = vector.extract_strided_slice %add3A_54 {offsets = [320, 512], sizes = [50, 512], strides = [1, 1]} : vector<512x1024xf32> to vector<50x512xf32>
    %swap3A_206 = arith.constant 5 : index
    %swap3A_207 = arith.constant 0 : index
    %swap3A_208 = arith.constant 0 : index
    %swap3A_209 = vector.load %arg8[%swap3A_206, %swap3A_207, %swap3A_208] : memref<8x50x512xf32, #tpu.memory_space<vmem>>, vector<1x50x512xf32>
    %swap3A_210 = vector.shape_cast %swap3A_209 : vector<1x50x512xf32> to vector<50x512xf32>
    %swap3A_211 = vector.shape_cast %slice3A_204 : vector<50x512xf32> to vector<1x50x512xf32>
    tpu.vector_store %arg8[%swap3A_206, %swap3A_207, %swap3A_208], %swap3A_211 {strides = array<i32>} : memref<8x50x512xf32, #tpu.memory_space<vmem>>, vector<1x50x512xf32>,
    %jit3A_212 = arith.constant -1.000000e+01 : f32
    %jit3A_213 = arith.constant 1.000000e+01 : f32
    %max3A_214 = vector.broadcast %jit3A_212 : f32 to vector<50x512xf32>
    %max3A_215 = arith.maximumf %max3A_214, %slice3A_205 : vector<50x512xf32>
    %min3A_216 = vector.broadcast %jit3A_213 : f32 to vector<50x512xf32>
    %min3A_217 = arith.minimumf %min3A_216, %max3A_215 : vector<50x512xf32>
    %exp3A_218 = math.exp %min3A_217 : vector<50x512xf32>
    %mul3A_219 = arith.mulf %slice3A_204, %slice3A_204 : vector<50x512xf32>
    %mul3A_220 = arith.mulf %exp3A_218, %exp3A_218 : vector<50x512xf32>
    %add3A_221 = arith.addf %mul3A_219, %mul3A_220 : vector<50x512xf32>
    %sub3A_222 = arith.constant 1.000000e+00 : f32
    %sub3A_223 = vector.broadcast %sub3A_222 : f32 to vector<50x512xf32>
    %sub3A_224 = arith.subf %add3A_221, %sub3A_223 : vector<50x512xf32>
    %mul3A_225 = arith.constant 2.000000e+00 : f32
    %mul3A_226 = vector.broadcast %mul3A_225 : f32 to vector<50x512xf32>
    %mul3A_227 = arith.mulf %mul3A_226, %slice3A_205 : vector<50x512xf32>
    %sub3A_228 = arith.subf %sub3A_224, %mul3A_227 : vector<50x512xf32>
    %reduce_sum3A_229 = vector.shape_cast %sub3A_228 : vector<50x512xf32> to vector<1x50x512xf32>
    %reduce_sum3A_230 = arith.constant dense<0.000000e+00> : vector<1xf32>
    %reduce_sum3A_231 = vector.multi_reduction <add>, %reduce_sum3A_229, %reduce_sum3A_230 [1, 2] : vector<1x50x512xf32> to vector<1xf32>
    %reduce_sum3A_232 = vector.shape_cast %reduce_sum3A_231 : vector<1xf32> to vector<1x1x1xf32>
    %reduce_sum3A_233 = vector.extract %reduce_sum3A_232[0, 0, 0] : f32 from vector<1x1x1xf32>
    %add3A_234 = arith.addf %add3A_203, %reduce_sum3A_233 : f32
    %slice3A_235 = vector.extract_strided_slice %add3A_54 {offsets = [384, 0], sizes = [50, 512], strides = [1, 1]} : vector<512x1024xf32> to vector<50x512xf32>
    %slice3A_236 = vector.extract_strided_slice %add3A_54 {offsets = [384, 512], sizes = [50, 512], strides = [1, 1]} : vector<512x1024xf32> to vector<50x512xf32>
    %swap3A_237 = arith.constant 6 : index
    %swap3A_238 = arith.constant 0 : index
    %swap3A_239 = arith.constant 0 : index
    %swap3A_240 = vector.load %arg8[%swap3A_237, %swap3A_238, %swap3A_239] : memref<8x50x512xf32, #tpu.memory_space<vmem>>, vector<1x50x512xf32>
    %swap3A_241 = vector.shape_cast %swap3A_240 : vector<1x50x512xf32> to vector<50x512xf32>
    %swap3A_242 = vector.shape_cast %slice3A_235 : vector<50x512xf32> to vector<1x50x512xf32>
    tpu.vector_store %arg8[%swap3A_237, %swap3A_238, %swap3A_239], %swap3A_242 {strides = array<i32>} : memref<8x50x512xf32, #tpu.memory_space<vmem>>, vector<1x50x512xf32>,
    %jit3A_243 = arith.constant -1.000000e+01 : f32
    %jit3A_244 = arith.constant 1.000000e+01 : f32
    %max3A_245 = vector.broadcast %jit3A_243 : f32 to vector<50x512xf32>
    %max3A_246 = arith.maximumf %max3A_245, %slice3A_236 : vector<50x512xf32>
    %min3A_247 = vector.broadcast %jit3A_244 : f32 to vector<50x512xf32>
    %min3A_248 = arith.minimumf %min3A_247, %max3A_246 : vector<50x512xf32>
    %exp3A_249 = math.exp %min3A_248 : vector<50x512xf32>
    %mul3A_250 = arith.mulf %slice3A_235, %slice3A_235 : vector<50x512xf32>
    %mul3A_251 = arith.mulf %exp3A_249, %exp3A_249 : vector<50x512xf32>
    %add3A_252 = arith.addf %mul3A_250, %mul3A_251 : vector<50x512xf32>
    %sub3A_253 = arith.constant 1.000000e+00 : f32
    %sub3A_254 = vector.broadcast %sub3A_253 : f32 to vector<50x512xf32>
    %sub3A_255 = arith.subf %add3A_252, %sub3A_254 : vector<50x512xf32>
    %mul3A_256 = arith.constant 2.000000e+00 : f32
    %mul3A_257 = vector.broadcast %mul3A_256 : f32 to vector<50x512xf32>
    %mul3A_258 = arith.mulf %mul3A_257, %slice3A_236 : vector<50x512xf32>
    %sub3A_259 = arith.subf %sub3A_255, %mul3A_258 : vector<50x512xf32>
    %reduce_sum3A_260 = vector.shape_cast %sub3A_259 : vector<50x512xf32> to vector<1x50x512xf32>
    %reduce_sum3A_261 = arith.constant dense<0.000000e+00> : vector<1xf32>
    %reduce_sum3A_262 = vector.multi_reduction <add>, %reduce_sum3A_260, %reduce_sum3A_261 [1, 2] : vector<1x50x512xf32> to vector<1xf32>
    %reduce_sum3A_263 = vector.shape_cast %reduce_sum3A_262 : vector<1xf32> to vector<1x1x1xf32>
    %reduce_sum3A_264 = vector.extract %reduce_sum3A_263[0, 0, 0] : f32 from vector<1x1x1xf32>
    %add3A_265 = arith.addf %add3A_234, %reduce_sum3A_264 : f32
    %slice3A_266 = vector.extract_strided_slice %add3A_54 {offsets = [448, 0], sizes = [50, 512], strides = [1, 1]} : vector<512x1024xf32> to vector<50x512xf32>
    %slice3A_267 = vector.extract_strided_slice %add3A_54 {offsets = [448, 512], sizes = [50, 512], strides = [1, 1]} : vector<512x1024xf32> to vector<50x512xf32>
    %swap3A_268 = arith.constant 7 : index
    %swap3A_269 = arith.constant 0 : index
    %swap3A_270 = arith.constant 0 : index
    %swap3A_271 = vector.load %arg8[%swap3A_268, %swap3A_269, %swap3A_270] : memref<8x50x512xf32, #tpu.memory_space<vmem>>, vector<1x50x512xf32>
    %swap3A_272 = vector.shape_cast %swap3A_271 : vector<1x50x512xf32> to vector<50x512xf32>
    %swap3A_273 = vector.shape_cast %slice3A_266 : vector<50x512xf32> to vector<1x50x512xf32>
    tpu.vector_store %arg8[%swap3A_268, %swap3A_269, %swap3A_270], %swap3A_273 {strides = array<i32>} : memref<8x50x512xf32, #tpu.memory_space<vmem>>, vector<1x50x512xf32>,
    %jit3A_274 = arith.constant -1.000000e+01 : f32
    %jit3A_275 = arith.constant 1.000000e+01 : f32
    %max3A_276 = vector.broadcast %jit3A_274 : f32 to vector<50x512xf32>
    %max3A_277 = arith.maximumf %max3A_276, %slice3A_267 : vector<50x512xf32>
    %min3A_278 = vector.broadcast %jit3A_275 : f32 to vector<50x512xf32>
    %min3A_279 = arith.minimumf %min3A_278, %max3A_277 : vector<50x512xf32>
    %exp3A_280 = math.exp %min3A_279 : vector<50x512xf32>
    %mul3A_281 = arith.mulf %slice3A_266, %slice3A_266 : vector<50x512xf32>
    %mul3A_282 = arith.mulf %exp3A_280, %exp3A_280 : vector<50x512xf32>
    %add3A_283 = arith.addf %mul3A_281, %mul3A_282 : vector<50x512xf32>
    %sub3A_284 = arith.constant 1.000000e+00 : f32
    %sub3A_285 = vector.broadcast %sub3A_284 : f32 to vector<50x512xf32>
    %sub3A_286 = arith.subf %add3A_283, %sub3A_285 : vector<50x512xf32>
    %mul3A_287 = arith.constant 2.000000e+00 : f32
    %mul3A_288 = vector.broadcast %mul3A_287 : f32 to vector<50x512xf32>
    %mul3A_289 = arith.mulf %mul3A_288, %slice3A_267 : vector<50x512xf32>
    %sub3A_290 = arith.subf %sub3A_286, %mul3A_289 : vector<50x512xf32>
    %reduce_sum3A_291 = vector.shape_cast %sub3A_290 : vector<50x512xf32> to vector<1x50x512xf32>
    %reduce_sum3A_292 = arith.constant dense<0.000000e+00> : vector<1xf32>
    %reduce_sum3A_293 = vector.multi_reduction <add>, %reduce_sum3A_291, %reduce_sum3A_292 [1, 2] : vector<1x50x512xf32> to vector<1xf32>
    %reduce_sum3A_294 = vector.shape_cast %reduce_sum3A_293 : vector<1xf32> to vector<1x1x1xf32>
    %reduce_sum3A_295 = vector.extract %reduce_sum3A_294[0, 0, 0] : f32 from vector<1x1x1xf32>
    %add3A_296 = arith.addf %add3A_265, %reduce_sum3A_295 : f32
    %broadcast_in_dim3A_297 = vector.broadcast %add3A_296 : f32 to vector<1x1x128xf32>
    %swap3A_298 = arith.constant 0 : index
    %swap3A_299 = arith.constant 0 : index
    %swap3A_300 = arith.constant 0 : index
    %swap3A_301 = vector.load %arg9[%swap3A_298, %swap3A_299, %swap3A_300] : memref<1x1x128xf32, #tpu.memory_space<vmem>>, vector<1x1x128xf32>
    tpu.vector_store %arg9[%swap3A_298, %swap3A_299, %swap3A_300], %broadcast_in_dim3A_297 {strides = array<i32>} : memref<1x1x128xf32, #tpu.memory_space<vmem>>, vector<1x1x128xf32>,
    return
  }
  func.func @transform_0(%arg0: i32) -> (i32, i32) {
    %c0_i32 = arith.constant 0 : i32
    %c0_i32_0 = arith.constant 0 : i32
    return %arg0, %c0_i32 : i32, i32
  }
  func.func @transform_1(%arg0: i32) -> (i32, i32, i32) {
    %c0_i32 = arith.constant 0 : i32
    %c0_i32_0 = arith.constant 0 : i32
    %c0_i32_1 = arith.constant 0 : i32
    return %arg0, %c0_i32, %c0_i32_0 : i32, i32, i32
  }
  func.func @transform_2(%arg0: i32) -> (i32, i32) {
    %c0_i32 = arith.constant 0 : i32
    %c0_i32_0 = arith.constant 0 : i32
    %c0_i32_1 = arith.constant 0 : i32
    return %c0_i32, %c0_i32_0 : i32, i32
  }
  func.func @transform_3(%arg0: i32) -> (i32, i32) {
    %c0_i32 = arith.constant 0 : i32
    %c0_i32_0 = arith.constant 0 : i32
    %c0_i32_1 = arith.constant 0 : i32
    return %c0_i32, %c0_i32_0 : i32, i32
  }
  func.func @transform_4(%arg0: i32) -> (i32, i32) {
    %c0_i32 = arith.constant 0 : i32
    %c0_i32_0 = arith.constant 0 : i32
    %c0_i32_1 = arith.constant 0 : i32
    return %c0_i32, %c0_i32_0 : i32, i32
  }
  func.func @transform_5(%arg0: i32) -> (i32, i32) {
    %c0_i32 = arith.constant 0 : i32
    %c0_i32_0 = arith.constant 0 : i32
    %c0_i32_1 = arith.constant 0 : i32
    return %c0_i32, %c0_i32_0 : i32, i32
  }
  func.func @transform_6(%arg0: i32) -> (i32, i32) {
    %c0_i32 = arith.constant 0 : i32
    %c0_i32_0 = arith.constant 0 : i32
    %c0_i32_1 = arith.constant 0 : i32
    return %c0_i32, %c0_i32_0 : i32, i32
  }
  func.func @transform_7(%arg0: i32) -> (i32, i32, i32) {
    %c0_i32 = arith.constant 0 : i32
    %c0_i32_0 = arith.constant 0 : i32
    %c0_i32_1 = arith.constant 0 : i32
    return %arg0, %c0_i32, %c0_i32_0 : i32, i32, i32
  }
  func.func @transform_8(%arg0: i32) -> (i32, i32, i32) {
    %c0_i32 = arith.constant 0 : i32
    %c0_i32_0 = arith.constant 0 : i32
    %c0_i32_1 = arith.constant 0 : i32
    return %arg0, %c0_i32, %c0_i32_0 : i32, i32, i32
  }
}

module attributes {stable_mosaic.version = 14 : i64} {
  func.func @_onehot_body(%arg0: i32, %arg1: memref<50x8x1xi32, #tpu.memory_space<vmem>>, %arg2: memref<50x8x2048xf32, #tpu.memory_space<vmem>>, %arg3: memref<50x8x2048xf32, #tpu.memory_space<vmem>>) attributes {dimension_semantics = [#tpu.dimension_semantics<arbitrary>], iteration_bounds = array<i64: 8>, scalar_prefetch = 0 : i64, scratch_operands = 0 : i64, tpu.core_type = #tpu.core_type<tc>, window_params = [{transform_indices = @transform_0, window_bounds = array<i64: 50, 8, 1>}, {transform_indices = @transform_1, window_bounds = array<i64: 50, 8, 2048>}, {transform_indices = @transform_2, window_bounds = array<i64: 50, 8, 2048>}]} {
    %get3A = arith.constant 0 : index
    %get3A_0 = arith.constant 0 : index
    %get3A_1 = arith.constant 0 : index
    %get3A_2 = vector.load %arg1[%get3A, %get3A_0, %get3A_1] : memref<50x8x1xi32, #tpu.memory_space<vmem>>, vector<50x8x1xi32>
    %iota3A = tpu.iota {dimensions = array<i32: 2>} : vector<50x8x2048xi32>
    %eq3A = vector.broadcast %get3A_2 : vector<50x8x1xi32> to vector<50x8x2048xi32>
    %eq3A_3 = arith.cmpi eq, %eq3A, %iota3A : vector<50x8x2048xi32>
    %convert_element_type3A = arith.extui %eq3A_3 : vector<50x8x2048xi1> to vector<50x8x2048xi32>
    %convert_element_type3A_4 = arith.sitofp %convert_element_type3A : vector<50x8x2048xi32> to vector<50x8x2048xf32>
    %swap3A = arith.constant 0 : index
    %swap3A_5 = arith.constant 0 : index
    %swap3A_6 = arith.constant 0 : index
    %swap3A_7 = vector.load %arg2[%swap3A, %swap3A_5, %swap3A_6] : memref<50x8x2048xf32, #tpu.memory_space<vmem>>, vector<50x8x2048xf32>
    tpu.vector_store %arg2[%swap3A, %swap3A_5, %swap3A_6], %convert_element_type3A_4 {strides = array<i32>} : memref<50x8x2048xf32, #tpu.memory_space<vmem>>, vector<50x8x2048xf32>,
    %swap3A_8 = arith.constant 0 : index
    %swap3A_9 = arith.constant 0 : index
    %swap3A_10 = arith.constant 0 : index
    %swap3A_11 = vector.load %arg3[%swap3A_8, %swap3A_9, %swap3A_10] : memref<50x8x2048xf32, #tpu.memory_space<vmem>>, vector<50x8x2048xf32>
    tpu.vector_store %arg3[%swap3A_8, %swap3A_9, %swap3A_10], %convert_element_type3A_4 {strides = array<i32>} : memref<50x8x2048xf32, #tpu.memory_space<vmem>>, vector<50x8x2048xf32>,
    return
  }
  func.func @transform_0(%arg0: i32) -> (i32, i32, i32) {
    %c0_i32 = arith.constant 0 : i32
    %c0_i32_0 = arith.constant 0 : i32
    %c0_i32_1 = arith.constant 0 : i32
    return %c0_i32, %arg0, %c0_i32_0 : i32, i32, i32
  }
  func.func @transform_1(%arg0: i32) -> (i32, i32, i32) {
    %c0_i32 = arith.constant 0 : i32
    %c0_i32_0 = arith.constant 0 : i32
    %c0_i32_1 = arith.constant 0 : i32
    return %c0_i32, %arg0, %c0_i32_0 : i32, i32, i32
  }
  func.func @transform_2(%arg0: i32) -> (i32, i32, i32) {
    %c0_i32 = arith.constant 0 : i32
    %c0_i32_0 = arith.constant 0 : i32
    %c0_i32_1 = arith.constant 0 : i32
    return %c0_i32, %arg0, %c0_i32_0 : i32, i32, i32
  }
}

</mosaic_0001>

<sc_bundles>
// kernel: kernel.6.cloned.1.call-start
scs
__scs_entry_jumppad:
0x0: {  	(pc) =	sbr.rel $0x88, $3  }
0x1: {  	(tag) =	ssettag $0x0;
	lr =	simm.s32 $0x1  }
0x2: {  	[smem:$0x3F96] =	sst lr;
	_ =	strace $0xD0000000  }
0x3: {  	_ = 	snop  }
0x4: {  	_ = 	snop  }
0x5: {  	_ = 	snop  }
0x6: {  	_ = 	snop  }
0x7: {  	_ = 	snop  }
__scs_overlays_trampoline_lowered:
0x8: {  	[smem:$0x3FA5] =	sst s0  }
0x9: {  	[smem:$0x3FA6] =	sst s1  }
0xa: {  	[smem:$0x3FA7] =	sst s2  }
0xb: {  	[smem:$0x3FA8] =	sst s3  }
0xc: {  	[smem:$0x3FA9] =	sst s4  }
0xd: {  	[smem:$0x3FAA] =	sst s5  }
0xe: {  	[smem:$0x3FAB] =	sst s6  }
0xf: {  	[smem:$0x3FAC] =	sst s7  }
0x10: {  	[smem:$0x3FAD] =	sst s8  }
0x11: {  	[smem:$0x3FAE] =	sst s9;
	s0 =	simm.s32 @!p0 $0x0  }
0x12: {  	s1 =	sld [smem:$0x3F94];
	s0 =	simm.s32 @p0 $0x1  }
0x13: {  	[smem:$0x3FAF] =	sst s0;
	s0 =	simm.s32 @!p1 $0x0  }
0x14: {  	s2 =	sld [smem:$0x3F93];
	s0 =	simm.s32 @p1 $0x1  }
0x15: {  	[smem:$0x3FB0] =	sst s0;
	s0 =	simm.s32 @!p2 $0x0  }
0x16: {  	s3 =	sld [smem:$0x3FDB];
	s0 =	simm.s32 @p2 $0x1  }
0x17: {  	s4 =	simm.s32 $0x1BF5;
	[smem:$0x3FB2] =	sst s0  }
0x18: {  	s0 =	sld [smem:$0x3F95];
	_ =	swait.ge [sflag:s4], $0x0  }
0x19: {  	s7 =	sld [smem:$0x3F96]  }
0x1a: {  	s8 =	sadd.s32 $0xFFFFE003, lr  }
0x1b: {  	s9 =	sadd.s32 $0xFFFFFEF7, lr;
	s5 =	simm.s32 $0xFFFFFFFF;
	p2 =	slt.u32 s8, $0xFFFFF086  }
0x1c: {  	p1 =	slt.u32 s9, $0xF7A;
	s5 =	simm.s32 @!p2 $0x0  }
0x1d: {  	s5 =	simm.s32 @p1 $0x1;
	p0 =	seq.s32 s7, s2  }
0x1e: {  	s7 =	smul.u32 @!p0 $0xF7A, s2;
	p2 =	seq.s32 @!p0 s5, $0x0  }
0x1f: {  	s9 =	smul.u32 $0xF7A, s1;
	s8 =	simm.s32 @!p0 $0x1BF5;
	p2 =	por !p2, p0  }
0x20: {  	[sflag:s8] =	ssyncset.s32 @!p0 $0xFFFFF086;
	s6 =	sadd.s32 @!p0 s3, s7;
	s7 =	simm.s32 @!p0 $0x108  }
0x21: {  	s3 =	sadd.s32 s3, s9;
	s6 =	sadd.s32 @!p0 $0x88, s6;
	s7 =	simm.s32 @p2 $0x1082  }
0x22: {  	[simem:s7], [sflag:s8] =	dma.local @!p0 [hbm:s6], $0xF7A  }
0x23: {  	s9 =	sor.u32 $0xD0000000, s2;
	s6 =	simm.s32 $0x108;
	_ =	swait.ge @!p0 [sflag:s8], $0x0  }
0x24: {  	s3 =	sadd.s32 $0x88, s3;
	s6 =	simm.s32 @!p1 $0x1082;
	[sflag:s4] =	ssyncset.s32 $0xFFFFF086  }
0x25: {  	[simem:s6], [sflag:s4] =	dma.local [hbm:s3], $0xF7A  }
0x26: {  	[smem:$0x3F96] =	sst s1;
	(tag) =	ssettag s2;
	_ =	strace s9  }
0x27: {  	s1 =	sld [smem:$0x3FA6]  }
0x28: {  	s2 =	sld [smem:$0x3FA7]  }
0x29: {  	s4 =	sld [smem:$0x3FA9]  }
0x2a: {  	p0 =	seq.s32 s5, $0x0;
	s5 =	sld [smem:$0x3FAA]  }
0x2b: {  	s6 =	sld [smem:$0x3FAB]  }
0x2c: {  	s7 =	sld [smem:$0x3FAC]  }
0x2d: {  	s3 =	simm.s32 $0x108;
	s8 =	sld [smem:$0x3FAD]  }
0x2e: {  	s3 =	simm.s32 @!p0 $0x1082;
	s9 =	sld [smem:$0x3FAE]  }
0x2f: {  	lr =	sadd.s32 s0, s3;
	s0 =	sld [smem:$0x3FA5]  }
0x30: {  	s3 =	sld [smem:$0x3FA8]  }
0x31: {  	[smem:$0x3FB1] =	sst s10  }
0x32: {  	s10 =	sld [smem:$0x3FAF];
	_ =	sdelay $0x3  }
0x33: {  	p0 =	seq.s32 s10, $0x1;
	s10 =	sld [smem:$0x3FB1];
	_ =	sdelay $0x3  }
0x34: {  	[smem:$0x3FB1] =	sst s10  }
0x35: {  	s10 =	sld [smem:$0x3FB0];
	_ =	sdelay $0x3  }
0x36: {  	p1 =	seq.s32 s10, $0x1;
	s10 =	sld [smem:$0x3FB1];
	_ =	sdelay $0x3  }
0x37: {  	[smem:$0x3FB1] =	sst s10  }
0x38: {  	s10 =	sld [smem:$0x3FB2]  }
0x39: {  	_ = 	snop;
	(pc) =	sbr.ind lr, $3  }
0x3a: {  	_ = 	snop  }
0x3b: {  	_ = 	snop  }
0x3c: {  	p2 =	seq.s32 s10, $0x1;
	s10 =	sld [smem:$0x3FB1]  }
0x3d: {  	_ =	shalt  }
0x3e: {  	_ =	shalt  }
0x3f: {  	_ =	shalt  }
0x40: {  	_ =	shalt  }
0x41: {  	_ =	shalt  }
0x42: {  	_ =	shalt  }
0x43: {  	_ =	shalt  }
0x44: {  	_ =	shalt  }
0x45: {  	_ =	shalt  }
0x46: {  	_ =	shalt  }
0x47: {  	_ =	shalt  }
0x48: {  	_ =	shalt  }
0x49: {  	_ =	shalt  }
0x4a: {  	_ =	shalt  }
0x4b: {  	_ =	shalt  }
0x4c: {  	_ =	shalt  }
0x4d: {  	_ =	shalt  }
0x4e: {  	_ =	shalt  }
0x4f: {  	_ =	shalt  }
0x50: {  	_ =	shalt  }
0x51: {  	_ =	shalt  }
0x52: {  	_ =	shalt  }
0x53: {  	_ =	shalt  }
0x54: {  	_ =	shalt  }
0x55: {  	_ =	shalt  }
0x56: {  	_ =	shalt  }
0x57: {  	_ =	shalt  }
0x58: {  	_ =	shalt  }
0x59: {  	_ =	shalt  }
0x5a: {  	_ =	shalt  }
0x5b: {  	_ =	shalt  }
0x5c: {  	_ =	shalt  }
0x5d: {  	_ =	shalt  }
0x5e: {  	_ =	shalt  }
0x5f: {  	_ =	shalt  }
0x60: {  	_ =	shalt  }
0x61: {  	_ =	shalt  }
0x62: {  	_ =	shalt  }
0x63: {  	_ =	shalt  }
0x64: {  	_ =	shalt  }
0x65: {  	_ =	shalt  }
0x66: {  	_ =	shalt  }
0x67: {  	_ =	shalt  }
0x68: {  	_ =	shalt  }
0x69: {  	_ =	shalt  }
0x6a: {  	_ =	shalt  }
0x6b: {  	_ =	shalt  }
0x6c: {  	_ =	shalt  }
0x6d: {  	_ =	shalt  }
0x6e: {  	_ =	shalt  }
0x6f: {  	_ =	shalt  }
0x70: {  	_ =	shalt  }
0x71: {  	_ =	shalt  }
0x72: {  	_ =	shalt  }
0x73: {  	_ =	shalt  }
0x74: {  	_ =	shalt  }
0x75: {  	_ =	shalt  }
0x76: {  	_ =	shalt  }
0x77: {  	_ =	shalt  }
0x78: {  	_ =	shalt  }
0x79: {  	_ =	shalt  }
0x7a: {  	_ =	shalt  }
0x7b: {  	_ =	shalt  }
0x7c: {  	_ =	shalt  }
0x7d: {  	_ =	shalt  }
0x7e: {  	_ =	shalt  }
0x7f: {  	_ =	shalt  }
0x80: {  	_ =	shalt  }
0x81: {  	_ =	shalt  }
0x82: {  	_ =	shalt  }
0x83: {  	_ =	shalt  }
0x84: {  	_ =	shalt  }
0x85: {  	_ =	shalt  }
0x86: {  	_ =	shalt  }
0x87: {  	_ =	shalt  }
.Lfunc_end0:
.L_simem_size_0:
called_computation_lowered:
.L_overlay_start_0:
0x88: {  	s2 =	sld [smem:$0x3FD9]  }
0x89: {  	s3 =	sld [smem:$0x3FFE];
	_ =	sdelay $0x1  }
0x8a: {  	s1 =	srdreg.scid  }
0x8b: {  	s0 =	sand.u32 $0x1, s1  }
0x8c: {  	s14 =	sshll.u32 s0, $0xA;
	s2 =	sadd.s32 s3, s2  }
0x8d: {  	s2 =	sadd.s32 s2, s14  }
0x8e: {  	[smem:$0x3FBD] =	sst s2  }
0x8f: {  	_ = 	snop  }
0x90: {  	s2 =	sld [smem:$0x3FD0];
	_ =	sdelay $0x1  }
0x91: {  	s15 =	sld [smem:$0x3FC8]  }
0x92: {  	s5 =	simm.s32 $0xA;
	s6 =	simm.s32 $0x10;
	s4 =	sld [smem:$0x3FC7]  }
0x93: {  	[smem:s6], [sflag:s5] =	dma.local [hbm:s2], $0x1  }
0x94: {  	_ =	swait.eq [sflag:s5], $0x1  }
0x95: {  	s16 =	sld [smem:$0x10];
	[sflag:s5] =	ssyncset.done $0x0  }
0x96: {  	s17 =	sld [smem:$0x11];
	[sflag:s5] =	ssyncadd.s32 $0xFFFFFFFF  }
0x97: {  	s18 =	sld [smem:$0x13];
	(tm) =	ssettm $0x1  }
0x98: {  	s7 =	sld [smem:$0x3FFB];
	_ =	sdelay $0x3  }
0x99: {  	_ =	strace s7  }
0x9a: {  	s7 =	sld [smem:$0x3FFC];
	_ =	sdelay $0x3  }
0x9b: {  	_ =	strace s7  }
0x9c: {  	s7 =	sld [smem:$0x3FFD];
	_ =	sdelay $0x3  }
0x9d: {  	_ =	strace s7  }
0x9e: {  	_ =	strace $0x8FFFFFFF  }
0x9f: {  	s19 =	sld [smem:$0x3FDB];
	_ =	sdelay $0x1  }
0xa0: {  	s8 =	simm.s32 $_scs_section_size  }
0xa1: {  	s9 =	simm.s32 $_size__tile_overlayer_lowered;
	s10 =	simm.s32 $_tile_overlayer_lowered  }
0xa2: {  	s22 =	simm.s32 $0x1BFF;
	s21 =	sshll.u32 s10, $0x1;
	s7 =	sadd.s32 s8, s19  }
0xa3: {  	s11 =	simm.s32 $0x0;
	s20 =	sshll.u32 s9, $0x1;
	s9 =	sadd.s32 s21, s7  }
0xa4: {  	[timem:s11], [sflag:s22] =	dma.local [hbm:s9], s20  }
0xa5: {  	_ =	swait.ge [sflag:s22], s20  }
0xa6: {  	s8 =	ssub.s32 $0x0, s20;
	[sflag:s22] =	ssyncset.done $0x0  }
0xa7: {  	[sflag:s22] =	ssyncadd.s32 s8;
	_ =	sdelay $0x1  }
0xa8: {  	s23 =	simm.s32 $0x1B8B  }
0xa9: {  	_ =	swait.ge [sflag:s23], $0x1  }
0xaa: {  	[sflag:s23] =	ssyncset.done $0x0  }
0xab: {  	s25 =	simm.s32 $0x1B8E;
	s24 =	sld [smem:$0x3FFE];
	[sflag:s23] =	ssyncadd.s32 $0xFFFFFFFF  }
0xac: {  	s26 =	simm.s32 $execute0_lowered;
	[smem:$0x3FD2] =	sst s25  }
0xad: {  	s9 =	sshll.u32 s26, $0x1;
	_ =	strace $0x80000046;
	[dreg:$0x1] =	wrdreg $0xFFFFFFFF  }
0xae: {  	s28 =	simm.s32 $_size_execute0_lowered;
	s7 =	sadd.s32 s7, s9;
	[dreg:$0x0] =	wrdreg $0x0  }
0xaf: {  	s9 =	sshll.u32 s28, $0x1;
	[dreg:$0x2] =	wrdreg s7  }
0xb0: {  	[dreg:$0x3] =	wrdreg s9  }
0xb1: {  	[dreg:$0x4] =	wrdreg $0xC0  }
0xb2: {  	_ =	task [dreg:s11], $0x5FFFF  }
0xb3: {  	[dreg:$0x1] =	wrdreg $0xFFFFFFFF  }
0xb4: {  	[dreg:$0x0] =	wrdreg $0x60  }
0xb5: {  	[dreg:$0x2] =	wrdreg s18  }
0xb6: {  	[dreg:$0x3] =	wrdreg s4  }
0xb7: {  	[dreg:$0x4] =	wrdreg s15  }
0xb8: {  	[dreg:$0x5] =	wrdreg s17  }
0xb9: {  	[dreg:$0x6] =	wrdreg s24  }
0xba: {  	[dreg:$0x7] =	wrdreg s16  }
0xbb: {  	[dreg:$0x8] =	wrdreg $0x9  }
0xbc: {  	_ =	task.clear_ibuf [dreg:s11], $0x9FFFF;
	_ =	strace $0x90000046  }
0xbd: {  	s29 =	simm.s32 $0x9;
	_ =	strace $0x80000048  }
0xbe: {  	_ =	swait.ge [sflag:s29], $0x1  }
0xbf: {  	[sflag:s29] =	ssyncadd.s32 $0xFFFFFFFF  }
0xc0: {  	_ =	strace $0x90000048  }
0xc1: {  	_ =	sfence  }
0xc2: {  	s30 =	sld [smem:$0x0];
	_ =	sdelay $0x2  }
0xc3: {  	s31 =	sshll.u32 s1, $0xD;
	s1 =	sshrl.u32 s1, $0x2  }
0xc4: {  	s3 =	sand.u32 $0x4000, s31;
	s1 =	sadd.s32 s1, s30  }
0xc5: {  	s0 =	sor.u32 s3, s0;
	s1 =	sshll.u32 s1, $0x11  }
0xc6: {  	s0 =	sor.u32 s1, s0  }
0xc7: {  	s0 =	sadd.s32 $0x8F2B, s0  }
0xc8: {  	[sflag:s0] =	ssyncadd.remote.s32 $0x1  }
0xc9: {  	_ =	sfence.sel $0xFFFF  }
0xca: {  	[dreg:$0x0] =	wrdreg $0xFFFFFFFF;
	(pc) =	sbr.abs _section_cstart, $3  }
0xcb: {  	[dreg:$0x1] =	wrdreg $0xFFFFFFFF  }
0xcc: {  	_ =	task.clear_ibuf [dreg:s11], $0x2FFFF;
	_ =	strace $0x9FFFFFFF  }
0xcd: {  	(tm) =	ssettm $0x7FFFFFFF  }
tec
execute0_lowered:
.L_overlay_start_1:
0x0: {  	(tag) =	ssettag $0x1  }
0x1: {  	s0 =	rddreg [dreg:$0x0]  }
0x2: {  	s2 =	rddreg [dreg:$0x1]  }
0x3: {  	s1 =	rddreg [dreg:$0x2]  }
0x4: {  	s4 =	rddreg [dreg:$0x3]  }
0x5: {  	s5 =	rddreg [dreg:$0x4]  }
0x6: {  	s3 =	srdreg.scid;
	s9 =	stileid.u32  }
0x7: {  	s6 =	rddreg [dreg:$0x5];
	s28 =	simm.s32 $0x2A80;
	s29 =	simm.s32 $0x3280  }
0x8: {  	s30 =	simm.s32 $0x3A80;
	s31 =	simm.s32 $0x4280;
	s7 =	sand.u32 $0x1, s3  }
0x9: {  	s16 =	sshll.u32 s9, $0x1;
	s3 =	simm.s32 $0x0;
	s9 =	sshrl.u32 s9, $0x1  }
0xa: {  	s14 =	sadd.s32 $0x1E00, s5;
	s5 =	sadd.s32 $0x1A00, s5;
	s8 =	sor.u32 s7, s16  }
0xb: {  	[smem:$0x7FF] =	sst s3;
	s11 =	sshll.u32 s9, $0xE;
	s7 =	ssub.s32 $0x2, s7  }
0xc: {  	s9 =	sshll.u32 s9, $0xA;
	s10 =	sshll.u32 s8, $0x8;
	_ =	strace $0x80000047  }
0xd: {  	s13 =	sshrl.u32 s7, $0x1;
	s18 =	sshllo.u32 s8, $0x1;
	s8 =	sshll.u32 s8, $0xC  }
0xe: {  	s10 =	sand.u32 $0x300, s10;
	s7 =	ssub.s32 s7, s13;
	s19 =	sshll.u32 s18, $0x7  }
0xf: {  	s15 =	sadd.s32 s6, s8;
	s12 =	sor.u32 s11, s10;
	s10 =	sor.u32 s9, s10  }
0x10: {  	[dreg:$0x9] =	wrdreg s15;
	s13 =	sand.u32 $0x380, s19;
	s12 =	sshrl.u32 s12, $0x3  }
0x11: {  	s16 =	smax.u32 s7, $0x1;
	s19 =	simm.s32 $0x2;
	s17 =	sadd.s32 s0, s12  }
0x12: {  	s10 =	sshrl.u32 s10, $0x3;
	s12 =	sadd.s32 s2, s12;
	[dreg:$0x7] =	wrdreg s17  }
0x13: {  	s11 =	sor.u32 s11, s13;
	s20 =	sadd.s32 s4, s10;
	[dreg:$0x8] =	wrdreg s12  }
0x14: {  	s9 =	sor.u32 s9, s13;
	s21 =	sadd.s32 s14, s10;
	[dreg:$0xa] =	wrdreg s20  }
0x15: {  	s11 =	sshrl.u32 s11, $0x3;
	s22 =	sadd.s32 s5, s10;
	[dreg:$0xb] =	wrdreg s21  }
0x16: {  	v2 =	vimm.s32 $0x0;
	v3 =	vimm.f32 $0.0e+00;
	v4 =	vimm.s32 $0x1;
	s23 =	sshrl.u32 s9, $0x3;
	s12 =	sshll.u32 s18, $0xB;
	[dreg:$0xc] =	wrdreg s22  }
0x17: {  	v5 =	vimm.s32 $0x2;
	v6 =	vimm.s32 $0x3;
	v7 =	vimm.s32 $0x4;
	s0 =	sadd.s32 s0, s11;
	s2 =	sadd.s32 s2, s11;
	s25 =	sadd.s32 s4, s23  }
0x18: {  	v8 =	vimm.s32 $0x5;
	v9 =	vimm.s32 $0x6;
	v10 =	vimm.s32 $0x7;
	s26 =	sadd.s32 s14, s23;
	s17 =	simm.s32 $0x80;
	[dreg:$0xd] =	wrdreg s0  }
0x19: {  	v11 =	vimm.s32 $0x8;
	v12 =	vimm.s32 $0x9;
	v13 =	vimm.s32 $0xA;
	s18 =	simm.s32 $0x400;
	s20 =	simm.s32 $0x800;
	[dreg:$0xe] =	wrdreg s2  }
0x1a: {  	v14 =	vimm.s32 $0xB;
	v15 =	vimm.s32 $0xC;
	v16 =	vimm.s32 $0xD;
	s21 =	simm.s32 $0x1000;
	s22 =	simm.s32 $0x1080;
	[dreg:$0x10] =	wrdreg s25  }
0x1b: {  	v17 =	vlaneseq.u32;
	v18 =	vimm.s32 $0xE;
	v19 =	vimm.s32 $0xF;
	s4 =	simm.s32 $0x1180;
	s24 =	sadd.s32 s6, s12;
	[dreg:$0x11] =	wrdreg s26  }
0x1c: {  	v21 =	vimm.f32 $-Inf;
	vm0 =	vmmov $0xffff;
	v20 =	vor.u32 $0x80000000, v17;
	s0 =	sadd.s32 s5, s23;
	s23 =	simm.s32 $0x1100;
	s26 =	simm.s32 $0x2280  }
0x1d: {  	v23 =	vshrl.u32 v17, $0x3;
	v22 =	vand.u32 $0x7, v17;
	v24 =	vor.u32 $0x8, v17;
	s2 =	simm.s32 $0x4A80;
	s5 =	simm.s32 $0x0;
	[dreg:$0xf] =	wrdreg s24  }
0x1e: {  	v23 =	vmul.u32 $0x8, v23;
	v0 =	vmov s8;
	v1 =	vmov s12;
	[dreg:$0x12] =	wrdreg s0;
	s24 =	simm.s32 $0x1280;
	s0 =	simm.s32 $0x1  }
.LBB2_1:
0x1f: {  	s6 =	rddreg [dreg:$0x7]  }
0x20: {  	[tilespmem:s3], [sflag:$0x2] =	stream.strided.gather [hbm4b:s6+s17], $0x800, s18, s17, $0x38;
	[tilespmem:$0x5280] =	vst v63  }
0x21: {  	_ =	swait.ge [sflag:s19], $0x800  }
0x22: {  	[sflag:s19] =	ssyncset.done $0x0  }
0x23: {  	s15 =	rddreg [dreg:$0x8];
	[sflag:s19] =	ssyncadd.s32 $0xFFFFF800  }
0x24: {  	[tilespmem:s20], [sflag:$0x2] =	stream.strided.gather [hbm4b:s15+s17], $0x800, s18, s17, $0x38;
	[tilespmem:$0x5280] =	vst v63  }
0x25: {  	_ =	swait.ge [sflag:s19], $0x800  }
0x26: {  	[sflag:s19] =	ssyncset.done $0x0  }
0x27: {  	[sflag:s19] =	ssyncadd.s32 $0xFFFFF800  }
0x28: {  	v25 =	vld [tilespmem:$0x0]  }
0x29: {  	v26 =	vld [tilespmem:$0x10]  }
0x2a: {  	v27 =	vld [tilespmem:$0x20]  }
0x2b: {  	v28 =	vld [tilespmem:$0x30]  }
0x2c: {  	v29 =	vld [tilespmem:$0x40]  }
0x2d: {  	v30 =	vld [tilespmem:$0x50]  }
0x2e: {  	v25 =	vmax.f32 v25, v26;
	v26 =	vld [tilespmem:$0x60]  }
0x2f: {  	v25 =	vmax.f32 v25, v27;
	v27 =	vld [tilespmem:$0x70]  }
0x30: {  	v25 =	vmax.f32 v25, v28  }
0x31: {  	v25 =	vmax.f32 v25, v29  }
0x32: {  	v25 =	vmax.f32 v25, v30  }
0x33: {  	v25 =	vmax.f32 v25, v26  }
0x34: {  	v25 =	vmax.f32 v25, v27  }
0x35: {  	(xrf0) =	vmax.scan.msk.f32 $0xffff, v25  }
0x36: {  	[tilespmem:$0x1080] =	vst v2  }
0x37: {  	[tilespmem:$0x1100] =	vst v3  }
0x38: {  	[tilespmem:$0x1090] =	vst v2  }
0x39: {  	[tilespmem:$0x1110] =	vst v3  }
0x3a: {  	[tilespmem:$0x10A0] =	vst v2  }
0x3b: {  	[tilespmem:$0x1120] =	vst v3;
	v25, _, _ =	vpop (xrf0)  }
0x3c: {  	[tilespmem:$0x10B0] =	vst v2;
	v25 =	vbroadcast v25, $0xF  }
0x3d: {  	[tilespmem:$0x1130] =	vst v3  }
0x3e: {  	[tilespmem:v2+s21+$0x0] =	vst.idx.msk $0x1, v25  }
0x3f: {  	v25 =	vld [tilespmem:$0x80]  }
0x40: {  	v26 =	vld [tilespmem:$0x90]  }
0x41: {  	v27 =	vld [tilespmem:$0xA0]  }
0x42: {  	v35 =	vld [tilespmem:$0xB0]  }
0x43: {  	v36 =	vld [tilespmem:$0xC0]  }
0x44: {  	v37 =	vld [tilespmem:$0xD0]  }
0x45: {  	v25 =	vmax.f32 v25, v26;
	v26 =	vld [tilespmem:$0xE0]  }
0x46: {  	v25 =	vmax.f32 v25, v27;
	v27 =	vld [tilespmem:$0xF0]  }
0x47: {  	v25 =	vmax.f32 v25, v35  }
0x48: {  	v25 =	vmax.f32 v25, v36  }
0x49: {  	v25 =	vmax.f32 v25, v37  }
0x4a: {  	v25 =	vmax.f32 v25, v26  }
0x4b: {  	v25 =	vmax.f32 v25, v27  }
0x4c: {  	(xrf0) =	vmax.scan.msk.f32 $0xffff, v25;
	_ =	sdelay $0x5  }
0x4d: {  	v25, _, _ =	vpop (xrf0)  }
0x4e: {  	v25 =	vbroadcast v25, $0xF;
	_ =	sdelay $0x1  }
0x4f: {  	[tilespmem:v4+s21+$0x0] =	vst.idx.msk $0x1, v25  }
0x50: {  	v25 =	vld [tilespmem:$0x100]  }
0x51: {  	v26 =	vld [tilespmem:$0x110]  }
0x52: {  	v27 =	vld [tilespmem:$0x120]  }
0x53: {  	v38 =	vld [tilespmem:$0x130]  }
0x54: {  	v39 =	vld [tilespmem:$0x140]  }
0x55: {  	v40 =	vld [tilespmem:$0x150]  }
0x56: {  	v25 =	vmax.f32 v25, v26;
	v26 =	vld [tilespmem:$0x160]  }
0x57: {  	v25 =	vmax.f32 v25, v27;
	v27 =	vld [tilespmem:$0x170]  }
0x58: {  	v25 =	vmax.f32 v25, v38  }
0x59: {  	v25 =	vmax.f32 v25, v39  }
0x5a: {  	v25 =	vmax.f32 v25, v40  }
0x5b: {  	v25 =	vmax.f32 v25, v26  }
0x5c: {  	v25 =	vmax.f32 v25, v27  }
0x5d: {  	(xrf0) =	vmax.scan.msk.f32 $0xffff, v25;
	_ =	sdelay $0x5  }
0x5e: {  	v25, _, _ =	vpop (xrf0)  }
0x5f: {  	v25 =	vbroadcast v25, $0xF;
	_ =	sdelay $0x1  }
0x60: {  	[tilespmem:v5+s21+$0x0] =	vst.idx.msk $0x1, v25  }
0x61: {  	v25 =	vld [tilespmem:$0x180]  }
0x62: {  	v26 =	vld [tilespmem:$0x190]  }
0x63: {  	v27 =	vld [tilespmem:$0x1A0]  }
0x64: {  	v41 =	vld [tilespmem:$0x1B0]  }
0x65: {  	v42 =	vld [tilespmem:$0x1C0]  }
0x66: {  	v43 =	vld [tilespmem:$0x1D0]  }
0x67: {  	v25 =	vmax.f32 v25, v26;
	v26 =	vld [tilespmem:$0x1E0]  }
0x68: {  	v25 =	vmax.f32 v25, v27;
	v27 =	vld [tilespmem:$0x1F0]  }
0x69: {  	v25 =	vmax.f32 v25, v41  }
0x6a: {  	v25 =	vmax.f32 v25, v42  }
0x6b: {  	v25 =	vmax.f32 v25, v43  }
0x6c: {  	v25 =	vmax.f32 v25, v26  }
0x6d: {  	v25 =	vmax.f32 v25, v27  }
0x6e: {  	(xrf0) =	vmax.scan.msk.f32 $0xffff, v25;
	_ =	sdelay $0x5  }
0x6f: {  	v25, _, _ =	vpop (xrf0)  }
0x70: {  	v25 =	vbroadcast v25, $0xF;
	_ =	sdelay $0x1  }
0x71: {  	[tilespmem:v6+s21+$0x0] =	vst.idx.msk $0x1, v25  }
0x72: {  	v25 =	vld [tilespmem:$0x200]  }
0x73: {  	v26 =	vld [tilespmem:$0x210]  }
0x74: {  	v27 =	vld [tilespmem:$0x220]  }
0x75: {  	v44 =	vld [tilespmem:$0x230]  }
0x76: {  	v45 =	vld [tilespmem:$0x240]  }
0x77: {  	v46 =	vld [tilespmem:$0x250]  }
0x78: {  	v25 =	vmax.f32 v25, v26;
	v26 =	vld [tilespmem:$0x260]  }
0x79: {  	v25 =	vmax.f32 v25, v27;
	v27 =	vld [tilespmem:$0x270]  }
0x7a: {  	v25 =	vmax.f32 v25, v44  }
0x7b: {  	v25 =	vmax.f32 v25, v45  }
0x7c: {  	v25 =	vmax.f32 v25, v46  }
0x7d: {  	v25 =	vmax.f32 v25, v26  }
0x7e: {  	v25 =	vmax.f32 v25, v27  }
0x7f: {  	(xrf0) =	vmax.scan.msk.f32 $0xffff, v25;
	_ =	sdelay $0x5  }
0x80: {  	v25, _, _ =	vpop (xrf0)  }
0x81: {  	v25 =	vbroadcast v25, $0xF;
	_ =	sdelay $0x1  }
0x82: {  	[tilespmem:v7+s21+$0x0] =	vst.idx.msk $0x1, v25  }
0x83: {  	v25 =	vld [tilespmem:$0x280]  }
0x84: {  	v26 =	vld [tilespmem:$0x290]  }
0x85: {  	v27 =	vld [tilespmem:$0x2A0]  }
0x86: {  	v47 =	vld [tilespmem:$0x2B0]  }
0x87: {  	v48 =	vld [tilespmem:$0x2C0]  }
0x88: {  	v49 =	vld [tilespmem:$0x2D0]  }
0x89: {  	v25 =	vmax.f32 v25, v26;
	v26 =	vld [tilespmem:$0x2E0]  }
0x8a: {  	v25 =	vmax.f32 v25, v27;
	v27 =	vld [tilespmem:$0x2F0]  }
0x8b: {  	v25 =	vmax.f32 v25, v47  }
0x8c: {  	v25 =	vmax.f32 v25, v48  }
0x8d: {  	v25 =	vmax.f32 v25, v49  }
0x8e: {  	v25 =	vmax.f32 v25, v26  }
0x8f: {  	v25 =	vmax.f32 v25, v27  }
0x90: {  	(xrf0) =	vmax.scan.msk.f32 $0xffff, v25;
	_ =	sdelay $0x5  }
0x91: {  	v25, _, _ =	vpop (xrf0)  }
0x92: {  	v25 =	vbroadcast v25, $0xF;
	_ =	sdelay $0x1  }
0x93: {  	[tilespmem:v8+s21+$0x0] =	vst.idx.msk $0x1, v25  }
0x94: {  	v25 =	vld [tilespmem:$0x300]  }
0x95: {  	v26 =	vld [tilespmem:$0x310]  }
0x96: {  	v27 =	vld [tilespmem:$0x320]  }
0x97: {  	v50 =	vld [tilespmem:$0x330]  }
0x98: {  	v51 =	vld [tilespmem:$0x340]  }
0x99: {  	v52 =	vld [tilespmem:$0x350]  }
0x9a: {  	v25 =	vmax.f32 v25, v26;
	v26 =	vld [tilespmem:$0x360]  }
0x9b: {  	v25 =	vmax.f32 v25, v27;
	v27 =	vld [tilespmem:$0x370]  }
0x9c: {  	v25 =	vmax.f32 v25, v50  }
0x9d: {  	v25 =	vmax.f32 v25, v51  }
0x9e: {  	v25 =	vmax.f32 v25, v52  }
0x9f: {  	v25 =	vmax.f32 v25, v26  }
0xa0: {  	v25 =	vmax.f32 v25, v27  }
0xa1: {  	(xrf0) =	vmax.scan.msk.f32 $0xffff, v25;
	_ =	sdelay $0x5  }
0xa2: {  	v25, _, _ =	vpop (xrf0)  }
0xa3: {  	v25 =	vbroadcast v25, $0xF;
	_ =	sdelay $0x1  }
0xa4: {  	[tilespmem:v9+s21+$0x0] =	vst.idx.msk $0x1, v25  }
0xa5: {  	v25 =	vld [tilespmem:$0x380]  }
0xa6: {  	v26 =	vld [tilespmem:$0x390]  }
0xa7: {  	v27 =	vld [tilespmem:$0x3A0]  }
0xa8: {  	v53 =	vld [tilespmem:$0x3B0]  }
0xa9: {  	v54 =	vld [tilespmem:$0x3C0]  }
0xaa: {  	v55 =	vld [tilespmem:$0x3D0]  }
0xab: {  	v25 =	vmax.f32 v25, v26;
	v26 =	vld [tilespmem:$0x3E0]  }
0xac: {  	v25 =	vmax.f32 v25, v27;
	v27 =	vld [tilespmem:$0x3F0]  }
0xad: {  	v25 =	vmax.f32 v25, v53  }
0xae: {  	v25 =	vmax.f32 v25, v54  }
0xaf: {  	v25 =	vmax.f32 v25, v55  }
0xb0: {  	v25 =	vmax.f32 v25, v26  }
0xb1: {  	v25 =	vmax.f32 v25, v27  }
0xb2: {  	(xrf0) =	vmax.scan.msk.f32 $0xffff, v25;
	_ =	sdelay $0x5  }
0xb3: {  	v25, _, _ =	vpop (xrf0)  }
0xb4: {  	v25 =	vbroadcast v25, $0xF;
	_ =	sdelay $0x1  }
0xb5: {  	[tilespmem:v10+s21+$0x0] =	vst.idx.msk $0x1, v25  }
0xb6: {  	v25 =	vld [tilespmem:$0x400]  }
0xb7: {  	v26 =	vld [tilespmem:$0x410]  }
0xb8: {  	v27 =	vld [tilespmem:$0x420]  }
0xb9: {  	v56 =	vld [tilespmem:$0x430]  }
0xba: {  	v57 =	vld [tilespmem:$0x440]  }
0xbb: {  	v58 =	vld [tilespmem:$0x450]  }
0xbc: {  	v25 =	vmax.f32 v25, v26;
	v26 =	vld [tilespmem:$0x460]  }
0xbd: {  	v25 =	vmax.f32 v25, v27;
	v27 =	vld [tilespmem:$0x470]  }
0xbe: {  	v25 =	vmax.f32 v25, v56  }
0xbf: {  	v25 =	vmax.f32 v25, v57  }
0xc0: {  	v25 =	vmax.f32 v25, v58  }
0xc1: {  	v25 =	vmax.f32 v25, v26  }
0xc2: {  	v25 =	vmax.f32 v25, v27  }
0xc3: {  	(xrf0) =	vmax.scan.msk.f32 $0xffff, v25;
	_ =	sdelay $0x5  }
0xc4: {  	v25, _, _ =	vpop (xrf0)  }
0xc5: {  	v25 =	vbroadcast v25, $0xF;
	_ =	sdelay $0x1  }
0xc6: {  	[tilespmem:v11+s21+$0x0] =	vst.idx.msk $0x1, v25  }
0xc7: {  	v25 =	vld [tilespmem:$0x480]  }
0xc8: {  	v26 =	vld [tilespmem:$0x490]  }
0xc9: {  	v27 =	vld [tilespmem:$0x4A0]  }
0xca: {  	v59 =	vld [tilespmem:$0x4B0]  }
0xcb: {  	v60 =	vld [tilespmem:$0x4C0]  }
0xcc: {  	v61 =	vld [tilespmem:$0x4D0]  }
0xcd: {  	v25 =	vmax.f32 v25, v26;
	v26 =	vld [tilespmem:$0x4E0]  }
0xce: {  	v25 =	vmax.f32 v25, v27;
	v27 =	vld [tilespmem:$0x4F0]  }
0xcf: {  	v25 =	vmax.f32 v25, v59  }
0xd0: {  	v25 =	vmax.f32 v25, v60  }
0xd1: {  	v25 =	vmax.f32 v25, v61  }
0xd2: {  	v25 =	vmax.f32 v25, v26  }
0xd3: {  	v25 =	vmax.f32 v25, v27  }
0xd4: {  	(xrf0) =	vmax.scan.msk.f32 $0xffff, v25;
	_ =	sdelay $0x5  }
0xd5: {  	v25, _, _ =	vpop (xrf0)  }
0xd6: {  	v25 =	vbroadcast v25, $0xF;
	_ =	sdelay $0x1  }
0xd7: {  	[tilespmem:v12+s21+$0x0] =	vst.idx.msk $0x1, v25  }
0xd8: {  	v25 =	vld [tilespmem:$0x500]  }
0xd9: {  	v26 =	vld [tilespmem:$0x510]  }
0xda: {  	v27 =	vld [tilespmem:$0x520]  }
0xdb: {  	v62 =	vld [tilespmem:$0x530]  }
0xdc: {  	v63 =	vld [tilespmem:$0x540]  }
0xdd: {  	v33 =	vld [tilespmem:$0x550]  }
0xde: {  	v25 =	vmax.f32 v25, v26;
	v26 =	vld [tilespmem:$0x560]  }
0xdf: {  	v25 =	vmax.f32 v25, v27;
	v27 =	vld [tilespmem:$0x570]  }
0xe0: {  	v25 =	vmax.f32 v25, v62  }
0xe1: {  	v25 =	vmax.f32 v25, v63  }
0xe2: {  	v25 =	vmax.f32 v25, v33  }
0xe3: {  	v25 =	vmax.f32 v25, v26  }
0xe4: {  	v25 =	vmax.f32 v25, v27  }
0xe5: {  	(xrf0) =	vmax.scan.msk.f32 $0xffff, v25;
	_ =	sdelay $0x5  }
0xe6: {  	v25, _, _ =	vpop (xrf0)  }
0xe7: {  	v25 =	vbroadcast v25, $0xF;
	_ =	sdelay $0x1  }
0xe8: {  	[tilespmem:v13+s21+$0x0] =	vst.idx.msk $0x1, v25  }
0xe9: {  	v25 =	vld [tilespmem:$0x580]  }
0xea: {  	v26 =	vld [tilespmem:$0x590]  }
0xeb: {  	v27 =	vld [tilespmem:$0x5A0]  }
0xec: {  	v34 =	vld [tilespmem:$0x5B0]  }
0xed: {  	v35 =	vld [tilespmem:$0x5C0]  }
0xee: {  	v36 =	vld [tilespmem:$0x5D0]  }
0xef: {  	v25 =	vmax.f32 v25, v26;
	v26 =	vld [tilespmem:$0x5E0]  }
0xf0: {  	v25 =	vmax.f32 v25, v27;
	v27 =	vld [tilespmem:$0x5F0]  }
0xf1: {  	v25 =	vmax.f32 v25, v34  }
0xf2: {  	v25 =	vmax.f32 v25, v35  }
0xf3: {  	v25 =	vmax.f32 v25, v36  }
0xf4: {  	v25 =	vmax.f32 v25, v26  }
0xf5: {  	v25 =	vmax.f32 v25, v27  }
0xf6: {  	(xrf0) =	vmax.scan.msk.f32 $0xffff, v25;
	_ =	sdelay $0x5  }
0xf7: {  	v25, _, _ =	vpop (xrf0)  }
0xf8: {  	v25 =	vbroadcast v25, $0xF;
	_ =	sdelay $0x1  }
0xf9: {  	[tilespmem:v14+s21+$0x0] =	vst.idx.msk $0x1, v25  }
0xfa: {  	v25 =	vld [tilespmem:$0x600]  }
0xfb: {  	v26 =	vld [tilespmem:$0x610]  }
0xfc: {  	v27 =	vld [tilespmem:$0x620]  }
0xfd: {  	v37 =	vld [tilespmem:$0x630]  }
0xfe: {  	v38 =	vld [tilespmem:$0x640]  }
0xff: {  	v39 =	vld [tilespmem:$0x650]  }
0x100: {  	v25 =	vmax.f32 v25, v26;
	v26 =	vld [tilespmem:$0x660]  }
0x101: {  	v25 =	vmax.f32 v25, v27;
	v27 =	vld [tilespmem:$0x670]  }
0x102: {  	v25 =	vmax.f32 v25, v37  }
0x103: {  	v25 =	vmax.f32 v25, v38  }
0x104: {  	v25 =	vmax.f32 v25, v39  }
0x105: {  	v25 =	vmax.f32 v25, v26  }
0x106: {  	v25 =	vmax.f32 v25, v27  }
0x107: {  	(xrf0) =	vmax.scan.msk.f32 $0xffff, v25;
	_ =	sdelay $0x5  }
0x108: {  	v25, _, _ =	vpop (xrf0)  }
0x109: {  	v25 =	vbroadcast v25, $0xF;
	_ =	sdelay $0x1  }
0x10a: {  	[tilespmem:v15+s21+$0x0] =	vst.idx.msk $0x1, v25  }
0x10b: {  	v25 =	vld [tilespmem:$0x680]  }
0x10c: {  	v26 =	vld [tilespmem:$0x690]  }
0x10d: {  	v27 =	vld [tilespmem:$0x6A0]  }
0x10e: {  	v40 =	vld [tilespmem:$0x6B0]  }
0x10f: {  	v41 =	vld [tilespmem:$0x6C0]  }
0x110: {  	v42 =	vld [tilespmem:$0x6D0]  }
0x111: {  	v25 =	vmax.f32 v25, v26;
	v26 =	vld [tilespmem:$0x6E0]  }
0x112: {  	v25 =	vmax.f32 v25, v27;
	v27 =	vld [tilespmem:$0x6F0]  }
0x113: {  	v25 =	vmax.f32 v25, v40  }
0x114: {  	v25 =	vmax.f32 v25, v41  }
0x115: {  	v25 =	vmax.f32 v25, v42  }
0x116: {  	v25 =	vmax.f32 v25, v26  }
0x117: {  	v25 =	vmax.f32 v25, v27  }
0x118: {  	(xrf0) =	vmax.scan.msk.f32 $0xffff, v25;
	_ =	sdelay $0x5  }
0x119: {  	v25, _, _ =	vpop (xrf0)  }
0x11a: {  	v25 =	vbroadcast v25, $0xF;
	_ =	sdelay $0x1  }
0x11b: {  	[tilespmem:v16+s21+$0x0] =	vst.idx.msk $0x1, v25  }
0x11c: {  	v25 =	vld [tilespmem:$0x700]  }
0x11d: {  	v26 =	vld [tilespmem:$0x710]  }
0x11e: {  	v27 =	vld [tilespmem:$0x720]  }
0x11f: {  	v43 =	vld [tilespmem:$0x730]  }
0x120: {  	v44 =	vld [tilespmem:$0x740]  }
0x121: {  	v45 =	vld [tilespmem:$0x750]  }
0x122: {  	v25 =	vmax.f32 v25, v26;
	v26 =	vld [tilespmem:$0x760]  }
0x123: {  	v25 =	vmax.f32 v25, v27;
	v27 =	vld [tilespmem:$0x770]  }
0x124: {  	v25 =	vmax.f32 v25, v43  }
0x125: {  	v25 =	vmax.f32 v25, v44  }
0x126: {  	v25 =	vmax.f32 v25, v45  }
0x127: {  	v25 =	vmax.f32 v25, v26  }
0x128: {  	v25 =	vmax.f32 v25, v27  }
0x129: {  	(xrf0) =	vmax.scan.msk.f32 $0xffff, v25;
	_ =	sdelay $0x5  }
0x12a: {  	v25, _, _ =	vpop (xrf0)  }
0x12b: {  	v25 =	vbroadcast v25, $0xF;
	_ =	sdelay $0x1  }
0x12c: {  	[tilespmem:v18+s21+$0x0] =	vst.idx.msk $0x1, v25  }
0x12d: {  	v25 =	vld [tilespmem:$0x780]  }
0x12e: {  	v26 =	vld [tilespmem:$0x790]  }
0x12f: {  	v27 =	vld [tilespmem:$0x7A0]  }
0x130: {  	v46 =	vld [tilespmem:$0x7B0]  }
0x131: {  	v47 =	vld [tilespmem:$0x7C0]  }
0x132: {  	v48 =	vld [tilespmem:$0x7D0]  }
0x133: {  	v25 =	vmax.f32 v25, v26;
	v26 =	vld [tilespmem:$0x7E0]  }
0x134: {  	v25 =	vmax.f32 v25, v27;
	v27 =	vld [tilespmem:$0x7F0]  }
0x135: {  	v25 =	vmax.f32 v25, v46  }
0x136: {  	v25 =	vmax.f32 v25, v47  }
0x137: {  	v25 =	vmax.f32 v25, v48  }
0x138: {  	v25 =	vmax.f32 v25, v26  }
0x139: {  	v25 =	vmax.f32 v25, v27  }
0x13a: {  	(xrf0) =	vmax.scan.msk.f32 $0xffff, v25;
	_ =	sdelay $0x5  }
0x13b: {  	v25, _, _ =	vpop (xrf0)  }
0x13c: {  	v25 =	vbroadcast v25, $0xF;
	_ =	sdelay $0x1  }
0x13d: {  	[tilespmem:v19+s21+$0x0] =	vst.idx.msk $0x1, v25  }
0x13e: {  	v25 =	vld [tilespmem:$0x1000];
	_ =	sdelay $0x4  }
0x13f: {  	(xrf0) =	vmax.scan.msk.f32 $0xffff, v25;
	_ =	sdelay $0x5  }
0x140: {  	v26, _, _ =	vpop (xrf0)  }
0x141: {  	v26 =	vbroadcast v26, $0xF;
	_ =	sdelay $0x1  }
0x142: {  	vm1 =	veq.f32 v25, v26  }
0x143: {  	v25 =	vnsel vm1, $0x80000010, v20  }
0x144: {  	(xrf0) =	vmin.scan.msk.u32 $0xffff, v25;
	_ =	sdelay $0x5  }
0x145: {  	v25, _, _ =	vpop (xrf0)  }
0x146: {  	(v2sf) =	vpush v25, $0xF;
	_ =	sdelay $0xe  }
0x147: {  	s25 =	spop (v2sf)  }
0x148: {  	s7 =	sshll.u32 s25, $0x9  }
0x149: {  	s7 =	sshra.s32 s7, $0x2  }
0x14a: {  	v25 =	vld [tilespmem:s7+$0x0];
	_ =	sdelay $0x1  }
0x14b: {  	s8 =	sshll.u32 s25, $0x7;
	v27 =	vld [tilespmem:s7+$0x20]  }
0x14c: {  	v49 =	vor.u32 s8, v17;
	v50 =	vld [tilespmem:s7+$0x10]  }
0x14d: {  	vm1 =	vlt.s32 v49, $0x800  }
0x14e: {  	s9 =	sor.u32 $0x10, s8;
	v28 =	vnsel vm1, $0x800, v49;
	vm1 =	veq.f32 v25, v26;
	v25 =	vld [tilespmem:s7+$0x30]  }
0x14f: {  	v51 =	vor.u32 s9, v17;
	v28 =	vnsel vm1, $0x800, v28  }
0x150: {  	s10 =	sor.u32 $0x20, s8;
	vm2 =	veq.f32 v27, v26;
	v27 =	vld [tilespmem:s7+$0x40];
	vm1 =	vlt.s32 v28, v51  }
0x151: {  	v53 =	vor.u32 s10, v17;
	vm3 =	veq.f32 v50, v26;
	v52 =	vsel vm1, v28, v51  }
0x152: {  	s11 =	sor.u32 $0x30, s8;
	v55 =	vld [tilespmem:s7+$0x50];
	v54 =	vnsel vm2, $0x800, v53;
	v28 =	vsel vm3, v52, v28  }
0x153: {  	vm1 =	vlt.s32 v28, v54;
	vm2 =	veq.f32 v25, v26;
	v25 =	vor.u32 s11, v17  }
0x154: {  	s12 =	sor.u32 $0x40, s8;
	v56 =	vld [tilespmem:s7+$0x60];
	v28 =	vsel vm1, v28, v54;
	v25 =	vnsel vm2, $0x800, v25  }
0x155: {  	vm2 =	veq.f32 v27, v26;
	v27 =	vor.u32 s12, v17;
	vm1 =	vlt.s32 v28, v25  }
0x156: {  	s13 =	sor.u32 $0x50, s8;
	v57 =	vld [tilespmem:s7+$0x70];
	v27 =	vnsel vm2, $0x800, v27;
	v25 =	vsel vm1, v28, v25  }
0x157: {  	v58 =	vor.u32 s13, v17;
	vm2 =	veq.f32 v55, v26;
	vm1 =	vlt.s32 v25, v27  }
0x158: {  	s14 =	sor.u32 $0x60, s8;
	v25 =	vsel vm1, v25, v27;
	v27 =	vnsel vm2, $0x800, v58  }
0x159: {  	v59 =	vor.u32 s14, v17;
	vm2 =	veq.f32 v56, v26;
	vm1 =	vlt.s32 v25, v27  }
0x15a: {  	s8 =	sor.u32 $0x70, s8;
	v25 =	vsel vm1, v25, v27;
	v27 =	vnsel vm2, $0x800, v59  }
0x15b: {  	v60 =	vor.u32 s8, v17;
	vm2 =	veq.f32 v57, v26;
	vm1 =	vlt.s32 v25, v27  }
0x15c: {  	v25 =	vsel vm1, v25, v27;
	v27 =	vnsel vm2, $0x800, v60  }
0x15d: {  	vm1 =	vlt.s32 v25, v27  }
0x15e: {  	v25 =	vsel vm1, v25, v27  }
0x15f: {  	v25 =	vxor.u32 $0x80000000, v25  }
0x160: {  	(xrf0) =	vmin.scan.msk.u32 $0xffff, v25;
	_ =	sdelay $0x5  }
0x161: {  	v25, _, _ =	vpop (xrf0)  }
0x162: {  	(v2sf) =	vpush v25, $0xF;
	_ =	sdelay $0xe  }
0x163: {  	v25 =	vmov s3;
	s15 =	spop (v2sf)  }
0x164: {  	s8 =	sxor.u32 $0x80000000, s15  }
0x165: {  	v27 =	vmov s8;
	_ =	sdelay $0x2  }
0x166: {  	[tilespmem:v25+s22+$0x0] =	vst.idx.msk $0x1, v27  }
0x167: {  	[tilespmem:v25+s23+$0x0] =	vst.idx.msk $0x1, v26  }
0x168: {  	[tilespmem:v27+s3+$0x0] =	vst.idx.msk $0x1, v21  }
0x169: {  	v25 =	vld [tilespmem:s7+$0x0]  }
0x16a: {  	v26 =	vld [tilespmem:s7+$0x10]  }
0x16b: {  	v27 =	vld [tilespmem:s7+$0x20]  }
0x16c: {  	v61 =	vld [tilespmem:s7+$0x30]  }
0x16d: {  	v62 =	vld [tilespmem:s7+$0x40]  }
0x16e: {  	v63 =	vld [tilespmem:s7+$0x50]  }
0x16f: {  	v31 =	vld [tilespmem:s7+$0x60];
	v25 =	vmax.f32 v25, v26  }
0x170: {  	v26 =	vld [tilespmem:s7+$0x70];
	v25 =	vmax.f32 v25, v27  }
0x171: {  	v25 =	vmax.f32 v25, v61  }
0x172: {  	v25 =	vmax.f32 v25, v62  }
0x173: {  	v25 =	vmax.f32 v25, v63  }
0x174: {  	v25 =	vmax.f32 v25, v31  }
0x175: {  	v25 =	vmax.f32 v25, v26  }
0x176: {  	(xrf0) =	vmax.scan.msk.f32 $0xffff, v25;
	_ =	sdelay $0x2  }
0x177: {  	s25 =	sxor.u32 $0x80000000, s25  }
0x178: {  	v25 =	vmov s25;
	_ =	sdelay $0x1  }
0x179: {  	s6 =	simm.s32 $0x1;
	v26, _, _ =	vpop (xrf0)  }
.LBB2_2:
0x17a: {  	p0 =	sne.s32 s6, $0x31;
	v26 =	vbroadcast v26, $0xF;
	s7 =	smov.u32 s6;
	s6 =	sadd.s32 $0x1, s6  }
0x17b: {  	_ = 	snop  }
0x17c: {  	[tilespmem:v25+s21+$0x0] =	vst.idx.msk $0x1, v26  }
0x17d: {  	v26 =	vld [tilespmem:$0x1000];
	_ =	sdelay $0x4  }
0x17e: {  	(xrf0) =	vmax.scan.msk.f32 $0xffff, v26;
	_ =	sdelay $0x5  }
0x17f: {  	v25, _, _ =	vpop (xrf0)  }
0x180: {  	v25 =	vbroadcast v25, $0xF;
	_ =	sdelay $0x1  }
0x181: {  	vm1 =	veq.f32 v26, v25  }
0x182: {  	v26 =	vnsel vm1, $0x80000010, v20  }
0x183: {  	(xrf0) =	vmin.scan.msk.u32 $0xffff, v26;
	_ =	sdelay $0x5  }
0x184: {  	v26, _, _ =	vpop (xrf0)  }
0x185: {  	(v2sf) =	vpush v26, $0xF;
	_ =	sdelay $0xe  }
0x186: {  	s9 =	spop (v2sf)  }
0x187: {  	s8 =	sxor.u32 $0x80000000, s9;
	s10 =	sshll.u32 s9, $0x7;
	s9 =	sshll.u32 s9, $0x9  }
0x188: {  	s9 =	sshra.s32 s9, $0x2;
	v26 =	vor.u32 s10, v17;
	s11 =	sor.u32 $0x10, s10;
	s12 =	sor.u32 $0x20, s10  }
0x189: {  	s13 =	sor.u32 $0x30, s10;
	s25 =	sor.u32 $0x40, s10;
	s14 =	sor.u32 $0x50, s10;
	v27 =	vld [tilespmem:s9+$0x0];
	vm1 =	vlt.s32 v26, $0x800  }
0x18a: {  	s15 =	sor.u32 $0x60, s10;
	s10 =	sor.u32 $0x70, s10;
	v26 =	vnsel vm1, $0x800, v26  }
0x18b: {  	v28 =	vld [tilespmem:s9+$0x20]  }
0x18c: {  	v29 =	vld [tilespmem:s9+$0x10];
	_ =	sdelay $0x1  }
0x18d: {  	vm1 =	veq.f32 v27, v25;
	v27 =	vld [tilespmem:s9+$0x30]  }
0x18e: {  	v30 =	vor.u32 s11, v17;
	v26 =	vnsel vm1, $0x800, v26  }
0x18f: {  	vm1 =	vlt.s32 v26, v30;
	vm2 =	veq.f32 v28, v25;
	v28 =	vld [tilespmem:s9+$0x40]  }
0x190: {  	vm3 =	veq.f32 v29, v25;
	v29 =	vsel vm1, v26, v30;
	v30 =	vor.u32 s12, v17  }
0x191: {  	v26 =	vsel vm3, v29, v26;
	v29 =	vnsel vm2, $0x800, v30;
	v30 =	vld [tilespmem:s9+$0x50]  }
0x192: {  	vm1 =	vlt.s32 v26, v29;
	vm2 =	veq.f32 v27, v25;
	v27 =	vor.u32 s13, v17  }
0x193: {  	v26 =	vsel vm1, v26, v29;
	v27 =	vnsel vm2, $0x800, v27;
	v29 =	vld [tilespmem:s9+$0x60]  }
0x194: {  	vm1 =	vlt.s32 v26, v27;
	vm2 =	veq.f32 v28, v25;
	v28 =	vor.u32 s25, v17  }
0x195: {  	v26 =	vsel vm1, v26, v27;
	v27 =	vnsel vm2, $0x800, v28;
	v28 =	vld [tilespmem:s9+$0x70]  }
0x196: {  	vm1 =	vlt.s32 v26, v27;
	vm2 =	veq.f32 v30, v25;
	v30 =	vor.u32 s14, v17  }
0x197: {  	v26 =	vsel vm1, v26, v27;
	v27 =	vnsel vm2, $0x800, v30  }
0x198: {  	vm1 =	vlt.s32 v26, v27;
	vm2 =	veq.f32 v29, v25;
	v29 =	vor.u32 s15, v17  }
0x199: {  	v26 =	vsel vm1, v26, v27;
	v27 =	vnsel vm2, $0x800, v29  }
0x19a: {  	vm1 =	vlt.s32 v26, v27;
	vm2 =	veq.f32 v28, v25;
	v28 =	vor.u32 s10, v17  }
0x19b: {  	v26 =	vsel vm1, v26, v27;
	v27 =	vnsel vm2, $0x800, v28  }
0x19c: {  	vm1 =	vlt.s32 v26, v27  }
0x19d: {  	v26 =	vsel vm1, v26, v27  }
0x19e: {  	v26 =	vxor.u32 $0x80000000, v26  }
0x19f: {  	(xrf0) =	vmin.scan.msk.u32 $0xffff, v26;
	_ =	sdelay $0x5  }
0x1a0: {  	v26, _, _ =	vpop (xrf0)  }
0x1a1: {  	(v2sf) =	vpush v26, $0xF;
	_ =	sdelay $0xe  }
0x1a2: {  	v26 =	vmov s7;
	s7 =	spop (v2sf)  }
0x1a3: {  	s7 =	sxor.u32 $0x80000000, s7  }
0x1a4: {  	v27 =	vmov s7;
	_ =	sdelay $0x2  }
0x1a5: {  	[tilespmem:v26+s22+$0x0] =	vst.idx.msk $0x1, v27  }
0x1a6: {  	[tilespmem:v26+s23+$0x0] =	vst.idx.msk $0x1, v25  }
0x1a7: {  	[tilespmem:v27+s3+$0x0] =	vst.idx.msk $0x1, v21  }
0x1a8: {  	v25 =	vld [tilespmem:s9+$0x20]  }
0x1a9: {  	v26 =	vld [tilespmem:s9+$0x0]  }
0x1aa: {  	v27 =	vld [tilespmem:s9+$0x10]  }
0x1ab: {  	v28 =	vld [tilespmem:s9+$0x30]  }
0x1ac: {  	v29 =	vld [tilespmem:s9+$0x40]  }
0x1ad: {  	v30 =	vld [tilespmem:s9+$0x50]  }
0x1ae: {  	v31 =	vld [tilespmem:s9+$0x60]  }
0x1af: {  	v26 =	vmax.f32 v26, v27;
	v27 =	vld [tilespmem:s9+$0x70]  }
0x1b0: {  	v25 =	vmax.f32 v26, v25  }
0x1b1: {  	v25 =	vmax.f32 v25, v28  }
0x1b2: {  	v25 =	vmax.f32 v25, v29  }
0x1b3: {  	v25 =	vmax.f32 v25, v30  }
0x1b4: {  	v25 =	vmax.f32 v25, v31  }
0x1b5: {  	v25 =	vmax.f32 v25, v27  }
0x1b6: {  	(xrf0) =	vmax.scan.msk.f32 $0xffff, v25;
	_ =	sdelay $0x1  }
.Ltmp0:
0x1b7: {  	(pc) =	sbr.rel @p0 .LBB2_2-.Ltmp0, $2  }
0x1b8: {  	v25 =	vmov s8;
	_ =	sdelay $0x2  }
0x1b9: {  	v26, _, _ =	vpop (xrf0)  }
0x1ba: {  	_ =	sdelay $0x1  }
0x1bb: {  	v26 =	vbroadcast v26, $0xF;
	_ =	sdelay $0x1  }
0x1bc: {  	[tilespmem:v25+s21+$0x0] =	vst.idx.msk $0x1, v26  }
0x1bd: {  	v25 =	vld [tilespmem:$0x1080];
	_ =	sdelay $0x5  }
0x1be: {  	v26 =	vld [tilespmem:$0x1090];
	_ =	sdelay $0x1  }
0x1bf: {  	v27 =	vld.idx.msk [tilespmem:v25+s20+$0x0], $0xffff;
	_ =	sdelay $0x2  }
0x1c0: {  	v25 =	vadd.s32 v0, v25  }
0x1c1: {  	[tilespmem:$0x1200] =	vst v25  }
0x1c2: {  	v25 =	vld [tilespmem:$0x10A0];
	[tilespmem:$0x1180] =	vst v27  }
0x1c3: {  	v27 =	vld.idx.msk [tilespmem:v26+s20+$0x0], $0xffff;
	_ =	sdelay $0x2  }
0x1c4: {  	v26 =	vadd.s32 v0, v26  }
0x1c5: {  	[tilespmem:$0x1210] =	vst v26;
	v26 =	vld [tilespmem:$0x1200]  }
0x1c6: {  	[tilespmem:$0x1190] =	vst v27;
	v27 =	vld [tilespmem:$0x10B0];
	_ =	sdelay $0x1  }
0x1c7: {  	v28 =	vld.idx.msk [tilespmem:v25+s20+$0x0], $0xffff;
	_ =	sdelay $0x2  }
0x1c8: {  	v29 =	vshll.u32 v26, $0x1;
	v25 =	vadd.s32 v0, v25  }
0x1c9: {  	v26 =	vand.u32 $0x7, v26;
	v32 =	vand.u32 $0xFFFFFFF0, v29;
	[tilespmem:$0x1220] =	vst v25  }
0x1ca: {  	v25 =	vor.u32 v26, v32;
	[tilespmem:$0x11A0] =	vst v28  }
0x1cb: {  	v28 =	vperm.xlane v25, v22;
	v26 =	vld.idx.msk [tilespmem:v27+s20+$0x0], $0xffff;
	_ =	sdelay $0x1  }
0x1cc: {  	v25 =	vperm.xlane v25, v24;
	v28 =	vadd.s32 v23, v28;
	_ =	sdelay $0x1  }
0x1cd: {  	v25 =	vadd.s32 v23, v25  }
0x1ce: {  	[tilespmem:$0x11B0] =	vst v26;
	v26 =	vadd.s32 v0, v27  }
0x1cf: {  	s6 =	simm.s32 $0x0;
	[tilespmem:$0x1230] =	vst v26  }
0x1d0: {  	[tilespmem:s24], [sflag:$0x1] =	stream.indirect_vreg.gather [hbm4b:s1+s6], $0x80, v28, vm0, $0xb8;
	[tilespmem:$0x5280] =	vst v63  }
0x1d1: {  	s7 =	simm.s32 $0x1A80  }
0x1d2: {  	[tilespmem:s7], [sflag:$0x1] =	stream.indirect_vreg.gather [hbm4b:s1+s6], $0x80, v25, vm0, $0xb8;
	[tilespmem:$0x5280] =	vst v63  }
0x1d3: {  	v25 =	vld [tilespmem:$0x1210];
	_ =	sdelay $0x4  }
0x1d4: {  	v26 =	vshll.u32 v25, $0x1  }
0x1d5: {  	v25 =	vand.u32 $0x7, v25;
	v26 =	vand.u32 $0xFFFFFFF0, v26  }
0x1d6: {  	v25 =	vor.u32 v25, v26  }
0x1d7: {  	v26 =	vperm.xlane v25, v22;
	_ =	sdelay $0x1  }
0x1d8: {  	v25 =	vperm.xlane v25, v24;
	v26 =	vadd.s32 v23, v26;
	_ =	sdelay $0x1  }
0x1d9: {  	v25 =	vadd.s32 v23, v25;
	_ =	sdelay $0x2  }
0x1da: {  	[tilespmem:s26], [sflag:$0x1] =	stream.indirect_vreg.gather [hbm4b:s1+s6], $0x80, v26, vm0, $0xb8;
	[tilespmem:$0x5280] =	vst v63  }
0x1db: {  	_ = 	snop  }
0x1dc: {  	[tilespmem:s28], [sflag:$0x1] =	stream.indirect_vreg.gather [hbm4b:s1+s6], $0x80, v25, vm0, $0xb8;
	[tilespmem:$0x5280] =	vst v63  }
0x1dd: {  	v25 =	vld [tilespmem:$0x1220];
	_ =	sdelay $0x4  }
0x1de: {  	v26 =	vshll.u32 v25, $0x1  }
0x1df: {  	v25 =	vand.u32 $0x7, v25;
	v26 =	vand.u32 $0xFFFFFFF0, v26  }
0x1e0: {  	v25 =	vor.u32 v25, v26  }
0x1e1: {  	v26 =	vperm.xlane v25, v22;
	_ =	sdelay $0x1  }
0x1e2: {  	v25 =	vperm.xlane v25, v24;
	v26 =	vadd.s32 v23, v26;
	_ =	sdelay $0x1  }
0x1e3: {  	v25 =	vadd.s32 v23, v25;
	_ =	sdelay $0x2  }
0x1e4: {  	[tilespmem:s29], [sflag:$0x1] =	stream.indirect_vreg.gather [hbm4b:s1+s6], $0x80, v26, vm0, $0xb8;
	[tilespmem:$0x5280] =	vst v63  }
0x1e5: {  	_ = 	snop  }
0x1e6: {  	[tilespmem:s30], [sflag:$0x1] =	stream.indirect_vreg.gather [hbm4b:s1+s6], $0x80, v25, vm0, $0xb8;
	[tilespmem:$0x5280] =	vst v63  }
0x1e7: {  	v25 =	vld [tilespmem:$0x1230];
	_ =	sdelay $0x4  }
0x1e8: {  	v26 =	vshll.u32 v25, $0x1  }
0x1e9: {  	v25 =	vand.u32 $0x7, v25;
	v26 =	vand.u32 $0xFFFFFFF0, v26  }
0x1ea: {  	v25 =	vor.u32 v25, v26  }
0x1eb: {  	v26 =	vperm.xlane v25, v22;
	_ =	sdelay $0x1  }
0x1ec: {  	v25 =	vperm.xlane v25, v24;
	v26 =	vadd.s32 v23, v26;
	_ =	sdelay $0x1  }
0x1ed: {  	v25 =	vadd.s32 v23, v25;
	_ =	sdelay $0x2  }
0x1ee: {  	[tilespmem:s31], [sflag:$0x1] =	stream.indirect_vreg.gather [hbm4b:s1+s6], $0x80, v26, vm0, $0xb8;
	[tilespmem:$0x5280] =	vst v63  }
0x1ef: {  	_ = 	snop  }
0x1f0: {  	[tilespmem:s2], [sflag:$0x1] =	stream.indirect_vreg.gather [hbm4b:s1+s6], $0x80, v25, vm0, $0xb8;
	[tilespmem:$0x5280] =	vst v63  }
0x1f1: {  	_ =	swait.ge [sflag:s0], $0x4000  }
0x1f2: {  	[sflag:s0] =	ssyncset.done $0x0  }
0x1f3: {  	s10 =	rddreg [dreg:$0x9];
	[sflag:s0] =	ssyncadd.s32 $0xFFFFC000  }
0x1f4: {  	[hbm4b:s10+s6] =	stream.linear.scatter [tilespmem:s24], [sflag:$0x2], $0x4000, $0x38;
	[tilespmem:$0x5280] =	vst v63  }
0x1f5: {  	_ =	swait.ge [sflag:s19], $0x4000  }
0x1f6: {  	[sflag:s19] =	ssyncset.done $0x0  }
0x1f7: {  	s11 =	rddreg [dreg:$0xa];
	[sflag:s19] =	ssyncadd.s32 $0xFFFFC000  }
0x1f8: {  	[hbm4b:s11+s6] =	stream.linear.scatter [tilespmem:s22], [sflag:$0x2], $0x80, $0x38;
	[tilespmem:$0x5280] =	vst v63  }
0x1f9: {  	_ =	swait.ge [sflag:s19], $0x80  }
0x1fa: {  	[sflag:s19] =	ssyncset.done $0x0  }
0x1fb: {  	s12 =	rddreg [dreg:$0xb];
	[sflag:s19] =	ssyncadd.s32 $0xFFFFFF80  }
0x1fc: {  	[hbm4b:s12+s6] =	stream.linear.scatter [tilespmem:s23], [sflag:$0x2], $0x80, $0x38;
	[tilespmem:$0x5280] =	vst v63  }
0x1fd: {  	_ =	swait.ge [sflag:s19], $0x80  }
0x1fe: {  	[sflag:s19] =	ssyncset.done $0x0  }
0x1ff: {  	s13 =	rddreg [dreg:$0xc];
	[sflag:s19] =	ssyncadd.s32 $0xFFFFFF80  }
0x200: {  	[hbm4b:s13+s6] =	stream.linear.scatter [tilespmem:s4], [sflag:$0x2], $0x80, $0x38;
	[tilespmem:$0x5280] =	vst v63  }
0x201: {  	_ =	swait.ge [sflag:s19], $0x80  }
0x202: {  	[sflag:s19] =	ssyncset.done $0x0  }
0x203: {  	s14 =	rddreg [dreg:$0xd];
	[sflag:s19] =	ssyncadd.s32 $0xFFFFFF80  }
0x204: {  	[tilespmem:s6], [sflag:$0x2] =	stream.strided.gather [hbm4b:s14+s17], $0x800, s18, s17, $0x38;
	[tilespmem:$0x5280] =	vst v63  }
0x205: {  	_ =	swait.ge [sflag:s19], $0x800  }
0x206: {  	[sflag:s19] =	ssyncset.done $0x0  }
0x207: {  	s15 =	rddreg [dreg:$0xe];
	[sflag:s19] =	ssyncadd.s32 $0xFFFFF800  }
0x208: {  	[tilespmem:s20], [sflag:$0x2] =	stream.strided.gather [hbm4b:s15+s17], $0x800, s18, s17, $0x38;
	[tilespmem:$0x5280] =	vst v63  }
0x209: {  	_ =	swait.ge [sflag:s19], $0x800  }
0x20a: {  	[sflag:s19] =	ssyncset.done $0x0  }
0x20b: {  	[sflag:s19] =	ssyncadd.s32 $0xFFFFF800  }
0x20c: {  	v25 =	vld [tilespmem:$0x0]  }
0x20d: {  	v26 =	vld [tilespmem:$0x10]  }
0x20e: {  	v27 =	vld [tilespmem:$0x20]  }
0x20f: {  	v33 =	vld [tilespmem:$0x30]  }
0x210: {  	v34 =	vld [tilespmem:$0x40]  }
0x211: {  	v30 =	vld [tilespmem:$0x50]  }
0x212: {  	v25 =	vmax.f32 v25, v26;
	v26 =	vld [tilespmem:$0x60]  }
0x213: {  	v25 =	vmax.f32 v25, v27;
	v27 =	vld [tilespmem:$0x70]  }
0x214: {  	v25 =	vmax.f32 v25, v33  }
0x215: {  	v25 =	vmax.f32 v25, v34  }
0x216: {  	v25 =	vmax.f32 v25, v30  }
0x217: {  	v25 =	vmax.f32 v25, v26  }
0x218: {  	v25 =	vmax.f32 v25, v27  }
0x219: {  	(xrf0) =	vmax.scan.msk.f32 $0xffff, v25  }
0x21a: {  	[tilespmem:$0x1080] =	vst v2  }
0x21b: {  	[tilespmem:$0x1100] =	vst v3  }
0x21c: {  	[tilespmem:$0x1090] =	vst v2  }
0x21d: {  	[tilespmem:$0x1110] =	vst v3  }
0x21e: {  	[tilespmem:$0x10A0] =	vst v2  }
0x21f: {  	[tilespmem:$0x1120] =	vst v3;
	v25, _, _ =	vpop (xrf0)  }
0x220: {  	[tilespmem:$0x10B0] =	vst v2;
	v25 =	vbroadcast v25, $0xF  }
0x221: {  	[tilespmem:$0x1130] =	vst v3  }
0x222: {  	[tilespmem:v2+s21+$0x0] =	vst.idx.msk $0x1, v25  }
0x223: {  	v25 =	vld [tilespmem:$0x80]  }
0x224: {  	v26 =	vld [tilespmem:$0x90]  }
0x225: {  	v27 =	vld [tilespmem:$0xA0]  }
0x226: {  	v35 =	vld [tilespmem:$0xB0]  }
0x227: {  	v36 =	vld [tilespmem:$0xC0]  }
0x228: {  	v37 =	vld [tilespmem:$0xD0]  }
0x229: {  	v25 =	vmax.f32 v25, v26;
	v26 =	vld [tilespmem:$0xE0]  }
0x22a: {  	v25 =	vmax.f32 v25, v27;
	v27 =	vld [tilespmem:$0xF0]  }
0x22b: {  	v25 =	vmax.f32 v25, v35  }
0x22c: {  	v25 =	vmax.f32 v25, v36  }
0x22d: {  	v25 =	vmax.f32 v25, v37  }
0x22e: {  	v25 =	vmax.f32 v25, v26  }
0x22f: {  	v25 =	vmax.f32 v25, v27  }
0x230: {  	(xrf0) =	vmax.scan.msk.f32 $0xffff, v25;
	_ =	sdelay $0x5  }
0x231: {  	v25, _, _ =	vpop (xrf0)  }
0x232: {  	v25 =	vbroadcast v25, $0xF;
	_ =	sdelay $0x1  }
0x233: {  	[tilespmem:v4+s21+$0x0] =	vst.idx.msk $0x1, v25  }
0x234: {  	v25 =	vld [tilespmem:$0x100]  }
0x235: {  	v26 =	vld [tilespmem:$0x110]  }
0x236: {  	v27 =	vld [tilespmem:$0x120]  }
0x237: {  	v38 =	vld [tilespmem:$0x130]  }
0x238: {  	v39 =	vld [tilespmem:$0x140]  }
0x239: {  	v40 =	vld [tilespmem:$0x150]  }
0x23a: {  	v25 =	vmax.f32 v25, v26;
	v26 =	vld [tilespmem:$0x160]  }
0x23b: {  	v25 =	vmax.f32 v25, v27;
	v27 =	vld [tilespmem:$0x170]  }
0x23c: {  	v25 =	vmax.f32 v25, v38  }
0x23d: {  	v25 =	vmax.f32 v25, v39  }
0x23e: {  	v25 =	vmax.f32 v25, v40  }
0x23f: {  	v25 =	vmax.f32 v25, v26  }
0x240: {  	v25 =	vmax.f32 v25, v27  }
0x241: {  	(xrf0) =	vmax.scan.msk.f32 $0xffff, v25;
	_ =	sdelay $0x5  }
0x242: {  	v25, _, _ =	vpop (xrf0)  }
0x243: {  	v25 =	vbroadcast v25, $0xF;
	_ =	sdelay $0x1  }
0x244: {  	[tilespmem:v5+s21+$0x0] =	vst.idx.msk $0x1, v25  }
0x245: {  	v25 =	vld [tilespmem:$0x180]  }
0x246: {  	v26 =	vld [tilespmem:$0x190]  }
0x247: {  	v27 =	vld [tilespmem:$0x1A0]  }
0x248: {  	v41 =	vld [tilespmem:$0x1B0]  }
0x249: {  	v42 =	vld [tilespmem:$0x1C0]  }
0x24a: {  	v43 =	vld [tilespmem:$0x1D0]  }
0x24b: {  	v25 =	vmax.f32 v25, v26;
	v26 =	vld [tilespmem:$0x1E0]  }
0x24c: {  	v25 =	vmax.f32 v25, v27;
	v27 =	vld [tilespmem:$0x1F0]  }
0x24d: {  	v25 =	vmax.f32 v25, v41  }
0x24e: {  	v25 =	vmax.f32 v25, v42  }
0x24f: {  	v25 =	vmax.f32 v25, v43  }
0x250: {  	v25 =	vmax.f32 v25, v26  }
0x251: {  	v25 =	vmax.f32 v25, v27  }
0x252: {  	(xrf0) =	vmax.scan.msk.f32 $0xffff, v25;
	_ =	sdelay $0x5  }
0x253: {  	v25, _, _ =	vpop (xrf0)  }
0x254: {  	v25 =	vbroadcast v25, $0xF;
	_ =	sdelay $0x1  }
0x255: {  	[tilespmem:v6+s21+$0x0] =	vst.idx.msk $0x1, v25  }
0x256: {  	v25 =	vld [tilespmem:$0x200]  }
0x257: {  	v26 =	vld [tilespmem:$0x210]  }
0x258: {  	v27 =	vld [tilespmem:$0x220]  }
0x259: {  	v44 =	vld [tilespmem:$0x230]  }
0x25a: {  	v45 =	vld [tilespmem:$0x240]  }
0x25b: {  	v46 =	vld [tilespmem:$0x250]  }
0x25c: {  	v25 =	vmax.f32 v25, v26;
	v26 =	vld [tilespmem:$0x260]  }
0x25d: {  	v25 =	vmax.f32 v25, v27;
	v27 =	vld [tilespmem:$0x270]  }
0x25e: {  	v25 =	vmax.f32 v25, v44  }
0x25f: {  	v25 =	vmax.f32 v25, v45  }
0x260: {  	v25 =	vmax.f32 v25, v46  }
0x261: {  	v25 =	vmax.f32 v25, v26  }
0x262: {  	v25 =	vmax.f32 v25, v27  }
0x263: {  	(xrf0) =	vmax.scan.msk.f32 $0xffff, v25;
	_ =	sdelay $0x5  }
0x264: {  	v25, _, _ =	vpop (xrf0)  }
0x265: {  	v25 =	vbroadcast v25, $0xF;
	_ =	sdelay $0x1  }
0x266: {  	[tilespmem:v7+s21+$0x0] =	vst.idx.msk $0x1, v25  }
0x267: {  	v25 =	vld [tilespmem:$0x280]  }
0x268: {  	v26 =	vld [tilespmem:$0x290]  }
0x269: {  	v27 =	vld [tilespmem:$0x2A0]  }
0x26a: {  	v47 =	vld [tilespmem:$0x2B0]  }
0x26b: {  	v48 =	vld [tilespmem:$0x2C0]  }
0x26c: {  	v49 =	vld [tilespmem:$0x2D0]  }
0x26d: {  	v25 =	vmax.f32 v25, v26;
	v26 =	vld [tilespmem:$0x2E0]  }
0x26e: {  	v25 =	vmax.f32 v25, v27;
	v27 =	vld [tilespmem:$0x2F0]  }
0x26f: {  	v25 =	vmax.f32 v25, v47  }
0x270: {  	v25 =	vmax.f32 v25, v48  }
0x271: {  	v25 =	vmax.f32 v25, v49  }
0x272: {  	v25 =	vmax.f32 v25, v26  }
0x273: {  	v25 =	vmax.f32 v25, v27  }
0x274: {  	(xrf0) =	vmax.scan.msk.f32 $0xffff, v25;
	_ =	sdelay $0x5  }
0x275: {  	v25, _, _ =	vpop (xrf0)  }
0x276: {  	v25 =	vbroadcast v25, $0xF;
	_ =	sdelay $0x1  }
0x277: {  	[tilespmem:v8+s21+$0x0] =	vst.idx.msk $0x1, v25  }
0x278: {  	v25 =	vld [tilespmem:$0x300]  }
0x279: {  	v26 =	vld [tilespmem:$0x310]  }
0x27a: {  	v27 =	vld [tilespmem:$0x320]  }
0x27b: {  	v50 =	vld [tilespmem:$0x330]  }
0x27c: {  	v51 =	vld [tilespmem:$0x340]  }
0x27d: {  	v52 =	vld [tilespmem:$0x350]  }
0x27e: {  	v25 =	vmax.f32 v25, v26;
	v26 =	vld [tilespmem:$0x360]  }
0x27f: {  	v25 =	vmax.f32 v25, v27;
	v27 =	vld [tilespmem:$0x370]  }
0x280: {  	v25 =	vmax.f32 v25, v50  }
0x281: {  	v25 =	vmax.f32 v25, v51  }
0x282: {  	v25 =	vmax.f32 v25, v52  }
0x283: {  	v25 =	vmax.f32 v25, v26  }
0x284: {  	v25 =	vmax.f32 v25, v27  }
0x285: {  	(xrf0) =	vmax.scan.msk.f32 $0xffff, v25;
	_ =	sdelay $0x5  }
0x286: {  	v25, _, _ =	vpop (xrf0)  }
0x287: {  	v25 =	vbroadcast v25, $0xF;
	_ =	sdelay $0x1  }
0x288: {  	[tilespmem:v9+s21+$0x0] =	vst.idx.msk $0x1, v25  }
0x289: {  	v25 =	vld [tilespmem:$0x380]  }
0x28a: {  	v26 =	vld [tilespmem:$0x390]  }
0x28b: {  	v27 =	vld [tilespmem:$0x3A0]  }
0x28c: {  	v53 =	vld [tilespmem:$0x3B0]  }
0x28d: {  	v54 =	vld [tilespmem:$0x3C0]  }
0x28e: {  	v55 =	vld [tilespmem:$0x3D0]  }
0x28f: {  	v25 =	vmax.f32 v25, v26;
	v26 =	vld [tilespmem:$0x3E0]  }
0x290: {  	v25 =	vmax.f32 v25, v27;
	v27 =	vld [tilespmem:$0x3F0]  }
0x291: {  	v25 =	vmax.f32 v25, v53  }
0x292: {  	v25 =	vmax.f32 v25, v54  }
0x293: {  	v25 =	vmax.f32 v25, v55  }
0x294: {  	v25 =	vmax.f32 v25, v26  }
0x295: {  	v25 =	vmax.f32 v25, v27  }
0x296: {  	(xrf0) =	vmax.scan.msk.f32 $0xffff, v25;
	_ =	sdelay $0x5  }
0x297: {  	v25, _, _ =	vpop (xrf0)  }
0x298: {  	v25 =	vbroadcast v25, $0xF;
	_ =	sdelay $0x1  }
0x299: {  	[tilespmem:v10+s21+$0x0] =	vst.idx.msk $0x1, v25  }
0x29a: {  	v25 =	vld [tilespmem:$0x400]  }
0x29b: {  	v26 =	vld [tilespmem:$0x410]  }
0x29c: {  	v27 =	vld [tilespmem:$0x420]  }
0x29d: {  	v56 =	vld [tilespmem:$0x430]  }
0x29e: {  	v57 =	vld [tilespmem:$0x440]  }
0x29f: {  	v58 =	vld [tilespmem:$0x450]  }
0x2a0: {  	v25 =	vmax.f32 v25, v26;
	v26 =	vld [tilespmem:$0x460]  }
0x2a1: {  	v25 =	vmax.f32 v25, v27;
	v27 =	vld [tilespmem:$0x470]  }
0x2a2: {  	v25 =	vmax.f32 v25, v56  }
0x2a3: {  	v25 =	vmax.f32 v25, v57  }
0x2a4: {  	v25 =	vmax.f32 v25, v58  }
0x2a5: {  	v25 =	vmax.f32 v25, v26  }
0x2a6: {  	v25 =	vmax.f32 v25, v27  }
0x2a7: {  	(xrf0) =	vmax.scan.msk.f32 $0xffff, v25;
	_ =	sdelay $0x5  }
0x2a8: {  	v25, _, _ =	vpop (xrf0)  }
0x2a9: {  	v25 =	vbroadcast v25, $0xF;
	_ =	sdelay $0x1  }
0x2aa: {  	[tilespmem:v11+s21+$0x0] =	vst.idx.msk $0x1, v25  }
0x2ab: {  	v25 =	vld [tilespmem:$0x480]  }
0x2ac: {  	v26 =	vld [tilespmem:$0x490]  }
0x2ad: {  	v27 =	vld [tilespmem:$0x4A0]  }
0x2ae: {  	v59 =	vld [tilespmem:$0x4B0]  }
0x2af: {  	v60 =	vld [tilespmem:$0x4C0]  }
0x2b0: {  	v61 =	vld [tilespmem:$0x4D0]  }
0x2b1: {  	v25 =	vmax.f32 v25, v26;
	v26 =	vld [tilespmem:$0x4E0]  }
0x2b2: {  	v25 =	vmax.f32 v25, v27;
	v27 =	vld [tilespmem:$0x4F0]  }
0x2b3: {  	v25 =	vmax.f32 v25, v59  }
0x2b4: {  	v25 =	vmax.f32 v25, v60  }
0x2b5: {  	v25 =	vmax.f32 v25, v61  }
0x2b6: {  	v25 =	vmax.f32 v25, v26  }
0x2b7: {  	v25 =	vmax.f32 v25, v27  }
0x2b8: {  	(xrf0) =	vmax.scan.msk.f32 $0xffff, v25;
	_ =	sdelay $0x5  }
0x2b9: {  	v25, _, _ =	vpop (xrf0)  }
0x2ba: {  	v25 =	vbroadcast v25, $0xF;
	_ =	sdelay $0x1  }
0x2bb: {  	[tilespmem:v12+s21+$0x0] =	vst.idx.msk $0x1, v25  }
0x2bc: {  	v25 =	vld [tilespmem:$0x500]  }
0x2bd: {  	v26 =	vld [tilespmem:$0x510]  }
0x2be: {  	v27 =	vld [tilespmem:$0x520]  }
0x2bf: {  	v62 =	vld [tilespmem:$0x530]  }
0x2c0: {  	v63 =	vld [tilespmem:$0x540]  }
0x2c1: {  	v33 =	vld [tilespmem:$0x550]  }
0x2c2: {  	v25 =	vmax.f32 v25, v26;
	v26 =	vld [tilespmem:$0x560]  }
0x2c3: {  	v25 =	vmax.f32 v25, v27;
	v27 =	vld [tilespmem:$0x570]  }
0x2c4: {  	v25 =	vmax.f32 v25, v62  }
0x2c5: {  	v25 =	vmax.f32 v25, v63  }
0x2c6: {  	v25 =	vmax.f32 v25, v33  }
0x2c7: {  	v25 =	vmax.f32 v25, v26  }
0x2c8: {  	v25 =	vmax.f32 v25, v27  }
0x2c9: {  	(xrf0) =	vmax.scan.msk.f32 $0xffff, v25;
	_ =	sdelay $0x5  }
0x2ca: {  	v25, _, _ =	vpop (xrf0)  }
0x2cb: {  	v25 =	vbroadcast v25, $0xF;
	_ =	sdelay $0x1  }
0x2cc: {  	[tilespmem:v13+s21+$0x0] =	vst.idx.msk $0x1, v25  }
0x2cd: {  	v25 =	vld [tilespmem:$0x580]  }
0x2ce: {  	v26 =	vld [tilespmem:$0x590]  }
0x2cf: {  	v27 =	vld [tilespmem:$0x5A0]  }
0x2d0: {  	v34 =	vld [tilespmem:$0x5B0]  }
0x2d1: {  	v35 =	vld [tilespmem:$0x5C0]  }
0x2d2: {  	v36 =	vld [tilespmem:$0x5D0]  }
0x2d3: {  	v25 =	vmax.f32 v25, v26;
	v26 =	vld [tilespmem:$0x5E0]  }
0x2d4: {  	v25 =	vmax.f32 v25, v27;
	v27 =	vld [tilespmem:$0x5F0]  }
0x2d5: {  	v25 =	vmax.f32 v25, v34  }
0x2d6: {  	v25 =	vmax.f32 v25, v35  }
0x2d7: {  	v25 =	vmax.f32 v25, v36  }
0x2d8: {  	v25 =	vmax.f32 v25, v26  }
0x2d9: {  	v25 =	vmax.f32 v25, v27  }
0x2da: {  	(xrf0) =	vmax.scan.msk.f32 $0xffff, v25;
	_ =	sdelay $0x5  }
0x2db: {  	v25, _, _ =	vpop (xrf0)  }
0x2dc: {  	v25 =	vbroadcast v25, $0xF;
	_ =	sdelay $0x1  }
0x2dd: {  	[tilespmem:v14+s21+$0x0] =	vst.idx.msk $0x1, v25  }
0x2de: {  	v25 =	vld [tilespmem:$0x600]  }
0x2df: {  	v26 =	vld [tilespmem:$0x610]  }
0x2e0: {  	v27 =	vld [tilespmem:$0x620]  }
0x2e1: {  	v37 =	vld [tilespmem:$0x630]  }
0x2e2: {  	v38 =	vld [tilespmem:$0x640]  }
0x2e3: {  	v39 =	vld [tilespmem:$0x650]  }
0x2e4: {  	v25 =	vmax.f32 v25, v26;
	v26 =	vld [tilespmem:$0x660]  }
0x2e5: {  	v25 =	vmax.f32 v25, v27;
	v27 =	vld [tilespmem:$0x670]  }
0x2e6: {  	v25 =	vmax.f32 v25, v37  }
0x2e7: {  	v25 =	vmax.f32 v25, v38  }
0x2e8: {  	v25 =	vmax.f32 v25, v39  }
0x2e9: {  	v25 =	vmax.f32 v25, v26  }
0x2ea: {  	v25 =	vmax.f32 v25, v27  }
0x2eb: {  	(xrf0) =	vmax.scan.msk.f32 $0xffff, v25;
	_ =	sdelay $0x5  }
0x2ec: {  	v25, _, _ =	vpop (xrf0)  }
0x2ed: {  	v25 =	vbroadcast v25, $0xF;
	_ =	sdelay $0x1  }
0x2ee: {  	[tilespmem:v15+s21+$0x0] =	vst.idx.msk $0x1, v25  }
0x2ef: {  	v25 =	vld [tilespmem:$0x680]  }
0x2f0: {  	v26 =	vld [tilespmem:$0x690]  }
0x2f1: {  	v27 =	vld [tilespmem:$0x6A0]  }
0x2f2: {  	v40 =	vld [tilespmem:$0x6B0]  }
0x2f3: {  	v41 =	vld [tilespmem:$0x6C0]  }
0x2f4: {  	v42 =	vld [tilespmem:$0x6D0]  }
0x2f5: {  	v25 =	vmax.f32 v25, v26;
	v26 =	vld [tilespmem:$0x6E0]  }
0x2f6: {  	v25 =	vmax.f32 v25, v27;
	v27 =	vld [tilespmem:$0x6F0]  }
0x2f7: {  	v25 =	vmax.f32 v25, v40  }
0x2f8: {  	v25 =	vmax.f32 v25, v41  }
0x2f9: {  	v25 =	vmax.f32 v25, v42  }
0x2fa: {  	v25 =	vmax.f32 v25, v26  }
0x2fb: {  	v25 =	vmax.f32 v25, v27  }
0x2fc: {  	(xrf0) =	vmax.scan.msk.f32 $0xffff, v25;
	_ =	sdelay $0x5  }
0x2fd: {  	v25, _, _ =	vpop (xrf0)  }
0x2fe: {  	v25 =	vbroadcast v25, $0xF;
	_ =	sdelay $0x1  }
0x2ff: {  	[tilespmem:v16+s21+$0x0] =	vst.idx.msk $0x1, v25  }
0x300: {  	v25 =	vld [tilespmem:$0x700]  }
0x301: {  	v26 =	vld [tilespmem:$0x710]  }
0x302: {  	v27 =	vld [tilespmem:$0x720]  }
0x303: {  	v43 =	vld [tilespmem:$0x730]  }
0x304: {  	v44 =	vld [tilespmem:$0x740]  }
0x305: {  	v45 =	vld [tilespmem:$0x750]  }
0x306: {  	v25 =	vmax.f32 v25, v26;
	v26 =	vld [tilespmem:$0x760]  }
0x307: {  	v25 =	vmax.f32 v25, v27;
	v27 =	vld [tilespmem:$0x770]  }
0x308: {  	v25 =	vmax.f32 v25, v43  }
0x309: {  	v25 =	vmax.f32 v25, v44  }
0x30a: {  	v25 =	vmax.f32 v25, v45  }
0x30b: {  	v25 =	vmax.f32 v25, v26  }
0x30c: {  	v25 =	vmax.f32 v25, v27  }
0x30d: {  	(xrf0) =	vmax.scan.msk.f32 $0xffff, v25;
	_ =	sdelay $0x5  }
0x30e: {  	v25, _, _ =	vpop (xrf0)  }
0x30f: {  	v25 =	vbroadcast v25, $0xF;
	_ =	sdelay $0x1  }
0x310: {  	[tilespmem:v18+s21+$0x0] =	vst.idx.msk $0x1, v25  }
0x311: {  	v25 =	vld [tilespmem:$0x780]  }
0x312: {  	v26 =	vld [tilespmem:$0x790]  }
0x313: {  	v27 =	vld [tilespmem:$0x7A0]  }
0x314: {  	v46 =	vld [tilespmem:$0x7B0]  }
0x315: {  	v47 =	vld [tilespmem:$0x7C0]  }
0x316: {  	v48 =	vld [tilespmem:$0x7D0]  }
0x317: {  	v25 =	vmax.f32 v25, v26;
	v26 =	vld [tilespmem:$0x7E0]  }
0x318: {  	v25 =	vmax.f32 v25, v27;
	v27 =	vld [tilespmem:$0x7F0]  }
0x319: {  	v25 =	vmax.f32 v25, v46  }
0x31a: {  	v25 =	vmax.f32 v25, v47  }
0x31b: {  	v25 =	vmax.f32 v25, v48  }
0x31c: {  	v25 =	vmax.f32 v25, v26  }
0x31d: {  	v25 =	vmax.f32 v25, v27  }
0x31e: {  	(xrf0) =	vmax.scan.msk.f32 $0xffff, v25;
	_ =	sdelay $0x5  }
0x31f: {  	v25, _, _ =	vpop (xrf0)  }
0x320: {  	v25 =	vbroadcast v25, $0xF;
	_ =	sdelay $0x1  }
0x321: {  	[tilespmem:v19+s21+$0x0] =	vst.idx.msk $0x1, v25  }
0x322: {  	v25 =	vld [tilespmem:$0x1000];
	_ =	sdelay $0x4  }
0x323: {  	(xrf0) =	vmax.scan.msk.f32 $0xffff, v25;
	_ =	sdelay $0x5  }
0x324: {  	v26, _, _ =	vpop (xrf0)  }
0x325: {  	v26 =	vbroadcast v26, $0xF;
	_ =	sdelay $0x1  }
0x326: {  	vm1 =	veq.f32 v25, v26  }
0x327: {  	v25 =	vnsel vm1, $0x80000010, v20  }
0x328: {  	(xrf0) =	vmin.scan.msk.u32 $0xffff, v25;
	_ =	sdelay $0x5  }
0x329: {  	v25, _, _ =	vpop (xrf0)  }
0x32a: {  	(v2sf) =	vpush v25, $0xF;
	_ =	sdelay $0xe  }
0x32b: {  	s7 =	spop (v2sf)  }
0x32c: {  	s8 =	sshll.u32 s7, $0x9  }
0x32d: {  	s8 =	sshra.s32 s8, $0x2  }
0x32e: {  	v25 =	vld [tilespmem:s8+$0x0];
	_ =	sdelay $0x1  }
0x32f: {  	s9 =	sshll.u32 s7, $0x7;
	v27 =	vld [tilespmem:s8+$0x20]  }
0x330: {  	v49 =	vor.u32 s9, v17;
	v50 =	vld [tilespmem:s8+$0x10]  }
0x331: {  	vm1 =	vlt.s32 v49, $0x800  }
0x332: {  	s10 =	sor.u32 $0x10, s9;
	v28 =	vnsel vm1, $0x800, v49;
	vm1 =	veq.f32 v25, v26;
	v25 =	vld [tilespmem:s8+$0x30]  }
0x333: {  	v51 =	vor.u32 s10, v17;
	v28 =	vnsel vm1, $0x800, v28  }
0x334: {  	s25 =	sor.u32 $0x20, s9;
	vm2 =	veq.f32 v27, v26;
	v27 =	vld [tilespmem:s8+$0x40];
	vm1 =	vlt.s32 v28, v51  }
0x335: {  	v53 =	vor.u32 s25, v17;
	vm3 =	veq.f32 v50, v26;
	v52 =	vsel vm1, v28, v51  }
0x336: {  	s11 =	sor.u32 $0x30, s9;
	v55 =	vld [tilespmem:s8+$0x50];
	v54 =	vnsel vm2, $0x800, v53;
	v28 =	vsel vm3, v52, v28  }
0x337: {  	vm1 =	vlt.s32 v28, v54;
	vm2 =	veq.f32 v25, v26;
	v25 =	vor.u32 s11, v17  }
0x338: {  	s12 =	sor.u32 $0x40, s9;
	v56 =	vld [tilespmem:s8+$0x60];
	v28 =	vsel vm1, v28, v54;
	v25 =	vnsel vm2, $0x800, v25  }
0x339: {  	vm2 =	veq.f32 v27, v26;
	v27 =	vor.u32 s12, v17;
	vm1 =	vlt.s32 v28, v25  }
0x33a: {  	s13 =	sor.u32 $0x50, s9;
	v57 =	vld [tilespmem:s8+$0x70];
	v27 =	vnsel vm2, $0x800, v27;
	v25 =	vsel vm1, v28, v25  }
0x33b: {  	v58 =	vor.u32 s13, v17;
	vm2 =	veq.f32 v55, v26;
	vm1 =	vlt.s32 v25, v27  }
0x33c: {  	s14 =	sor.u32 $0x60, s9;
	v25 =	vsel vm1, v25, v27;
	v27 =	vnsel vm2, $0x800, v58  }
0x33d: {  	v59 =	vor.u32 s14, v17;
	vm2 =	veq.f32 v56, v26;
	vm1 =	vlt.s32 v25, v27  }
0x33e: {  	s9 =	sor.u32 $0x70, s9;
	v25 =	vsel vm1, v25, v27;
	v27 =	vnsel vm2, $0x800, v59  }
0x33f: {  	v60 =	vor.u32 s9, v17;
	vm2 =	veq.f32 v57, v26;
	vm1 =	vlt.s32 v25, v27  }
0x340: {  	v25 =	vsel vm1, v25, v27;
	v27 =	vnsel vm2, $0x800, v60  }
0x341: {  	vm1 =	vlt.s32 v25, v27  }
0x342: {  	v25 =	vsel vm1, v25, v27  }
0x343: {  	v25 =	vxor.u32 $0x80000000, v25  }
0x344: {  	(xrf0) =	vmin.scan.msk.u32 $0xffff, v25;
	_ =	sdelay $0x5  }
0x345: {  	v25, _, _ =	vpop (xrf0)  }
0x346: {  	(v2sf) =	vpush v25, $0xF;
	_ =	sdelay $0xe  }
0x347: {  	v25 =	vmov s6;
	s15 =	spop (v2sf)  }
0x348: {  	s6 =	sxor.u32 $0x80000000, s15  }
0x349: {  	v27 =	vmov s6;
	_ =	sdelay $0x2  }
0x34a: {  	[tilespmem:v25+s22+$0x0] =	vst.idx.msk $0x1, v27  }
0x34b: {  	[tilespmem:v25+s23+$0x0] =	vst.idx.msk $0x1, v26  }
0x34c: {  	[tilespmem:v27+s3+$0x0] =	vst.idx.msk $0x1, v21  }
0x34d: {  	v25 =	vld [tilespmem:s8+$0x0]  }
0x34e: {  	v26 =	vld [tilespmem:s8+$0x10]  }
0x34f: {  	v27 =	vld [tilespmem:s8+$0x20]  }
0x350: {  	v61 =	vld [tilespmem:s8+$0x30]  }
0x351: {  	v62 =	vld [tilespmem:s8+$0x40]  }
0x352: {  	v63 =	vld [tilespmem:s8+$0x50]  }
0x353: {  	v31 =	vld [tilespmem:s8+$0x60];
	v25 =	vmax.f32 v25, v26  }
0x354: {  	v26 =	vld [tilespmem:s8+$0x70];
	v25 =	vmax.f32 v25, v27  }
0x355: {  	v25 =	vmax.f32 v25, v61  }
0x356: {  	v25 =	vmax.f32 v25, v62  }
0x357: {  	v25 =	vmax.f32 v25, v63  }
0x358: {  	v25 =	vmax.f32 v25, v31  }
0x359: {  	v25 =	vmax.f32 v25, v26  }
0x35a: {  	(xrf0) =	vmax.scan.msk.f32 $0xffff, v25;
	_ =	sdelay $0x2  }
0x35b: {  	s25 =	sxor.u32 $0x80000000, s7  }
0x35c: {  	v25 =	vmov s25;
	_ =	sdelay $0x1  }
0x35d: {  	s6 =	simm.s32 $0x1;
	v26, _, _ =	vpop (xrf0)  }
.LBB2_4:
0x35e: {  	p0 =	sne.s32 s6, $0x31;
	v26 =	vbroadcast v26, $0xF;
	s7 =	smov.u32 s6;
	s6 =	sadd.s32 $0x1, s6  }
0x35f: {  	_ = 	snop  }
0x360: {  	[tilespmem:v25+s21+$0x0] =	vst.idx.msk $0x1, v26  }
0x361: {  	v26 =	vld [tilespmem:$0x1000];
	_ =	sdelay $0x4  }
0x362: {  	(xrf0) =	vmax.scan.msk.f32 $0xffff, v26;
	_ =	sdelay $0x5  }
0x363: {  	v25, _, _ =	vpop (xrf0)  }
0x364: {  	v25 =	vbroadcast v25, $0xF;
	_ =	sdelay $0x1  }
0x365: {  	vm1 =	veq.f32 v26, v25  }
0x366: {  	v26 =	vnsel vm1, $0x80000010, v20  }
0x367: {  	(xrf0) =	vmin.scan.msk.u32 $0xffff, v26;
	_ =	sdelay $0x5  }
0x368: {  	v26, _, _ =	vpop (xrf0)  }
0x369: {  	(v2sf) =	vpush v26, $0xF;
	_ =	sdelay $0xe  }
0x36a: {  	s9 =	spop (v2sf)  }
0x36b: {  	s8 =	sxor.u32 $0x80000000, s9;
	s10 =	sshll.u32 s9, $0x7;
	s9 =	sshll.u32 s9, $0x9  }
0x36c: {  	s9 =	sshra.s32 s9, $0x2;
	v26 =	vor.u32 s10, v17;
	s11 =	sor.u32 $0x10, s10;
	s12 =	sor.u32 $0x20, s10  }
0x36d: {  	s13 =	sor.u32 $0x30, s10;
	s14 =	sor.u32 $0x40, s10;
	s15 =	sor.u32 $0x50, s10;
	v27 =	vld [tilespmem:s9+$0x0];
	vm1 =	vlt.s32 v26, $0x800  }
0x36e: {  	s25 =	sor.u32 $0x60, s10;
	s10 =	sor.u32 $0x70, s10;
	v26 =	vnsel vm1, $0x800, v26  }
0x36f: {  	v28 =	vld [tilespmem:s9+$0x20]  }
0x370: {  	v29 =	vld [tilespmem:s9+$0x10];
	_ =	sdelay $0x1  }
0x371: {  	vm1 =	veq.f32 v27, v25;
	v27 =	vld [tilespmem:s9+$0x30]  }
0x372: {  	v30 =	vor.u32 s11, v17;
	v26 =	vnsel vm1, $0x800, v26  }
0x373: {  	vm1 =	vlt.s32 v26, v30;
	vm2 =	veq.f32 v28, v25;
	v28 =	vld [tilespmem:s9+$0x40]  }
0x374: {  	vm3 =	veq.f32 v29, v25;
	v29 =	vsel vm1, v26, v30;
	v30 =	vor.u32 s12, v17  }
0x375: {  	v26 =	vsel vm3, v29, v26;
	v29 =	vnsel vm2, $0x800, v30;
	v30 =	vld [tilespmem:s9+$0x50]  }
0x376: {  	vm1 =	vlt.s32 v26, v29;
	vm2 =	veq.f32 v27, v25;
	v27 =	vor.u32 s13, v17  }
0x377: {  	v26 =	vsel vm1, v26, v29;
	v27 =	vnsel vm2, $0x800, v27;
	v29 =	vld [tilespmem:s9+$0x60]  }
0x378: {  	vm1 =	vlt.s32 v26, v27;
	vm2 =	veq.f32 v28, v25;
	v28 =	vor.u32 s14, v17  }
0x379: {  	v26 =	vsel vm1, v26, v27;
	v27 =	vnsel vm2, $0x800, v28;
	v28 =	vld [tilespmem:s9+$0x70]  }
0x37a: {  	vm1 =	vlt.s32 v26, v27;
	vm2 =	veq.f32 v30, v25;
	v30 =	vor.u32 s15, v17  }
0x37b: {  	v26 =	vsel vm1, v26, v27;
	v27 =	vnsel vm2, $0x800, v30  }
0x37c: {  	vm1 =	vlt.s32 v26, v27;
	vm2 =	veq.f32 v29, v25;
	v29 =	vor.u32 s25, v17  }
0x37d: {  	v26 =	vsel vm1, v26, v27;
	v27 =	vnsel vm2, $0x800, v29  }
0x37e: {  	vm1 =	vlt.s32 v26, v27;
	vm2 =	veq.f32 v28, v25;
	v28 =	vor.u32 s10, v17  }
0x37f: {  	v26 =	vsel vm1, v26, v27;
	v27 =	vnsel vm2, $0x800, v28  }
0x380: {  	vm1 =	vlt.s32 v26, v27  }
0x381: {  	v26 =	vsel vm1, v26, v27  }
0x382: {  	v26 =	vxor.u32 $0x80000000, v26  }
0x383: {  	(xrf0) =	vmin.scan.msk.u32 $0xffff, v26;
	_ =	sdelay $0x5  }
0x384: {  	v26, _, _ =	vpop (xrf0)  }
0x385: {  	(v2sf) =	vpush v26, $0xF;
	_ =	sdelay $0xe  }
0x386: {  	v26 =	vmov s7;
	s7 =	spop (v2sf)  }
0x387: {  	s7 =	sxor.u32 $0x80000000, s7  }
0x388: {  	v27 =	vmov s7;
	_ =	sdelay $0x2  }
0x389: {  	[tilespmem:v26+s22+$0x0] =	vst.idx.msk $0x1, v27  }
0x38a: {  	[tilespmem:v26+s23+$0x0] =	vst.idx.msk $0x1, v25  }
0x38b: {  	[tilespmem:v27+s3+$0x0] =	vst.idx.msk $0x1, v21  }
0x38c: {  	v25 =	vld [tilespmem:s9+$0x20]  }
0x38d: {  	v26 =	vld [tilespmem:s9+$0x0]  }
0x38e: {  	v27 =	vld [tilespmem:s9+$0x10]  }
0x38f: {  	v28 =	vld [tilespmem:s9+$0x30]  }
0x390: {  	v29 =	vld [tilespmem:s9+$0x40]  }
0x391: {  	v30 =	vld [tilespmem:s9+$0x50]  }
0x392: {  	v31 =	vld [tilespmem:s9+$0x60]  }
0x393: {  	v26 =	vmax.f32 v26, v27;
	v27 =	vld [tilespmem:s9+$0x70]  }
0x394: {  	v25 =	vmax.f32 v26, v25  }
0x395: {  	v25 =	vmax.f32 v25, v28  }
0x396: {  	v25 =	vmax.f32 v25, v29  }
0x397: {  	v25 =	vmax.f32 v25, v30  }
0x398: {  	v25 =	vmax.f32 v25, v31  }
0x399: {  	v25 =	vmax.f32 v25, v27  }
0x39a: {  	(xrf0) =	vmax.scan.msk.f32 $0xffff, v25;
	_ =	sdelay $0x1  }
.Ltmp1:
0x39b: {  	(pc) =	sbr.rel @p0 .LBB2_4-.Ltmp1, $2  }
0x39c: {  	v25 =	vmov s8;
	_ =	sdelay $0x2  }
0x39d: {  	v26, _, _ =	vpop (xrf0)  }
0x39e: {  	_ =	sdelay $0x1  }
0x39f: {  	v26 =	vbroadcast v26, $0xF;
	_ =	sdelay $0x1  }
0x3a0: {  	[tilespmem:v25+s21+$0x0] =	vst.idx.msk $0x1, v26  }
0x3a1: {  	v25 =	vld [tilespmem:$0x1080];
	_ =	sdelay $0x5  }
0x3a2: {  	v26 =	vld [tilespmem:$0x1090];
	_ =	sdelay $0x1  }
0x3a3: {  	v27 =	vld.idx.msk [tilespmem:v25+s20+$0x0], $0xffff;
	_ =	sdelay $0x2  }
0x3a4: {  	v25 =	vadd.s32 v1, v25  }
0x3a5: {  	[tilespmem:$0x1200] =	vst v25  }
0x3a6: {  	v25 =	vld [tilespmem:$0x10A0];
	[tilespmem:$0x1180] =	vst v27  }
0x3a7: {  	v27 =	vld.idx.msk [tilespmem:v26+s20+$0x0], $0xffff;
	_ =	sdelay $0x2  }
0x3a8: {  	v26 =	vadd.s32 v1, v26  }
0x3a9: {  	[tilespmem:$0x1210] =	vst v26;
	v26 =	vld [tilespmem:$0x1200]  }
0x3aa: {  	[tilespmem:$0x1190] =	vst v27;
	v27 =	vld [tilespmem:$0x10B0];
	_ =	sdelay $0x1  }
0x3ab: {  	v28 =	vld.idx.msk [tilespmem:v25+s20+$0x0], $0xffff;
	_ =	sdelay $0x2  }
0x3ac: {  	v29 =	vshll.u32 v26, $0x1;
	v25 =	vadd.s32 v1, v25  }
0x3ad: {  	v26 =	vand.u32 $0x7, v26;
	v63 =	vand.u32 $0xFFFFFFF0, v29;
	[tilespmem:$0x1220] =	vst v25  }
0x3ae: {  	v25 =	vor.u32 v26, v63;
	[tilespmem:$0x11A0] =	vst v28  }
0x3af: {  	v28 =	vperm.xlane v25, v22;
	v26 =	vld.idx.msk [tilespmem:v27+s20+$0x0], $0xffff;
	_ =	sdelay $0x1  }
0x3b0: {  	v25 =	vperm.xlane v25, v24;
	v28 =	vadd.s32 v23, v28;
	_ =	sdelay $0x1  }
0x3b1: {  	v25 =	vadd.s32 v23, v25  }
0x3b2: {  	[tilespmem:$0x11B0] =	vst v26;
	v26 =	vadd.s32 v1, v27  }
0x3b3: {  	[tilespmem:$0x1230] =	vst v26  }
0x3b4: {  	[tilespmem:s24], [sflag:$0x1] =	stream.indirect_vreg.gather [hbm4b:s1+s3], $0x80, v28, vm0, $0xb8;
	[tilespmem:$0x5280] =	vst v63  }
0x3b5: {  	s6 =	simm.s32 $0x1A80  }
0x3b6: {  	[tilespmem:s6], [sflag:$0x1] =	stream.indirect_vreg.gather [hbm4b:s1+s3], $0x80, v25, vm0, $0xb8;
	[tilespmem:$0x5280] =	vst v63  }
0x3b7: {  	v25 =	vld [tilespmem:$0x1210];
	_ =	sdelay $0x4  }
0x3b8: {  	v26 =	vshll.u32 v25, $0x1  }
0x3b9: {  	v25 =	vand.u32 $0x7, v25;
	v26 =	vand.u32 $0xFFFFFFF0, v26  }
0x3ba: {  	v25 =	vor.u32 v25, v26  }
0x3bb: {  	v26 =	vperm.xlane v25, v22;
	_ =	sdelay $0x1  }
0x3bc: {  	v25 =	vperm.xlane v25, v24;
	v26 =	vadd.s32 v23, v26;
	_ =	sdelay $0x1  }
0x3bd: {  	v25 =	vadd.s32 v23, v25;
	_ =	sdelay $0x2  }
0x3be: {  	[tilespmem:s26], [sflag:$0x1] =	stream.indirect_vreg.gather [hbm4b:s1+s3], $0x80, v26, vm0, $0xb8;
	[tilespmem:$0x5280] =	vst v63  }
0x3bf: {  	_ = 	snop  }
0x3c0: {  	[tilespmem:s28], [sflag:$0x1] =	stream.indirect_vreg.gather [hbm4b:s1+s3], $0x80, v25, vm0, $0xb8;
	[tilespmem:$0x5280] =	vst v63  }
0x3c1: {  	v25 =	vld [tilespmem:$0x1220];
	_ =	sdelay $0x4  }
0x3c2: {  	v26 =	vshll.u32 v25, $0x1  }
0x3c3: {  	v25 =	vand.u32 $0x7, v25;
	v26 =	vand.u32 $0xFFFFFFF0, v26  }
0x3c4: {  	v25 =	vor.u32 v25, v26  }
0x3c5: {  	v26 =	vperm.xlane v25, v22;
	_ =	sdelay $0x1  }
0x3c6: {  	v25 =	vperm.xlane v25, v24;
	v26 =	vadd.s32 v23, v26;
	_ =	sdelay $0x1  }
0x3c7: {  	v25 =	vadd.s32 v23, v25;
	_ =	sdelay $0x2  }
0x3c8: {  	[tilespmem:s29], [sflag:$0x1] =	stream.indirect_vreg.gather [hbm4b:s1+s3], $0x80, v26, vm0, $0xb8;
	[tilespmem:$0x5280] =	vst v63  }
0x3c9: {  	_ = 	snop  }
0x3ca: {  	[tilespmem:s30], [sflag:$0x1] =	stream.indirect_vreg.gather [hbm4b:s1+s3], $0x80, v25, vm0, $0xb8;
	[tilespmem:$0x5280] =	vst v63  }
0x3cb: {  	v25 =	vld [tilespmem:$0x1230];
	_ =	sdelay $0x4  }
0x3cc: {  	v26 =	vshll.u32 v25, $0x1  }
0x3cd: {  	v25 =	vand.u32 $0x7, v25;
	v26 =	vand.u32 $0xFFFFFFF0, v26  }
0x3ce: {  	v25 =	vor.u32 v25, v26  }
0x3cf: {  	v26 =	vperm.xlane v25, v22;
	_ =	sdelay $0x1  }
0x3d0: {  	v25 =	vperm.xlane v25, v24;
	v26 =	vadd.s32 v23, v26;
	_ =	sdelay $0x1  }
0x3d1: {  	v25 =	vadd.s32 v23, v25;
	_ =	sdelay $0x2  }
0x3d2: {  	[tilespmem:s31], [sflag:$0x1] =	stream.indirect_vreg.gather [hbm4b:s1+s3], $0x80, v26, vm0, $0xb8;
	[tilespmem:$0x5280] =	vst v63  }
0x3d3: {  	_ = 	snop  }
0x3d4: {  	[tilespmem:s2], [sflag:$0x1] =	stream.indirect_vreg.gather [hbm4b:s1+s3], $0x80, v25, vm0, $0xb8;
	[tilespmem:$0x5280] =	vst v63  }
0x3d5: {  	_ =	swait.ge [sflag:s0], $0x4000  }
0x3d6: {  	[sflag:s0] =	ssyncset.done $0x0  }
0x3d7: {  	s13 =	rddreg [dreg:$0xf];
	[sflag:s0] =	ssyncadd.s32 $0xFFFFC000  }
0x3d8: {  	[hbm4b:s13+s3] =	stream.linear.scatter [tilespmem:s24], [sflag:$0x2], $0x4000, $0x38;
	[tilespmem:$0x5280] =	vst v63  }
0x3d9: {  	_ =	swait.ge [sflag:s19], $0x4000  }
0x3da: {  	[sflag:s19] =	ssyncset.done $0x0  }
0x3db: {  	s14 =	rddreg [dreg:$0x10];
	[sflag:s19] =	ssyncadd.s32 $0xFFFFC000  }
0x3dc: {  	[hbm4b:s14+s3] =	stream.linear.scatter [tilespmem:s22], [sflag:$0x2], $0x80, $0x38;
	[tilespmem:$0x5280] =	vst v63  }
0x3dd: {  	_ =	swait.ge [sflag:s19], $0x80  }
0x3de: {  	[sflag:s19] =	ssyncset.done $0x0  }
0x3df: {  	s15 =	rddreg [dreg:$0x11];
	[sflag:s19] =	ssyncadd.s32 $0xFFFFFF80  }
0x3e0: {  	[hbm4b:s15+s3] =	stream.linear.scatter [tilespmem:s23], [sflag:$0x2], $0x80, $0x38;
	[tilespmem:$0x5280] =	vst v63  }
0x3e1: {  	s5 =	sadd.s32 $0x1, s5;
	_ =	swait.ge [sflag:s19], $0x80  }
0x3e2: {  	p0 =	sne.s32 s5, s16;
	[sflag:s19] =	ssyncset.done $0x0  }
.Ltmp2:
0x3e3: {  	s25 =	rddreg [dreg:$0x12];
	[sflag:s19] =	ssyncadd.s32 $0xFFFFFF80;
	(pc) =	sbr.rel @p0 .LBB2_1-.Ltmp2, $4  }
0x3e4: {  	[hbm4b:s25+s3] =	stream.linear.scatter [tilespmem:s4], [sflag:$0x2], $0x80, $0x38;
	[tilespmem:$0x5280] =	vst v63  }
0x3e5: {  	_ =	swait.ge [sflag:s19], $0x80  }
0x3e6: {  	[sflag:s19] =	ssyncset.done $0x0  }
0x3e7: {  	[sflag:s19] =	ssyncadd.s32 $0xFFFFFF80  }
0x3e8: {  	_ =	sfence.sel $0x180000  }
0x3e9: {  	[bflag:$0x0] =	sbarrier.arrive $0xFFFF  }
0x3ea: {  	_ =	strace $0x90000047  }
0x3eb: {  	s0 =	stileid.u32;
	[bflag:$0x2] =	sbarrier.arrive $0xFFFF  }
0x3ec: {  	p0 =	sne.s32 s0, $0x0;
	s0 =	rddreg [dreg:$0x6]  }
0x3ed: {  	s0 =	sadd.s32 @!p0 $0x100000, s0  }
0x3ee: {  	[sflag:s0] =	ssyncadd.tile.s32 @!p0 $0x1;
	_ =	shalt  }
.Lfunc_end2:
_tile_overlayer_lowered:
.L_overlay_start_2:
0x3ef: {  	(tag) =	ssettag $0x2  }
0x3f0: {  	s0 =	rddreg [dreg:$0x0];
	s2 =	stileid.u32  }
0x3f1: {  	s1 =	rddreg [dreg:$0x1];
	p0 =	sne.s32 s2, $0x0  }
0x3f2: {  	s3 =	rddreg [dreg:$0x2];
	[bflag:$0x3] =	sbarrier.arrive $0xFFFF;
	s2 =	simm.s32 @!p0 $0x1C02  }
0x3f3: {  	[timem:s3], [sflag:s2] =	dma.local @!p0 [hbm:s0], s1  }
0x3f4: {  	s0 =	simm.s32 @!p0 $0x2  }
0x3f5: {  	_ =	swait.ge @!p0 [sflag:s0], s1  }
0x3f6: {  	s1 =	ssub.s32 @!p0 $0x0, s1;
	[sflag:s0] =	ssyncset.done @!p0 $0x0  }
0x3f7: {  	[sflag:s0] =	ssyncadd.s32 @!p0 s1  }
0x3f8: {  	[bflag:$0x3] =	sbarrier.arrive $0xFFFF  }
0x3f9: {  	_ =	shalt  }

</sc_bundles>
